<compile_context>
chip_gen: v7x
topology: tpu7x:2x2x1
jax: 0.10.2.dev20260603
libtpu: 0.0.44.dev20260713+nightly
codegen_flags: <defaults>
</compile_context>

<pallas_src>
import functools

import numpy as np

import jax
import jax.numpy as jnp
from jax import lax
from jax.experimental import pallas as pl
from jax.experimental.pallas import tpu as pltpu
from jax.experimental.pallas import tpu_sc as plsc

_DG = 8
_R = 64
_NBUF = 4
_S_TC_FRAC_NUM = 5
_S_TC_FRAC_DEN = 8
_TC_BLK = 256


def _rotl(x, d):
    return ((x << np.uint32(d)) | (x >> np.uint32(32 - d))).astype(np.uint32)


def _threefry2x32(k1, k2, x0, x1):
    rot_a = [np.uint32(r) for r in (13, 15, 26, 6)]
    rot_b = [np.uint32(r) for r in (17, 29, 16, 24)]
    ks = [k1, k2, np.uint32(k1 ^ k2 ^ np.uint32(0x1BD11BDA))]
    x = [(x0 + ks[0]).astype(np.uint32), (x1 + ks[1]).astype(np.uint32)]

    def rounds(x, rots):
        for r in rots:
            x[0] = (x[0] + x[1]).astype(np.uint32)
            x[1] = (x[0] ^ _rotl(x[1], r)).astype(np.uint32)
        return x

    for i, (rots, ka, kb) in enumerate(
            [(rot_a, 1, 2), (rot_b, 2, 0), (rot_a, 0, 1),
             (rot_b, 1, 2), (rot_a, 2, 0)]):
        x = rounds(x, rots)
        x[0] = (x[0] + ks[ka]).astype(np.uint32)
        x[1] = (x[1] + ks[kb] + np.uint32(i + 1)).astype(np.uint32)
    return x[0], x[1]


@functools.lru_cache(maxsize=None)
def _gumbel_const(shape, dtype_name):
    n = int(np.prod(shape))
    k1, k2 = np.uint32(0), np.uint32(42)
    i64 = np.arange(n, dtype=np.uint64)
    c1 = (i64 >> np.uint64(32)).astype(np.uint32)
    c2 = (i64 & np.uint64(0xFFFFFFFF)).astype(np.uint32)
    b1, b2 = _threefry2x32(k1, k2, c1, c2)
    bits = (b1 ^ b2).reshape(shape)
    tiny = np.float32(np.finfo(np.float32).tiny)
    fb = (bits >> np.uint32(9)) | np.uint32(0x3F800000)
    floats = fb.view(np.float32) - np.float32(1.0)
    u = np.maximum(tiny, floats * (np.float32(1.0) - tiny) + tiny)
    return (-np.log(-np.log(u))).astype(np.dtype(dtype_name))


def _sc_reduce_body(s_base, s_len, x_hbm, psum_hbm, b0, b1, b2, b3, acc,
                    s0, s1, s2, s3):
    B, S, D = x_hbm.shape
    dslice = D // _DG
    nv = dslice // 16
    c = lax.axis_index("c")
    s = lax.axis_index("s")
    wid = s * 2 + c
    b = wid // _DG
    dg = wid % _DG
    d0 = dg * dslice
    nch = s_len // _R

    bufs = (b0, b1, b2, b3)
    sems = (s0, s1, s2, s3)

    def src(i):
        return x_hbm.at[b, pl.ds(s_base + i * _R, _R), pl.ds(d0, dslice)]

    for k in range(_NBUF):
        pltpu.async_copy(src(k), bufs[k], sems[k])

    def accum(buf, carry):
        def rb(k, carry):
            r = k * 4
            out = list(carry)
            for dr in range(4):
                for j in range(nv):
                    out[j] = out[j] + buf[r + dr, pl.ds(j * 16, 16)]
            return tuple(out)
        return lax.fori_loop(0, _R // 4, rb, carry)

    def pair_body(p, carry):
        i0 = p * _NBUF
        for k in range(_NBUF):
            i = i0 + k
            pltpu.make_async_copy(src(i), bufs[k], sems[k]).wait()
            carry = accum(bufs[k], carry)

            @pl.when(i + _NBUF < nch)
            def _():
                pltpu.async_copy(src(i + _NBUF), bufs[k], sems[k])
        return carry

    carry0 = tuple(jnp.zeros((16,), jnp.float32) for _ in range(nv))
    res = lax.fori_loop(0, nch // _NBUF, pair_body, carry0)
    for j in range(nv):
        acc[pl.ds(j * 16, 16)] = res[j]
    pltpu.sync_copy(acc, psum_hbm.at[b, pl.ds(d0, dslice)])


def _sc_partial_sums(x, s_base, s_len):
    B, S, D = x.shape
    dslice = D // _DG
    mesh = plsc.VectorSubcoreMesh(core_axis_name="c", subcore_axis_name="s")
    kfn = pl.kernel(
        functools.partial(_sc_reduce_body, s_base, s_len),
        mesh=mesh,
        out_type=jax.ShapeDtypeStruct((B, D), jnp.float32),
        scratch_types=[
            pltpu.VMEM((_R, dslice), jnp.float32),
            pltpu.VMEM((_R, dslice), jnp.float32),
            pltpu.VMEM((_R, dslice), jnp.float32),
            pltpu.VMEM((_R, dslice), jnp.float32),
            pltpu.VMEM((dslice,), jnp.float32),
            pltpu.SemaphoreType.DMA,
            pltpu.SemaphoreType.DMA,
            pltpu.SemaphoreType.DMA,
            pltpu.SemaphoreType.DMA,
        ],
    )
    return kfn(x)


def _tc_partial_kernel(x_ref, out_ref, acc_ref):
    i = pl.program_id(0)

    @pl.when(i == 0)
    def _init():
        acc_ref[...] = jnp.zeros_like(acc_ref)

    acc_ref[...] += jnp.sum(x_ref[...], axis=1)

    @pl.when(i == pl.num_programs(0) - 1)
    def _finish():
        out_ref[...] = acc_ref[...]


def _tc_partial_sum(x, s_len):
    B, S, D = x.shape
    grid = (s_len // _TC_BLK,)
    return pl.pallas_call(
        _tc_partial_kernel,
        grid=grid,
        in_specs=[pl.BlockSpec((B, _TC_BLK, D), lambda i: (0, i, 0))],
        out_specs=pl.BlockSpec((B, D), lambda i: (0, 0)),
        out_shape=jax.ShapeDtypeStruct((B, D), jnp.float32),
        scratch_shapes=[pltpu.VMEM((B, D), jnp.float32)],
        compiler_params=pltpu.CompilerParams(
            dimension_semantics=("arbitrary",),
        ),
    )(x)


def _tail_kernel(ptc_ref, psc_ref, w_ref, b_ref, g_ref, out_ref, *, inv_s):
    z = (ptc_ref[...] + psc_ref[...]) * inv_s
    logits = jax.lax.dot_general(
        z, w_ref[...], (((1,), (1,)), ((), ())),
        preferred_element_type=jnp.float32,
    )
    a = (logits + b_ref[...]) + g_ref[...]
    m = jnp.max(a, axis=-1, keepdims=True)
    e = jnp.exp(a - m)
    y = e / jnp.sum(e, axis=-1, keepdims=True)
    ymax = jnp.max(y, axis=-1, keepdims=True)
    iota = jax.lax.broadcasted_iota(jnp.int32, y.shape, 1)
    idx = jnp.min(jnp.where(y >= ymax, iota, y.shape[-1]), axis=-1,
                  keepdims=True)
    y_hard = (iota == idx).astype(y.dtype)
    out_ref[...] = (y_hard - y) + y


def kernel(x, W, b):
    B, S, D = x.shape
    E = W.shape[0]
    g = jnp.asarray(_gumbel_const((B, E), str(x.dtype)))
    b2 = b.reshape(1, E)
    s_tc = (S * _S_TC_FRAC_NUM // _S_TC_FRAC_DEN) // 512 * 512
    psc = _sc_partial_sums(x, s_tc, S - s_tc)
    ptc = _tc_partial_sum(x, s_tc)
    return pl.pallas_call(
        functools.partial(_tail_kernel, inv_s=1.0 / S),
        out_shape=jax.ShapeDtypeStruct((B, E), x.dtype),
    )(ptc, psc, W, b2, g)

# --- scband reference (transcript-rebuilt; emitter-appended) ---
"""Pipeline reference for scband-router-28037546508755 (READ-ONLY COPY).

The authoritative reference and input builder live on the scoring server;
editing this copy changes nothing except your own understanding.
"""

import jax, jax.numpy as jnp
import numpy as np


def setup_inputs(seed: int = 0) -> dict:
    key = jax.random.key(seed)
    k1, k2, k3 = jax.random.split(key, 3)
    B, S, D, E = 4, 4096, 2048, 16
    x = jax.random.normal(k1, (B, S, D), dtype=jnp.float32)
    W = jax.random.normal(k2, (E, D), dtype=jnp.float32) * (1.0 / np.sqrt(D))
    b = jax.random.normal(k3, (E,), dtype=jnp.float32) * 0.01
    return {"x": x, "W": W, "b": b}


def reference(x, W, b):
    # z = x.mean(dim=1)
    z = jnp.mean(x, axis=1)
    # logits = Linear(z) with weight W [out, in], bias b
    logits = z @ W.T + b
    # gumbel = -log(Exp(1) samples)  (standard Gumbel noise)
    gkey = jax.random.key(42)
    gumbel = jax.random.gumbel(gkey, logits.shape, dtype=logits.dtype)
    y = jax.nn.softmax(logits + gumbel, axis=-1)
    # hard one-hot via scatter of argmax
    idx = jnp.argmax(y, axis=-1)
    y_hard = jnp.zeros_like(y).at[jnp.arange(y.shape[0]), idx].set(1.0)
    # straight-through estimator
    y_out = jax.lax.stop_gradient(y_hard - y) + y
    return y_out

if __name__ == "__main__":
    import jax
    _d = setup_inputs()
    print(jax.jit(kernel)(*tuple(_d.values())))

</pallas_src>

<mosaic_0001>
#map = affine_map<(d0, d1) -> (0, 0, 0)>
#map1 = affine_map<(d0, d1) -> (0, 0)>
module attributes {stable_mosaic.version = 14 : i64} {
  func.func @_sc_reduce_body(%arg0: i32, %arg1: i32, %arg2: memref<4x4096x2048xf32, #tpu.memory_space<hbm>>, %arg3: memref<4x2048xf32, #tpu.memory_space<hbm>>, %arg4: memref<64x256xf32, #tpu.memory_space<vmem>>, %arg5: memref<64x256xf32, #tpu.memory_space<vmem>>, %arg6: memref<64x256xf32, #tpu.memory_space<vmem>>, %arg7: memref<64x256xf32, #tpu.memory_space<vmem>>, %arg8: memref<256xf32, #tpu.memory_space<vmem>>, %arg9: memref<!tpu.dma_semaphore, #tpu.memory_space<semaphore_mem>>, %arg10: memref<!tpu.dma_semaphore, #tpu.memory_space<semaphore_mem>>, %arg11: memref<!tpu.dma_semaphore, #tpu.memory_space<semaphore_mem>>, %arg12: memref<!tpu.dma_semaphore, #tpu.memory_space<semaphore_mem>>) attributes {dimension_semantics = [#tpu.dimension_semantics<core_parallel>, #tpu.dimension_semantics<subcore_parallel>], iteration_bounds = array<i64: 2, 16>, scalar_prefetch = 0 : i64, scratch_operands = 9 : i64, tpu.core_type = #tpu.core_type<sc_vector_subcore>, window_params = [{transform_indices = #map}, {transform_indices = #map1}]} {
    %mul3A = arith.constant 2 : i32
    %mul3A_0 = arith.muli %arg1, %mul3A : i32
    %add3A = arith.addi %mul3A_0, %arg0 : i32
    %jit3A = arith.constant 8 : i32
    %div3A = arith.divsi %add3A, %jit3A : i32
    %sign3A = arith.constant 0 : i32
    %sign3A_1 = arith.cmpi sgt, %add3A, %sign3A : i32
    %sign3A_2 = arith.extui %sign3A_1 : i1 to i32
    %sign3A_3 = arith.constant 0 : i32
    %sign3A_4 = arith.cmpi slt, %add3A, %sign3A_3 : i32
    %sign3A_5 = arith.extui %sign3A_4 : i1 to i32
    %sign3A_6 = arith.subi %sign3A_2, %sign3A_5 : i32
    %sign3A_7 = arith.constant 0 : i32
    %sign3A_8 = arith.cmpi sgt, %jit3A, %sign3A_7 : i32
    %sign3A_9 = arith.extui %sign3A_8 : i1 to i32
    %sign3A_10 = arith.constant 0 : i32
    %sign3A_11 = arith.cmpi slt, %jit3A, %sign3A_10 : i32
    %sign3A_12 = arith.extui %sign3A_11 : i1 to i32
    %sign3A_13 = arith.subi %sign3A_9, %sign3A_12 : i32
    %ne3A = arith.cmpi ne, %sign3A_6, %sign3A_13 : i32
    %rem3A = arith.remsi %add3A, %jit3A : i32
    %ne3A_14 = arith.constant 0 : i32
    %ne3A_15 = arith.cmpi ne, %rem3A, %ne3A_14 : i32
    %and3A = arith.andi %ne3A, %ne3A_15 : i1
    %sub3A = arith.constant 1 : i32
    %sub3A_16 = arith.subi %div3A, %sub3A : i32
    %select_n3A = arith.select %and3A, %sub3A_16, %div3A : i32
    %jit3A_17 = arith.constant 8 : i32
    %eq3A = arith.constant 0 : i32
    %eq3A_18 = arith.cmpi eq, %jit3A_17, %eq3A : i32
    %jit3A_19 = arith.constant 1 : i32
    %select_n3A_20 = arith.select %eq3A_18, %jit3A_19, %jit3A_17 : i32
    %rem3A_21 = arith.remsi %add3A, %select_n3A_20 : i32
    %ne3A_22 = arith.constant 0 : i32
    %ne3A_23 = arith.cmpi ne, %rem3A_21, %ne3A_22 : i32
    %lt3A = arith.constant 0 : i32
    %lt3A_24 = arith.cmpi slt, %rem3A_21, %lt3A : i32
    %lt3A_25 = arith.constant 0 : i32
    %lt3A_26 = arith.cmpi slt, %select_n3A_20, %lt3A_25 : i32
    %ne3A_27 = arith.xori %lt3A_24, %lt3A_26 : i1
    %and3A_28 = arith.andi %ne3A_27, %ne3A_23 : i1
    %add3A_29 = arith.addi %rem3A_21, %select_n3A_20 : i32
    %select_n3A_30 = arith.select %and3A_28, %add3A_29, %rem3A_21 : i32
    %mul3A_31 = arith.constant 256 : i32
    %mul3A_32 = arith.muli %select_n3A_30, %mul3A_31 : i32
    %dma_start3A = arith.constant 2560 : i32
    %dma_start3A_33 = tpu.memref_slice %arg2[%select_n3A, %dma_start3A, %mul3A_32] : memref<4x4096x2048xf32, #tpu.memory_space<hbm>> -> memref<1x64x256xf32, #tpu.memory_space<hbm>>
    %dma_start3A_34 = tpu.memref_squeeze %dma_start3A_33 : memref<1x64x256xf32, #tpu.memory_space<hbm>> -> memref<64x256xf32, #tpu.memory_space<hbm>>
    %dma_start3A_35 = arith.constant 2560 : i32
    %dma_start3A_36 = tpu.memref_slice %arg2[%select_n3A, %dma_start3A_35, %mul3A_32] : memref<4x4096x2048xf32, #tpu.memory_space<hbm>> -> memref<1x64x256xf32, #tpu.memory_space<hbm>>
    %dma_start3A_37 = tpu.memref_squeeze %dma_start3A_36 : memref<1x64x256xf32, #tpu.memory_space<hbm>> -> memref<64x256xf32, #tpu.memory_space<hbm>>
    tpu.enqueue_dma source(%dma_start3A_37 : memref<64x256xf32, #tpu.memory_space<hbm>>) target(%arg4 : memref<64x256xf32, #tpu.memory_space<vmem>>) target_semaphore(%arg9 : memref<!tpu.dma_semaphore, #tpu.memory_space<semaphore_mem>>)
    %dma_start3A_38 = arith.constant 2624 : i32
    %dma_start3A_39 = tpu.memref_slice %arg2[%select_n3A, %dma_start3A_38, %mul3A_32] : memref<4x4096x2048xf32, #tpu.memory_space<hbm>> -> memref<1x64x256xf32, #tpu.memory_space<hbm>>
    %dma_start3A_40 = tpu.memref_squeeze %dma_start3A_39 : memref<1x64x256xf32, #tpu.memory_space<hbm>> -> memref<64x256xf32, #tpu.memory_space<hbm>>
    %dma_start3A_41 = arith.constant 2624 : i32
    %dma_start3A_42 = tpu.memref_slice %arg2[%select_n3A, %dma_start3A_41, %mul3A_32] : memref<4x4096x2048xf32, #tpu.memory_space<hbm>> -> memref<1x64x256xf32, #tpu.memory_space<hbm>>
    %dma_start3A_43 = tpu.memref_squeeze %dma_start3A_42 : memref<1x64x256xf32, #tpu.memory_space<hbm>> -> memref<64x256xf32, #tpu.memory_space<hbm>>
    tpu.enqueue_dma source(%dma_start3A_43 : memref<64x256xf32, #tpu.memory_space<hbm>>) target(%arg5 : memref<64x256xf32, #tpu.memory_space<vmem>>) target_semaphore(%arg10 : memref<!tpu.dma_semaphore, #tpu.memory_space<semaphore_mem>>)
    %dma_start3A_44 = arith.constant 2688 : i32
    %dma_start3A_45 = tpu.memref_slice %arg2[%select_n3A, %dma_start3A_44, %mul3A_32] : memref<4x4096x2048xf32, #tpu.memory_space<hbm>> -> memref<1x64x256xf32, #tpu.memory_space<hbm>>
    %dma_start3A_46 = tpu.memref_squeeze %dma_start3A_45 : memref<1x64x256xf32, #tpu.memory_space<hbm>> -> memref<64x256xf32, #tpu.memory_space<hbm>>
    %dma_start3A_47 = arith.constant 2688 : i32
    %dma_start3A_48 = tpu.memref_slice %arg2[%select_n3A, %dma_start3A_47, %mul3A_32] : memref<4x4096x2048xf32, #tpu.memory_space<hbm>> -> memref<1x64x256xf32, #tpu.memory_space<hbm>>
    %dma_start3A_49 = tpu.memref_squeeze %dma_start3A_48 : memref<1x64x256xf32, #tpu.memory_space<hbm>> -> memref<64x256xf32, #tpu.memory_space<hbm>>
    tpu.enqueue_dma source(%dma_start3A_49 : memref<64x256xf32, #tpu.memory_space<hbm>>) target(%arg6 : memref<64x256xf32, #tpu.memory_space<vmem>>) target_semaphore(%arg11 : memref<!tpu.dma_semaphore, #tpu.memory_space<semaphore_mem>>)
    %dma_start3A_50 = arith.constant 2752 : i32
    %dma_start3A_51 = tpu.memref_slice %arg2[%select_n3A, %dma_start3A_50, %mul3A_32] : memref<4x4096x2048xf32, #tpu.memory_space<hbm>> -> memref<1x64x256xf32, #tpu.memory_space<hbm>>
    %dma_start3A_52 = tpu.memref_squeeze %dma_start3A_51 : memref<1x64x256xf32, #tpu.memory_space<hbm>> -> memref<64x256xf32, #tpu.memory_space<hbm>>
    %dma_start3A_53 = arith.constant 2752 : i32
    %dma_start3A_54 = tpu.memref_slice %arg2[%select_n3A, %dma_start3A_53, %mul3A_32] : memref<4x4096x2048xf32, #tpu.memory_space<hbm>> -> memref<1x64x256xf32, #tpu.memory_space<hbm>>
    %dma_start3A_55 = tpu.memref_squeeze %dma_start3A_54 : memref<1x64x256xf32, #tpu.memory_space<hbm>> -> memref<64x256xf32, #tpu.memory_space<hbm>>
    tpu.enqueue_dma source(%dma_start3A_55 : memref<64x256xf32, #tpu.memory_space<hbm>>) target(%arg7 : memref<64x256xf32, #tpu.memory_space<vmem>>) target_semaphore(%arg12 : memref<!tpu.dma_semaphore, #tpu.memory_space<semaphore_mem>>)
    %broadcast_in_dim3A = arith.constant 0.000000e+00 : f32
    %broadcast_in_dim3A_56 = vector.broadcast %broadcast_in_dim3A : f32 to vector<16xf32>
    %broadcast_in_dim3A_57 = arith.constant 0.000000e+00 : f32
    %broadcast_in_dim3A_58 = vector.broadcast %broadcast_in_dim3A_57 : f32 to vector<16xf32>
    %broadcast_in_dim3A_59 = arith.constant 0.000000e+00 : f32
    %broadcast_in_dim3A_60 = vector.broadcast %broadcast_in_dim3A_59 : f32 to vector<16xf32>
    %broadcast_in_dim3A_61 = arith.constant 0.000000e+00 : f32
    %broadcast_in_dim3A_62 = vector.broadcast %broadcast_in_dim3A_61 : f32 to vector<16xf32>
    %broadcast_in_dim3A_63 = arith.constant 0.000000e+00 : f32
    %broadcast_in_dim3A_64 = vector.broadcast %broadcast_in_dim3A_63 : f32 to vector<16xf32>
    %broadcast_in_dim3A_65 = arith.constant 0.000000e+00 : f32
    %broadcast_in_dim3A_66 = vector.broadcast %broadcast_in_dim3A_65 : f32 to vector<16xf32>
    %broadcast_in_dim3A_67 = arith.constant 0.000000e+00 : f32
    %broadcast_in_dim3A_68 = vector.broadcast %broadcast_in_dim3A_67 : f32 to vector<16xf32>
    %broadcast_in_dim3A_69 = arith.constant 0.000000e+00 : f32
    %broadcast_in_dim3A_70 = vector.broadcast %broadcast_in_dim3A_69 : f32 to vector<16xf32>
    %broadcast_in_dim3A_71 = arith.constant 0.000000e+00 : f32
    %broadcast_in_dim3A_72 = vector.broadcast %broadcast_in_dim3A_71 : f32 to vector<16xf32>
    %broadcast_in_dim3A_73 = arith.constant 0.000000e+00 : f32
    %broadcast_in_dim3A_74 = vector.broadcast %broadcast_in_dim3A_73 : f32 to vector<16xf32>
    %broadcast_in_dim3A_75 = arith.constant 0.000000e+00 : f32
    %broadcast_in_dim3A_76 = vector.broadcast %broadcast_in_dim3A_75 : f32 to vector<16xf32>
    %broadcast_in_dim3A_77 = arith.constant 0.000000e+00 : f32
    %broadcast_in_dim3A_78 = vector.broadcast %broadcast_in_dim3A_77 : f32 to vector<16xf32>
    %broadcast_in_dim3A_79 = arith.constant 0.000000e+00 : f32
    %broadcast_in_dim3A_80 = vector.broadcast %broadcast_in_dim3A_79 : f32 to vector<16xf32>
    %broadcast_in_dim3A_81 = arith.constant 0.000000e+00 : f32
    %broadcast_in_dim3A_82 = vector.broadcast %broadcast_in_dim3A_81 : f32 to vector<16xf32>
    %broadcast_in_dim3A_83 = arith.constant 0.000000e+00 : f32
    %broadcast_in_dim3A_84 = vector.broadcast %broadcast_in_dim3A_83 : f32 to vector<16xf32>
    %broadcast_in_dim3A_85 = arith.constant 0.000000e+00 : f32
    %broadcast_in_dim3A_86 = vector.broadcast %broadcast_in_dim3A_85 : f32 to vector<16xf32>
    %scan3A = arith.constant 0 : i32
    %scan3A_87 = arith.constant 6 : i32
    %scan3A_88 = arith.addi %scan3A, %scan3A_87 : i32
    %scan3A_89 = arith.constant 1 : i32
    %scan3A_90:16 = scf.for %scan3A_155 = %scan3A to %scan3A_88 step %scan3A_89 iter_args(%scan3A_156 = %broadcast_in_dim3A_56, %scan3A_157 = %broadcast_in_dim3A_58, %scan3A_158 = %broadcast_in_dim3A_60, %scan3A_159 = %broadcast_in_dim3A_62, %scan3A_160 = %broadcast_in_dim3A_64, %scan3A_161 = %broadcast_in_dim3A_66, %scan3A_162 = %broadcast_in_dim3A_68, %scan3A_163 = %broadcast_in_dim3A_70, %scan3A_164 = %broadcast_in_dim3A_72, %scan3A_165 = %broadcast_in_dim3A_74, %scan3A_166 = %broadcast_in_dim3A_76, %scan3A_167 = %broadcast_in_dim3A_78, %scan3A_168 = %broadcast_in_dim3A_80, %scan3A_169 = %broadcast_in_dim3A_82, %scan3A_170 = %broadcast_in_dim3A_84, %scan3A_171 = %broadcast_in_dim3A_86) -> (vector<16xf32>, vector<16xf32>, vector<16xf32>, vector<16xf32>, vector<16xf32>, vector<16xf32>, vector<16xf32>, vector<16xf32>, vector<16xf32>, vector<16xf32>, vector<16xf32>, vector<16xf32>, vector<16xf32>, vector<16xf32>, vector<16xf32>, vector<16xf32>)  : i32 {
      %mul3A_172 = arith.constant 4 : i32
      %mul3A_173 = arith.muli %scan3A_155, %mul3A_172 : i32
      %add3A_174 = arith.constant 0 : i32
      %add3A_175 = arith.addi %mul3A_173, %add3A_174 : i32
      %mul3A_176 = arith.constant 64 : i32
      %mul3A_177 = arith.muli %add3A_175, %mul3A_176 : i32
      %add3A_178 = arith.constant 2560 : i32
      %add3A_179 = arith.addi %add3A_178, %mul3A_177 : i32
      %dma_wait3A = tpu.memref_slice %arg2[%select_n3A, %add3A_179, %mul3A_32] : memref<4x4096x2048xf32, #tpu.memory_space<hbm>> -> memref<1x64x256xf32, #tpu.memory_space<hbm>>
      %dma_wait3A_180 = tpu.memref_squeeze %dma_wait3A : memref<1x64x256xf32, #tpu.memory_space<hbm>> -> memref<64x256xf32, #tpu.memory_space<hbm>>
      %dma_wait3A_181 = tpu.memref_slice %arg2[%select_n3A, %add3A_179, %mul3A_32] : memref<4x4096x2048xf32, #tpu.memory_space<hbm>> -> memref<1x64x256xf32, #tpu.memory_space<hbm>>
      %dma_wait3A_182 = tpu.memref_squeeze %dma_wait3A_181 : memref<1x64x256xf32, #tpu.memory_space<hbm>> -> memref<64x256xf32, #tpu.memory_space<hbm>>
      tpu.wait_dma2 semaphore(%arg9 : memref<!tpu.dma_semaphore, #tpu.memory_space<semaphore_mem>>) src(%dma_wait3A_182 : memref<64x256xf32, #tpu.memory_space<hbm>>) dst(%arg4 : memref<64x256xf32, #tpu.memory_space<vmem>>)
      %scan3A_183 = arith.constant 0 : i32
      %scan3A_184 = arith.constant 16 : i32
      %scan3A_185 = arith.addi %scan3A_183, %scan3A_184 : i32
      %scan3A_186 = arith.constant 1 : i32
      %scan3A_187:16 = scf.for %scan3A_263 = %scan3A_183 to %scan3A_185 step %scan3A_186 iter_args(%scan3A_264 = %scan3A_156, %scan3A_265 = %scan3A_157, %scan3A_266 = %scan3A_158, %scan3A_267 = %scan3A_159, %scan3A_268 = %scan3A_160, %scan3A_269 = %scan3A_161, %scan3A_270 = %scan3A_162, %scan3A_271 = %scan3A_163, %scan3A_272 = %scan3A_164, %scan3A_273 = %scan3A_165, %scan3A_274 = %scan3A_166, %scan3A_275 = %scan3A_167, %scan3A_276 = %scan3A_168, %scan3A_277 = %scan3A_169, %scan3A_278 = %scan3A_170, %scan3A_279 = %scan3A_171) -> (vector<16xf32>, vector<16xf32>, vector<16xf32>, vector<16xf32>, vector<16xf32>, vector<16xf32>, vector<16xf32>, vector<16xf32>, vector<16xf32>, vector<16xf32>, vector<16xf32>, vector<16xf32>, vector<16xf32>, vector<16xf32>, vector<16xf32>, vector<16xf32>)  : i32 {
        %mul3A_280 = arith.constant 4 : i32
        %mul3A_281 = arith.muli %scan3A_263, %mul3A_280 : i32
        %add3A_282 = arith.constant 0 : i32
        %add3A_283 = arith.addi %mul3A_281, %add3A_282 : i32
        %get3A = arith.index_cast %add3A_283 : i32 to index
        %get3A_284 = arith.constant 0 : index
        %get3A_285 = tpu.vector_load %arg4[%get3A, %get3A_284] {strides = array<i32>} : memref<64x256xf32, #tpu.memory_space<vmem>>, vector<1x16xf32>,
        %get3A_286 = vector.shape_cast %get3A_285 : vector<1x16xf32> to vector<16xf32>
        %add3A_287 = arith.addf %scan3A_264, %get3A_286 : vector<16xf32>
        %add3A_288 = arith.constant 0 : i32
        %add3A_289 = arith.addi %mul3A_281, %add3A_288 : i32
        %get3A_290 = arith.index_cast %add3A_289 : i32 to index
        %get3A_291 = arith.constant 16 : index
        %get3A_292 = tpu.vector_load %arg4[%get3A_290, %get3A_291] {strides = array<i32>} : memref<64x256xf32, #tpu.memory_space<vmem>>, vector<1x16xf32>,
        %get3A_293 = vector.shape_cast %get3A_292 : vector<1x16xf32> to vector<16xf32>
        %add3A_294 = arith.addf %scan3A_265, %get3A_293 : vector<16xf32>
        %add3A_295 = arith.constant 0 : i32
        %add3A_296 = arith.addi %mul3A_281, %add3A_295 : i32
        %get3A_297 = arith.index_cast %add3A_296 : i32 to index
        %get3A_298 = arith.constant 32 : index
        %get3A_299 = tpu.vector_load %arg4[%get3A_297, %get3A_298] {strides = array<i32>} : memref<64x256xf32, #tpu.memory_space<vmem>>, vector<1x16xf32>,
        %get3A_300 = vector.shape_cast %get3A_299 : vector<1x16xf32> to vector<16xf32>
        %add3A_301 = arith.addf %scan3A_266, %get3A_300 : vector<16xf32>
        %add3A_302 = arith.constant 0 : i32
        %add3A_303 = arith.addi %mul3A_281, %add3A_302 : i32
        %get3A_304 = arith.index_cast %add3A_303 : i32 to index
        %get3A_305 = arith.constant 48 : index
        %get3A_306 = tpu.vector_load %arg4[%get3A_304, %get3A_305] {strides = array<i32>} : memref<64x256xf32, #tpu.memory_space<vmem>>, vector<1x16xf32>,
        %get3A_307 = vector.shape_cast %get3A_306 : vector<1x16xf32> to vector<16xf32>
        %add3A_308 = arith.addf %scan3A_267, %get3A_307 : vector<16xf32>
        %add3A_309 = arith.constant 0 : i32
        %add3A_310 = arith.addi %mul3A_281, %add3A_309 : i32
        %get3A_311 = arith.index_cast %add3A_310 : i32 to index
        %get3A_312 = arith.constant 64 : index
        %get3A_313 = tpu.vector_load %arg4[%get3A_311, %get3A_312] {strides = array<i32>} : memref<64x256xf32, #tpu.memory_space<vmem>>, vector<1x16xf32>,
        %get3A_314 = vector.shape_cast %get3A_313 : vector<1x16xf32> to vector<16xf32>
        %add3A_315 = arith.addf %scan3A_268, %get3A_314 : vector<16xf32>
        %add3A_316 = arith.constant 0 : i32
        %add3A_317 = arith.addi %mul3A_281, %add3A_316 : i32
        %get3A_318 = arith.index_cast %add3A_317 : i32 to index
        %get3A_319 = arith.constant 80 : index
        %get3A_320 = tpu.vector_load %arg4[%get3A_318, %get3A_319] {strides = array<i32>} : memref<64x256xf32, #tpu.memory_space<vmem>>, vector<1x16xf32>,
        %get3A_321 = vector.shape_cast %get3A_320 : vector<1x16xf32> to vector<16xf32>
        %add3A_322 = arith.addf %scan3A_269, %get3A_321 : vector<16xf32>
        %add3A_323 = arith.constant 0 : i32
        %add3A_324 = arith.addi %mul3A_281, %add3A_323 : i32
        %get3A_325 = arith.index_cast %add3A_324 : i32 to index
        %get3A_326 = arith.constant 96 : index
        %get3A_327 = tpu.vector_load %arg4[%get3A_325, %get3A_326] {strides = array<i32>} : memref<64x256xf32, #tpu.memory_space<vmem>>, vector<1x16xf32>,
        %get3A_328 = vector.shape_cast %get3A_327 : vector<1x16xf32> to vector<16xf32>
        %add3A_329 = arith.addf %scan3A_270, %get3A_328 : vector<16xf32>
        %add3A_330 = arith.constant 0 : i32
        %add3A_331 = arith.addi %mul3A_281, %add3A_330 : i32
        %get3A_332 = arith.index_cast %add3A_331 : i32 to index
        %get3A_333 = arith.constant 112 : index
        %get3A_334 = tpu.vector_load %arg4[%get3A_332, %get3A_333] {strides = array<i32>} : memref<64x256xf32, #tpu.memory_space<vmem>>, vector<1x16xf32>,
        %get3A_335 = vector.shape_cast %get3A_334 : vector<1x16xf32> to vector<16xf32>
        %add3A_336 = arith.addf %scan3A_271, %get3A_335 : vector<16xf32>
        %add3A_337 = arith.constant 0 : i32
        %add3A_338 = arith.addi %mul3A_281, %add3A_337 : i32
        %get3A_339 = arith.index_cast %add3A_338 : i32 to index
        %get3A_340 = arith.constant 128 : index
        %get3A_341 = tpu.vector_load %arg4[%get3A_339, %get3A_340] {strides = array<i32>} : memref<64x256xf32, #tpu.memory_space<vmem>>, vector<1x16xf32>,
        %get3A_342 = vector.shape_cast %get3A_341 : vector<1x16xf32> to vector<16xf32>
        %add3A_343 = arith.addf %scan3A_272, %get3A_342 : vector<16xf32>
        %add3A_344 = arith.constant 0 : i32
        %add3A_345 = arith.addi %mul3A_281, %add3A_344 : i32
        %get3A_346 = arith.index_cast %add3A_345 : i32 to index
        %get3A_347 = arith.constant 144 : index
        %get3A_348 = tpu.vector_load %arg4[%get3A_346, %get3A_347] {strides = array<i32>} : memref<64x256xf32, #tpu.memory_space<vmem>>, vector<1x16xf32>,
        %get3A_349 = vector.shape_cast %get3A_348 : vector<1x16xf32> to vector<16xf32>
        %add3A_350 = arith.addf %scan3A_273, %get3A_349 : vector<16xf32>
        %add3A_351 = arith.constant 0 : i32
        %add3A_352 = arith.addi %mul3A_281, %add3A_351 : i32
        %get3A_353 = arith.index_cast %add3A_352 : i32 to index
        %get3A_354 = arith.constant 160 : index
        %get3A_355 = tpu.vector_load %arg4[%get3A_353, %get3A_354] {strides = array<i32>} : memref<64x256xf32, #tpu.memory_space<vmem>>, vector<1x16xf32>,
        %get3A_356 = vector.shape_cast %get3A_355 : vector<1x16xf32> to vector<16xf32>
        %add3A_357 = arith.addf %scan3A_274, %get3A_356 : vector<16xf32>
        %add3A_358 = arith.constant 0 : i32
        %add3A_359 = arith.addi %mul3A_281, %add3A_358 : i32
        %get3A_360 = arith.index_cast %add3A_359 : i32 to index
        %get3A_361 = arith.constant 176 : index
        %get3A_362 = tpu.vector_load %arg4[%get3A_360, %get3A_361] {strides = array<i32>} : memref<64x256xf32, #tpu.memory_space<vmem>>, vector<1x16xf32>,
        %get3A_363 = vector.shape_cast %get3A_362 : vector<1x16xf32> to vector<16xf32>
        %add3A_364 = arith.addf %scan3A_275, %get3A_363 : vector<16xf32>
        %add3A_365 = arith.constant 0 : i32
        %add3A_366 = arith.addi %mul3A_281, %add3A_365 : i32
        %get3A_367 = arith.index_cast %add3A_366 : i32 to index
        %get3A_368 = arith.constant 192 : index
        %get3A_369 = tpu.vector_load %arg4[%get3A_367, %get3A_368] {strides = array<i32>} : memref<64x256xf32, #tpu.memory_space<vmem>>, vector<1x16xf32>,
        %get3A_370 = vector.shape_cast %get3A_369 : vector<1x16xf32> to vector<16xf32>
        %add3A_371 = arith.addf %scan3A_276, %get3A_370 : vector<16xf32>
        %add3A_372 = arith.constant 0 : i32
        %add3A_373 = arith.addi %mul3A_281, %add3A_372 : i32
        %get3A_374 = arith.index_cast %add3A_373 : i32 to index
        %get3A_375 = arith.constant 208 : index
        %get3A_376 = tpu.vector_load %arg4[%get3A_374, %get3A_375] {strides = array<i32>} : memref<64x256xf32, #tpu.memory_space<vmem>>, vector<1x16xf32>,
        %get3A_377 = vector.shape_cast %get3A_376 : vector<1x16xf32> to vector<16xf32>
        %add3A_378 = arith.addf %scan3A_277, %get3A_377 : vector<16xf32>
        %add3A_379 = arith.constant 0 : i32
        %add3A_380 = arith.addi %mul3A_281, %add3A_379 : i32
        %get3A_381 = arith.index_cast %add3A_380 : i32 to index
        %get3A_382 = arith.constant 224 : index
        %get3A_383 = tpu.vector_load %arg4[%get3A_381, %get3A_382] {strides = array<i32>} : memref<64x256xf32, #tpu.memory_space<vmem>>, vector<1x16xf32>,
        %get3A_384 = vector.shape_cast %get3A_383 : vector<1x16xf32> to vector<16xf32>
        %add3A_385 = arith.addf %scan3A_278, %get3A_384 : vector<16xf32>
        %add3A_386 = arith.constant 0 : i32
        %add3A_387 = arith.addi %mul3A_281, %add3A_386 : i32
        %get3A_388 = arith.index_cast %add3A_387 : i32 to index
        %get3A_389 = arith.constant 240 : index
        %get3A_390 = tpu.vector_load %arg4[%get3A_388, %get3A_389] {strides = array<i32>} : memref<64x256xf32, #tpu.memory_space<vmem>>, vector<1x16xf32>,
        %get3A_391 = vector.shape_cast %get3A_390 : vector<1x16xf32> to vector<16xf32>
        %add3A_392 = arith.addf %scan3A_279, %get3A_391 : vector<16xf32>
        %add3A_393 = arith.constant 1 : i32
        %add3A_394 = arith.addi %mul3A_281, %add3A_393 : i32
        %get3A_395 = arith.index_cast %add3A_394 : i32 to index
        %get3A_396 = arith.constant 0 : index
        %get3A_397 = tpu.vector_load %arg4[%get3A_395, %get3A_396] {strides = array<i32>} : memref<64x256xf32, #tpu.memory_space<vmem>>, vector<1x16xf32>,
        %get3A_398 = vector.shape_cast %get3A_397 : vector<1x16xf32> to vector<16xf32>
        %add3A_399 = arith.addf %add3A_287, %get3A_398 : vector<16xf32>
        %add3A_400 = arith.constant 1 : i32
        %add3A_401 = arith.addi %mul3A_281, %add3A_400 : i32
        %get3A_402 = arith.index_cast %add3A_401 : i32 to index
        %get3A_403 = arith.constant 16 : index
        %get3A_404 = tpu.vector_load %arg4[%get3A_402, %get3A_403] {strides = array<i32>} : memref<64x256xf32, #tpu.memory_space<vmem>>, vector<1x16xf32>,
        %get3A_405 = vector.shape_cast %get3A_404 : vector<1x16xf32> to vector<16xf32>
        %add3A_406 = arith.addf %add3A_294, %get3A_405 : vector<16xf32>
        %add3A_407 = arith.constant 1 : i32
        %add3A_408 = arith.addi %mul3A_281, %add3A_407 : i32
        %get3A_409 = arith.index_cast %add3A_408 : i32 to index
        %get3A_410 = arith.constant 32 : index
        %get3A_411 = tpu.vector_load %arg4[%get3A_409, %get3A_410] {strides = array<i32>} : memref<64x256xf32, #tpu.memory_space<vmem>>, vector<1x16xf32>,
        %get3A_412 = vector.shape_cast %get3A_411 : vector<1x16xf32> to vector<16xf32>
        %add3A_413 = arith.addf %add3A_301, %get3A_412 : vector<16xf32>
        %add3A_414 = arith.constant 1 : i32
        %add3A_415 = arith.addi %mul3A_281, %add3A_414 : i32
        %get3A_416 = arith.index_cast %add3A_415 : i32 to index
        %get3A_417 = arith.constant 48 : index
        %get3A_418 = tpu.vector_load %arg4[%get3A_416, %get3A_417] {strides = array<i32>} : memref<64x256xf32, #tpu.memory_space<vmem>>, vector<1x16xf32>,
        %get3A_419 = vector.shape_cast %get3A_418 : vector<1x16xf32> to vector<16xf32>
        %add3A_420 = arith.addf %add3A_308, %get3A_419 : vector<16xf32>
        %add3A_421 = arith.constant 1 : i32
        %add3A_422 = arith.addi %mul3A_281, %add3A_421 : i32
        %get3A_423 = arith.index_cast %add3A_422 : i32 to index
        %get3A_424 = arith.constant 64 : index
        %get3A_425 = tpu.vector_load %arg4[%get3A_423, %get3A_424] {strides = array<i32>} : memref<64x256xf32, #tpu.memory_space<vmem>>, vector<1x16xf32>,
        %get3A_426 = vector.shape_cast %get3A_425 : vector<1x16xf32> to vector<16xf32>
        %add3A_427 = arith.addf %add3A_315, %get3A_426 : vector<16xf32>
        %add3A_428 = arith.constant 1 : i32
        %add3A_429 = arith.addi %mul3A_281, %add3A_428 : i32
        %get3A_430 = arith.index_cast %add3A_429 : i32 to index
        %get3A_431 = arith.constant 80 : index
        %get3A_432 = tpu.vector_load %arg4[%get3A_430, %get3A_431] {strides = array<i32>} : memref<64x256xf32, #tpu.memory_space<vmem>>, vector<1x16xf32>,
        %get3A_433 = vector.shape_cast %get3A_432 : vector<1x16xf32> to vector<16xf32>
        %add3A_434 = arith.addf %add3A_322, %get3A_433 : vector<16xf32>
        %add3A_435 = arith.constant 1 : i32
        %add3A_436 = arith.addi %mul3A_281, %add3A_435 : i32
        %get3A_437 = arith.index_cast %add3A_436 : i32 to index
        %get3A_438 = arith.constant 96 : index
        %get3A_439 = tpu.vector_load %arg4[%get3A_437, %get3A_438] {strides = array<i32>} : memref<64x256xf32, #tpu.memory_space<vmem>>, vector<1x16xf32>,
        %get3A_440 = vector.shape_cast %get3A_439 : vector<1x16xf32> to vector<16xf32>
        %add3A_441 = arith.addf %add3A_329, %get3A_440 : vector<16xf32>
        %add3A_442 = arith.constant 1 : i32
        %add3A_443 = arith.addi %mul3A_281, %add3A_442 : i32
        %get3A_444 = arith.index_cast %add3A_443 : i32 to index
        %get3A_445 = arith.constant 112 : index
        %get3A_446 = tpu.vector_load %arg4[%get3A_444, %get3A_445] {strides = array<i32>} : memref<64x256xf32, #tpu.memory_space<vmem>>, vector<1x16xf32>,
        %get3A_447 = vector.shape_cast %get3A_446 : vector<1x16xf32> to vector<16xf32>
        %add3A_448 = arith.addf %add3A_336, %get3A_447 : vector<16xf32>
        %add3A_449 = arith.constant 1 : i32
        %add3A_450 = arith.addi %mul3A_281, %add3A_449 : i32
        %get3A_451 = arith.index_cast %add3A_450 : i32 to index
        %get3A_452 = arith.constant 128 : index
        %get3A_453 = tpu.vector_load %arg4[%get3A_451, %get3A_452] {strides = array<i32>} : memref<64x256xf32, #tpu.memory_space<vmem>>, vector<1x16xf32>,
        %get3A_454 = vector.shape_cast %get3A_453 : vector<1x16xf32> to vector<16xf32>
        %add3A_455 = arith.addf %add3A_343, %get3A_454 : vector<16xf32>
        %add3A_456 = arith.constant 1 : i32
        %add3A_457 = arith.addi %mul3A_281, %add3A_456 : i32
        %get3A_458 = arith.index_cast %add3A_457 : i32 to index
        %get3A_459 = arith.constant 144 : index
        %get3A_460 = tpu.vector_load %arg4[%get3A_458, %get3A_459] {strides = array<i32>} : memref<64x256xf32, #tpu.memory_space<vmem>>, vector<1x16xf32>,
        %get3A_461 = vector.shape_cast %get3A_460 : vector<1x16xf32> to vector<16xf32>
        %add3A_462 = arith.addf %add3A_350, %get3A_461 : vector<16xf32>
        %add3A_463 = arith.constant 1 : i32
        %add3A_464 = arith.addi %mul3A_281, %add3A_463 : i32
        %get3A_465 = arith.index_cast %add3A_464 : i32 to index
        %get3A_466 = arith.constant 160 : index
        %get3A_467 = tpu.vector_load %arg4[%get3A_465, %get3A_466] {strides = array<i32>} : memref<64x256xf32, #tpu.memory_space<vmem>>, vector<1x16xf32>,
        %get3A_468 = vector.shape_cast %get3A_467 : vector<1x16xf32> to vector<16xf32>
        %add3A_469 = arith.addf %add3A_357, %get3A_468 : vector<16xf32>
        %add3A_470 = arith.constant 1 : i32
        %add3A_471 = arith.addi %mul3A_281, %add3A_470 : i32
        %get3A_472 = arith.index_cast %add3A_471 : i32 to index
        %get3A_473 = arith.constant 176 : index
        %get3A_474 = tpu.vector_load %arg4[%get3A_472, %get3A_473] {strides = array<i32>} : memref<64x256xf32, #tpu.memory_space<vmem>>, vector<1x16xf32>,
        %get3A_475 = vector.shape_cast %get3A_474 : vector<1x16xf32> to vector<16xf32>
        %add3A_476 = arith.addf %add3A_364, %get3A_475 : vector<16xf32>
        %add3A_477 = arith.constant 1 : i32
        %add3A_478 = arith.addi %mul3A_281, %add3A_477 : i32
        %get3A_479 = arith.index_cast %add3A_478 : i32 to index
        %get3A_480 = arith.constant 192 : index
        %get3A_481 = tpu.vector_load %arg4[%get3A_479, %get3A_480] {strides = array<i32>} : memref<64x256xf32, #tpu.memory_space<vmem>>, vector<1x16xf32>,
        %get3A_482 = vector.shape_cast %get3A_481 : vector<1x16xf32> to vector<16xf32>
        %add3A_483 = arith.addf %add3A_371, %get3A_482 : vector<16xf32>
        %add3A_484 = arith.constant 1 : i32
        %add3A_485 = arith.addi %mul3A_281, %add3A_484 : i32
        %get3A_486 = arith.index_cast %add3A_485 : i32 to index
        %get3A_487 = arith.constant 208 : index
        %get3A_488 = tpu.vector_load %arg4[%get3A_486, %get3A_487] {strides = array<i32>} : memref<64x256xf32, #tpu.memory_space<vmem>>, vector<1x16xf32>,
        %get3A_489 = vector.shape_cast %get3A_488 : vector<1x16xf32> to vector<16xf32>
        %add3A_490 = arith.addf %add3A_378, %get3A_489 : vector<16xf32>
        %add3A_491 = arith.constant 1 : i32
        %add3A_492 = arith.addi %mul3A_281, %add3A_491 : i32
        %get3A_493 = arith.index_cast %add3A_492 : i32 to index
        %get3A_494 = arith.constant 224 : index
        %get3A_495 = tpu.vector_load %arg4[%get3A_493, %get3A_494] {strides = array<i32>} : memref<64x256xf32, #tpu.memory_space<vmem>>, vector<1x16xf32>,
        %get3A_496 = vector.shape_cast %get3A_495 : vector<1x16xf32> to vector<16xf32>
        %add3A_497 = arith.addf %add3A_385, %get3A_496 : vector<16xf32>
        %add3A_498 = arith.constant 1 : i32
        %add3A_499 = arith.addi %mul3A_281, %add3A_498 : i32
        %get3A_500 = arith.index_cast %add3A_499 : i32 to index
        %get3A_501 = arith.constant 240 : index
        %get3A_502 = tpu.vector_load %arg4[%get3A_500, %get3A_501] {strides = array<i32>} : memref<64x256xf32, #tpu.memory_space<vmem>>, vector<1x16xf32>,
        %get3A_503 = vector.shape_cast %get3A_502 : vector<1x16xf32> to vector<16xf32>
        %add3A_504 = arith.addf %add3A_392, %get3A_503 : vector<16xf32>
        %add3A_505 = arith.constant 2 : i32
        %add3A_506 = arith.addi %mul3A_281, %add3A_505 : i32
        %get3A_507 = arith.index_cast %add3A_506 : i32 to index
        %get3A_508 = arith.constant 0 : index
        %get3A_509 = tpu.vector_load %arg4[%get3A_507, %get3A_508] {strides = array<i32>} : memref<64x256xf32, #tpu.memory_space<vmem>>, vector<1x16xf32>,
        %get3A_510 = vector.shape_cast %get3A_509 : vector<1x16xf32> to vector<16xf32>
        %add3A_511 = arith.addf %add3A_399, %get3A_510 : vector<16xf32>
        %add3A_512 = arith.constant 2 : i32
        %add3A_513 = arith.addi %mul3A_281, %add3A_512 : i32
        %get3A_514 = arith.index_cast %add3A_513 : i32 to index
        %get3A_515 = arith.constant 16 : index
        %get3A_516 = tpu.vector_load %arg4[%get3A_514, %get3A_515] {strides = array<i32>} : memref<64x256xf32, #tpu.memory_space<vmem>>, vector<1x16xf32>,
        %get3A_517 = vector.shape_cast %get3A_516 : vector<1x16xf32> to vector<16xf32>
        %add3A_518 = arith.addf %add3A_406, %get3A_517 : vector<16xf32>
        %add3A_519 = arith.constant 2 : i32
        %add3A_520 = arith.addi %mul3A_281, %add3A_519 : i32
        %get3A_521 = arith.index_cast %add3A_520 : i32 to index
        %get3A_522 = arith.constant 32 : index
        %get3A_523 = tpu.vector_load %arg4[%get3A_521, %get3A_522] {strides = array<i32>} : memref<64x256xf32, #tpu.memory_space<vmem>>, vector<1x16xf32>,
        %get3A_524 = vector.shape_cast %get3A_523 : vector<1x16xf32> to vector<16xf32>
        %add3A_525 = arith.addf %add3A_413, %get3A_524 : vector<16xf32>
        %add3A_526 = arith.constant 2 : i32
        %add3A_527 = arith.addi %mul3A_281, %add3A_526 : i32
        %get3A_528 = arith.index_cast %add3A_527 : i32 to index
        %get3A_529 = arith.constant 48 : index
        %get3A_530 = tpu.vector_load %arg4[%get3A_528, %get3A_529] {strides = array<i32>} : memref<64x256xf32, #tpu.memory_space<vmem>>, vector<1x16xf32>,
        %get3A_531 = vector.shape_cast %get3A_530 : vector<1x16xf32> to vector<16xf32>
        %add3A_532 = arith.addf %add3A_420, %get3A_531 : vector<16xf32>
        %add3A_533 = arith.constant 2 : i32
        %add3A_534 = arith.addi %mul3A_281, %add3A_533 : i32
        %get3A_535 = arith.index_cast %add3A_534 : i32 to index
        %get3A_536 = arith.constant 64 : index
        %get3A_537 = tpu.vector_load %arg4[%get3A_535, %get3A_536] {strides = array<i32>} : memref<64x256xf32, #tpu.memory_space<vmem>>, vector<1x16xf32>,
        %get3A_538 = vector.shape_cast %get3A_537 : vector<1x16xf32> to vector<16xf32>
        %add3A_539 = arith.addf %add3A_427, %get3A_538 : vector<16xf32>
        %add3A_540 = arith.constant 2 : i32
        %add3A_541 = arith.addi %mul3A_281, %add3A_540 : i32
        %get3A_542 = arith.index_cast %add3A_541 : i32 to index
        %get3A_543 = arith.constant 80 : index
        %get3A_544 = tpu.vector_load %arg4[%get3A_542, %get3A_543] {strides = array<i32>} : memref<64x256xf32, #tpu.memory_space<vmem>>, vector<1x16xf32>,
        %get3A_545 = vector.shape_cast %get3A_544 : vector<1x16xf32> to vector<16xf32>
        %add3A_546 = arith.addf %add3A_434, %get3A_545 : vector<16xf32>
        %add3A_547 = arith.constant 2 : i32
        %add3A_548 = arith.addi %mul3A_281, %add3A_547 : i32
        %get3A_549 = arith.index_cast %add3A_548 : i32 to index
        %get3A_550 = arith.constant 96 : index
        %get3A_551 = tpu.vector_load %arg4[%get3A_549, %get3A_550] {strides = array<i32>} : memref<64x256xf32, #tpu.memory_space<vmem>>, vector<1x16xf32>,
        %get3A_552 = vector.shape_cast %get3A_551 : vector<1x16xf32> to vector<16xf32>
        %add3A_553 = arith.addf %add3A_441, %get3A_552 : vector<16xf32>
        %add3A_554 = arith.constant 2 : i32
        %add3A_555 = arith.addi %mul3A_281, %add3A_554 : i32
        %get3A_556 = arith.index_cast %add3A_555 : i32 to index
        %get3A_557 = arith.constant 112 : index
        %get3A_558 = tpu.vector_load %arg4[%get3A_556, %get3A_557] {strides = array<i32>} : memref<64x256xf32, #tpu.memory_space<vmem>>, vector<1x16xf32>,
        %get3A_559 = vector.shape_cast %get3A_558 : vector<1x16xf32> to vector<16xf32>
        %add3A_560 = arith.addf %add3A_448, %get3A_559 : vector<16xf32>
        %add3A_561 = arith.constant 2 : i32
        %add3A_562 = arith.addi %mul3A_281, %add3A_561 : i32
        %get3A_563 = arith.index_cast %add3A_562 : i32 to index
        %get3A_564 = arith.constant 128 : index
        %get3A_565 = tpu.vector_load %arg4[%get3A_563, %get3A_564] {strides = array<i32>} : memref<64x256xf32, #tpu.memory_space<vmem>>, vector<1x16xf32>,
        %get3A_566 = vector.shape_cast %get3A_565 : vector<1x16xf32> to vector<16xf32>
        %add3A_567 = arith.addf %add3A_455, %get3A_566 : vector<16xf32>
        %add3A_568 = arith.constant 2 : i32
        %add3A_569 = arith.addi %mul3A_281, %add3A_568 : i32
        %get3A_570 = arith.index_cast %add3A_569 : i32 to index
        %get3A_571 = arith.constant 144 : index
        %get3A_572 = tpu.vector_load %arg4[%get3A_570, %get3A_571] {strides = array<i32>} : memref<64x256xf32, #tpu.memory_space<vmem>>, vector<1x16xf32>,
        %get3A_573 = vector.shape_cast %get3A_572 : vector<1x16xf32> to vector<16xf32>
        %add3A_574 = arith.addf %add3A_462, %get3A_573 : vector<16xf32>
        %add3A_575 = arith.constant 2 : i32
        %add3A_576 = arith.addi %mul3A_281, %add3A_575 : i32
        %get3A_577 = arith.index_cast %add3A_576 : i32 to index
        %get3A_578 = arith.constant 160 : index
        %get3A_579 = tpu.vector_load %arg4[%get3A_577, %get3A_578] {strides = array<i32>} : memref<64x256xf32, #tpu.memory_space<vmem>>, vector<1x16xf32>,
        %get3A_580 = vector.shape_cast %get3A_579 : vector<1x16xf32> to vector<16xf32>
        %add3A_581 = arith.addf %add3A_469, %get3A_580 : vector<16xf32>
        %add3A_582 = arith.constant 2 : i32
        %add3A_583 = arith.addi %mul3A_281, %add3A_582 : i32
        %get3A_584 = arith.index_cast %add3A_583 : i32 to index
        %get3A_585 = arith.constant 176 : index
        %get3A_586 = tpu.vector_load %arg4[%get3A_584, %get3A_585] {strides = array<i32>} : memref<64x256xf32, #tpu.memory_space<vmem>>, vector<1x16xf32>,
        %get3A_587 = vector.shape_cast %get3A_586 : vector<1x16xf32> to vector<16xf32>
        %add3A_588 = arith.addf %add3A_476, %get3A_587 : vector<16xf32>
        %add3A_589 = arith.constant 2 : i32
        %add3A_590 = arith.addi %mul3A_281, %add3A_589 : i32
        %get3A_591 = arith.index_cast %add3A_590 : i32 to index
        %get3A_592 = arith.constant 192 : index
        %get3A_593 = tpu.vector_load %arg4[%get3A_591, %get3A_592] {strides = array<i32>} : memref<64x256xf32, #tpu.memory_space<vmem>>, vector<1x16xf32>,
        %get3A_594 = vector.shape_cast %get3A_593 : vector<1x16xf32> to vector<16xf32>
        %add3A_595 = arith.addf %add3A_483, %get3A_594 : vector<16xf32>
        %add3A_596 = arith.constant 2 : i32
        %add3A_597 = arith.addi %mul3A_281, %add3A_596 : i32
        %get3A_598 = arith.index_cast %add3A_597 : i32 to index
        %get3A_599 = arith.constant 208 : index
        %get3A_600 = tpu.vector_load %arg4[%get3A_598, %get3A_599] {strides = array<i32>} : memref<64x256xf32, #tpu.memory_space<vmem>>, vector<1x16xf32>,
        %get3A_601 = vector.shape_cast %get3A_600 : vector<1x16xf32> to vector<16xf32>
        %add3A_602 = arith.addf %add3A_490, %get3A_601 : vector<16xf32>
        %add3A_603 = arith.constant 2 : i32
        %add3A_604 = arith.addi %mul3A_281, %add3A_603 : i32
        %get3A_605 = arith.index_cast %add3A_604 : i32 to index
        %get3A_606 = arith.constant 224 : index
        %get3A_607 = tpu.vector_load %arg4[%get3A_605, %get3A_606] {strides = array<i32>} : memref<64x256xf32, #tpu.memory_space<vmem>>, vector<1x16xf32>,
        %get3A_608 = vector.shape_cast %get3A_607 : vector<1x16xf32> to vector<16xf32>
        %add3A_609 = arith.addf %add3A_497, %get3A_608 : vector<16xf32>
        %add3A_610 = arith.constant 2 : i32
        %add3A_611 = arith.addi %mul3A_281, %add3A_610 : i32
        %get3A_612 = arith.index_cast %add3A_611 : i32 to index
        %get3A_613 = arith.constant 240 : index
        %get3A_614 = tpu.vector_load %arg4[%get3A_612, %get3A_613] {strides = array<i32>} : memref<64x256xf32, #tpu.memory_space<vmem>>, vector<1x16xf32>,
        %get3A_615 = vector.shape_cast %get3A_614 : vector<1x16xf32> to vector<16xf32>
        %add3A_616 = arith.addf %add3A_504, %get3A_615 : vector<16xf32>
        %add3A_617 = arith.constant 3 : i32
        %add3A_618 = arith.addi %mul3A_281, %add3A_617 : i32
        %get3A_619 = arith.index_cast %add3A_618 : i32 to index
        %get3A_620 = arith.constant 0 : index
        %get3A_621 = tpu.vector_load %arg4[%get3A_619, %get3A_620] {strides = array<i32>} : memref<64x256xf32, #tpu.memory_space<vmem>>, vector<1x16xf32>,
        %get3A_622 = vector.shape_cast %get3A_621 : vector<1x16xf32> to vector<16xf32>
        %add3A_623 = arith.addf %add3A_511, %get3A_622 : vector<16xf32>
        %add3A_624 = arith.constant 3 : i32
        %add3A_625 = arith.addi %mul3A_281, %add3A_624 : i32
        %get3A_626 = arith.index_cast %add3A_625 : i32 to index
        %get3A_627 = arith.constant 16 : index
        %get3A_628 = tpu.vector_load %arg4[%get3A_626, %get3A_627] {strides = array<i32>} : memref<64x256xf32, #tpu.memory_space<vmem>>, vector<1x16xf32>,
        %get3A_629 = vector.shape_cast %get3A_628 : vector<1x16xf32> to vector<16xf32>
        %add3A_630 = arith.addf %add3A_518, %get3A_629 : vector<16xf32>
        %add3A_631 = arith.constant 3 : i32
        %add3A_632 = arith.addi %mul3A_281, %add3A_631 : i32
        %get3A_633 = arith.index_cast %add3A_632 : i32 to index
        %get3A_634 = arith.constant 32 : index
        %get3A_635 = tpu.vector_load %arg4[%get3A_633, %get3A_634] {strides = array<i32>} : memref<64x256xf32, #tpu.memory_space<vmem>>, vector<1x16xf32>,
        %get3A_636 = vector.shape_cast %get3A_635 : vector<1x16xf32> to vector<16xf32>
        %add3A_637 = arith.addf %add3A_525, %get3A_636 : vector<16xf32>
        %add3A_638 = arith.constant 3 : i32
        %add3A_639 = arith.addi %mul3A_281, %add3A_638 : i32
        %get3A_640 = arith.index_cast %add3A_639 : i32 to index
        %get3A_641 = arith.constant 48 : index
        %get3A_642 = tpu.vector_load %arg4[%get3A_640, %get3A_641] {strides = array<i32>} : memref<64x256xf32, #tpu.memory_space<vmem>>, vector<1x16xf32>,
        %get3A_643 = vector.shape_cast %get3A_642 : vector<1x16xf32> to vector<16xf32>
        %add3A_644 = arith.addf %add3A_532, %get3A_643 : vector<16xf32>
        %add3A_645 = arith.constant 3 : i32
        %add3A_646 = arith.addi %mul3A_281, %add3A_645 : i32
        %get3A_647 = arith.index_cast %add3A_646 : i32 to index
        %get3A_648 = arith.constant 64 : index
        %get3A_649 = tpu.vector_load %arg4[%get3A_647, %get3A_648] {strides = array<i32>} : memref<64x256xf32, #tpu.memory_space<vmem>>, vector<1x16xf32>,
        %get3A_650 = vector.shape_cast %get3A_649 : vector<1x16xf32> to vector<16xf32>
        %add3A_651 = arith.addf %add3A_539, %get3A_650 : vector<16xf32>
        %add3A_652 = arith.constant 3 : i32
        %add3A_653 = arith.addi %mul3A_281, %add3A_652 : i32
        %get3A_654 = arith.index_cast %add3A_653 : i32 to index
        %get3A_655 = arith.constant 80 : index
        %get3A_656 = tpu.vector_load %arg4[%get3A_654, %get3A_655] {strides = array<i32>} : memref<64x256xf32, #tpu.memory_space<vmem>>, vector<1x16xf32>,
        %get3A_657 = vector.shape_cast %get3A_656 : vector<1x16xf32> to vector<16xf32>
        %add3A_658 = arith.addf %add3A_546, %get3A_657 : vector<16xf32>
        %add3A_659 = arith.constant 3 : i32
        %add3A_660 = arith.addi %mul3A_281, %add3A_659 : i32
        %get3A_661 = arith.index_cast %add3A_660 : i32 to index
        %get3A_662 = arith.constant 96 : index
        %get3A_663 = tpu.vector_load %arg4[%get3A_661, %get3A_662] {strides = array<i32>} : memref<64x256xf32, #tpu.memory_space<vmem>>, vector<1x16xf32>,
        %get3A_664 = vector.shape_cast %get3A_663 : vector<1x16xf32> to vector<16xf32>
        %add3A_665 = arith.addf %add3A_553, %get3A_664 : vector<16xf32>
        %add3A_666 = arith.constant 3 : i32
        %add3A_667 = arith.addi %mul3A_281, %add3A_666 : i32
        %get3A_668 = arith.index_cast %add3A_667 : i32 to index
        %get3A_669 = arith.constant 112 : index
        %get3A_670 = tpu.vector_load %arg4[%get3A_668, %get3A_669] {strides = array<i32>} : memref<64x256xf32, #tpu.memory_space<vmem>>, vector<1x16xf32>,
        %get3A_671 = vector.shape_cast %get3A_670 : vector<1x16xf32> to vector<16xf32>
        %add3A_672 = arith.addf %add3A_560, %get3A_671 : vector<16xf32>
        %add3A_673 = arith.constant 3 : i32
        %add3A_674 = arith.addi %mul3A_281, %add3A_673 : i32
        %get3A_675 = arith.index_cast %add3A_674 : i32 to index
        %get3A_676 = arith.constant 128 : index
        %get3A_677 = tpu.vector_load %arg4[%get3A_675, %get3A_676] {strides = array<i32>} : memref<64x256xf32, #tpu.memory_space<vmem>>, vector<1x16xf32>,
        %get3A_678 = vector.shape_cast %get3A_677 : vector<1x16xf32> to vector<16xf32>
        %add3A_679 = arith.addf %add3A_567, %get3A_678 : vector<16xf32>
        %add3A_680 = arith.constant 3 : i32
        %add3A_681 = arith.addi %mul3A_281, %add3A_680 : i32
        %get3A_682 = arith.index_cast %add3A_681 : i32 to index
        %get3A_683 = arith.constant 144 : index
        %get3A_684 = tpu.vector_load %arg4[%get3A_682, %get3A_683] {strides = array<i32>} : memref<64x256xf32, #tpu.memory_space<vmem>>, vector<1x16xf32>,
        %get3A_685 = vector.shape_cast %get3A_684 : vector<1x16xf32> to vector<16xf32>
        %add3A_686 = arith.addf %add3A_574, %get3A_685 : vector<16xf32>
        %add3A_687 = arith.constant 3 : i32
        %add3A_688 = arith.addi %mul3A_281, %add3A_687 : i32
        %get3A_689 = arith.index_cast %add3A_688 : i32 to index
        %get3A_690 = arith.constant 160 : index
        %get3A_691 = tpu.vector_load %arg4[%get3A_689, %get3A_690] {strides = array<i32>} : memref<64x256xf32, #tpu.memory_space<vmem>>, vector<1x16xf32>,
        %get3A_692 = vector.shape_cast %get3A_691 : vector<1x16xf32> to vector<16xf32>
        %add3A_693 = arith.addf %add3A_581, %get3A_692 : vector<16xf32>
        %add3A_694 = arith.constant 3 : i32
        %add3A_695 = arith.addi %mul3A_281, %add3A_694 : i32
        %get3A_696 = arith.index_cast %add3A_695 : i32 to index
        %get3A_697 = arith.constant 176 : index
        %get3A_698 = tpu.vector_load %arg4[%get3A_696, %get3A_697] {strides = array<i32>} : memref<64x256xf32, #tpu.memory_space<vmem>>, vector<1x16xf32>,
        %get3A_699 = vector.shape_cast %get3A_698 : vector<1x16xf32> to vector<16xf32>
        %add3A_700 = arith.addf %add3A_588, %get3A_699 : vector<16xf32>
        %add3A_701 = arith.constant 3 : i32
        %add3A_702 = arith.addi %mul3A_281, %add3A_701 : i32
        %get3A_703 = arith.index_cast %add3A_702 : i32 to index
        %get3A_704 = arith.constant 192 : index
        %get3A_705 = tpu.vector_load %arg4[%get3A_703, %get3A_704] {strides = array<i32>} : memref<64x256xf32, #tpu.memory_space<vmem>>, vector<1x16xf32>,
        %get3A_706 = vector.shape_cast %get3A_705 : vector<1x16xf32> to vector<16xf32>
        %add3A_707 = arith.addf %add3A_595, %get3A_706 : vector<16xf32>
        %add3A_708 = arith.constant 3 : i32
        %add3A_709 = arith.addi %mul3A_281, %add3A_708 : i32
        %get3A_710 = arith.index_cast %add3A_709 : i32 to index
        %get3A_711 = arith.constant 208 : index
        %get3A_712 = tpu.vector_load %arg4[%get3A_710, %get3A_711] {strides = array<i32>} : memref<64x256xf32, #tpu.memory_space<vmem>>, vector<1x16xf32>,
        %get3A_713 = vector.shape_cast %get3A_712 : vector<1x16xf32> to vector<16xf32>
        %add3A_714 = arith.addf %add3A_602, %get3A_713 : vector<16xf32>
        %add3A_715 = arith.constant 3 : i32
        %add3A_716 = arith.addi %mul3A_281, %add3A_715 : i32
        %get3A_717 = arith.index_cast %add3A_716 : i32 to index
        %get3A_718 = arith.constant 224 : index
        %get3A_719 = tpu.vector_load %arg4[%get3A_717, %get3A_718] {strides = array<i32>} : memref<64x256xf32, #tpu.memory_space<vmem>>, vector<1x16xf32>,
        %get3A_720 = vector.shape_cast %get3A_719 : vector<1x16xf32> to vector<16xf32>
        %add3A_721 = arith.addf %add3A_609, %get3A_720 : vector<16xf32>
        %add3A_722 = arith.constant 3 : i32
        %add3A_723 = arith.addi %mul3A_281, %add3A_722 : i32
        %get3A_724 = arith.index_cast %add3A_723 : i32 to index
        %get3A_725 = arith.constant 240 : index
        %get3A_726 = tpu.vector_load %arg4[%get3A_724, %get3A_725] {strides = array<i32>} : memref<64x256xf32, #tpu.memory_space<vmem>>, vector<1x16xf32>,
        %get3A_727 = vector.shape_cast %get3A_726 : vector<1x16xf32> to vector<16xf32>
        %add3A_728 = arith.addf %add3A_616, %get3A_727 : vector<16xf32>
        scf.yield %add3A_623, %add3A_630, %add3A_637, %add3A_644, %add3A_651, %add3A_658, %add3A_665, %add3A_672, %add3A_679, %add3A_686, %add3A_693, %add3A_700, %add3A_707, %add3A_714, %add3A_721, %add3A_728 : vector<16xf32>, vector<16xf32>, vector<16xf32>, vector<16xf32>, vector<16xf32>, vector<16xf32>, vector<16xf32>, vector<16xf32>, vector<16xf32>, vector<16xf32>, vector<16xf32>, vector<16xf32>, vector<16xf32>, vector<16xf32>, vector<16xf32>, vector<16xf32>
      }
      %scan3A_188 = arith.constant 16 : i32
      %add3A_189 = arith.constant 4 : i32
      %add3A_190 = arith.addi %add3A_175, %add3A_189 : i32
      %lt3A_191 = arith.constant 24 : i32
      %lt3A_192 = arith.cmpi slt, %add3A_190, %lt3A_191 : i32
      %convert_element_type3A = arith.extui %lt3A_192 : i1 to i32
      %cond3A = arith.constant 0 : i32
      %cond3A_193 = arith.cmpi ne, %convert_element_type3A, %cond3A : i32
      scf.if %cond3A_193 {
        %add3A_263 = arith.constant 4 : i32
        %add3A_264 = arith.addi %add3A_175, %add3A_263 : i32
        %mul3A_265 = arith.constant 64 : i32
        %mul3A_266 = arith.muli %add3A_264, %mul3A_265 : i32
        %add3A_267 = arith.constant 2560 : i32
        %add3A_268 = arith.addi %add3A_267, %mul3A_266 : i32
        %dma_start3A_269 = tpu.memref_slice %arg2[%select_n3A, %add3A_268, %mul3A_32] : memref<4x4096x2048xf32, #tpu.memory_space<hbm>> -> memref<1x64x256xf32, #tpu.memory_space<hbm>>
        %dma_start3A_270 = tpu.memref_squeeze %dma_start3A_269 : memref<1x64x256xf32, #tpu.memory_space<hbm>> -> memref<64x256xf32, #tpu.memory_space<hbm>>
        %dma_start3A_271 = tpu.memref_slice %arg2[%select_n3A, %add3A_268, %mul3A_32] : memref<4x4096x2048xf32, #tpu.memory_space<hbm>> -> memref<1x64x256xf32, #tpu.memory_space<hbm>>
        %dma_start3A_272 = tpu.memref_squeeze %dma_start3A_271 : memref<1x64x256xf32, #tpu.memory_space<hbm>> -> memref<64x256xf32, #tpu.memory_space<hbm>>
        tpu.enqueue_dma source(%dma_start3A_272 : memref<64x256xf32, #tpu.memory_space<hbm>>) target(%arg4 : memref<64x256xf32, #tpu.memory_space<vmem>>) target_semaphore(%arg9 : memref<!tpu.dma_semaphore, #tpu.memory_space<semaphore_mem>>)
      } else {
      }
      %add3A_194 = arith.constant 1 : i32
      %add3A_195 = arith.addi %mul3A_173, %add3A_194 : i32
      %mul3A_196 = arith.constant 64 : i32
      %mul3A_197 = arith.muli %add3A_195, %mul3A_196 : i32
      %add3A_198 = arith.constant 2560 : i32
      %add3A_199 = arith.addi %add3A_198, %mul3A_197 : i32
      %dma_wait3A_200 = tpu.memref_slice %arg2[%select_n3A, %add3A_199, %mul3A_32] : memref<4x4096x2048xf32, #tpu.memory_space<hbm>> -> memref<1x64x256xf32, #tpu.memory_space<hbm>>
      %dma_wait3A_201 = tpu.memref_squeeze %dma_wait3A_200 : memref<1x64x256xf32, #tpu.memory_space<hbm>> -> memref<64x256xf32, #tpu.memory_space<hbm>>
      %dma_wait3A_202 = tpu.memref_slice %arg2[%select_n3A, %add3A_199, %mul3A_32] : memref<4x4096x2048xf32, #tpu.memory_space<hbm>> -> memref<1x64x256xf32, #tpu.memory_space<hbm>>
      %dma_wait3A_203 = tpu.memref_squeeze %dma_wait3A_202 : memref<1x64x256xf32, #tpu.memory_space<hbm>> -> memref<64x256xf32, #tpu.memory_space<hbm>>
      tpu.wait_dma2 semaphore(%arg10 : memref<!tpu.dma_semaphore, #tpu.memory_space<semaphore_mem>>) src(%dma_wait3A_203 : memref<64x256xf32, #tpu.memory_space<hbm>>) dst(%arg5 : memref<64x256xf32, #tpu.memory_space<vmem>>)
      %scan3A_204 = arith.constant 0 : i32
      %scan3A_205 = arith.constant 16 : i32
      %scan3A_206 = arith.addi %scan3A_204, %scan3A_205 : i32
      %scan3A_207 = arith.constant 1 : i32
      %scan3A_208:16 = scf.for %scan3A_263 = %scan3A_204 to %scan3A_206 step %scan3A_207 iter_args(%scan3A_264 = %scan3A_187#0, %scan3A_265 = %scan3A_187#1, %scan3A_266 = %scan3A_187#2, %scan3A_267 = %scan3A_187#3, %scan3A_268 = %scan3A_187#4, %scan3A_269 = %scan3A_187#5, %scan3A_270 = %scan3A_187#6, %scan3A_271 = %scan3A_187#7, %scan3A_272 = %scan3A_187#8, %scan3A_273 = %scan3A_187#9, %scan3A_274 = %scan3A_187#10, %scan3A_275 = %scan3A_187#11, %scan3A_276 = %scan3A_187#12, %scan3A_277 = %scan3A_187#13, %scan3A_278 = %scan3A_187#14, %scan3A_279 = %scan3A_187#15) -> (vector<16xf32>, vector<16xf32>, vector<16xf32>, vector<16xf32>, vector<16xf32>, vector<16xf32>, vector<16xf32>, vector<16xf32>, vector<16xf32>, vector<16xf32>, vector<16xf32>, vector<16xf32>, vector<16xf32>, vector<16xf32>, vector<16xf32>, vector<16xf32>)  : i32 {
        %mul3A_280 = arith.constant 4 : i32
        %mul3A_281 = arith.muli %scan3A_263, %mul3A_280 : i32
        %add3A_282 = arith.constant 0 : i32
        %add3A_283 = arith.addi %mul3A_281, %add3A_282 : i32
        %get3A = arith.index_cast %add3A_283 : i32 to index
        %get3A_284 = arith.constant 0 : index
        %get3A_285 = tpu.vector_load %arg5[%get3A, %get3A_284] {strides = array<i32>} : memref<64x256xf32, #tpu.memory_space<vmem>>, vector<1x16xf32>,
        %get3A_286 = vector.shape_cast %get3A_285 : vector<1x16xf32> to vector<16xf32>
        %add3A_287 = arith.addf %scan3A_264, %get3A_286 : vector<16xf32>
        %add3A_288 = arith.constant 0 : i32
        %add3A_289 = arith.addi %mul3A_281, %add3A_288 : i32
        %get3A_290 = arith.index_cast %add3A_289 : i32 to index
        %get3A_291 = arith.constant 16 : index
        %get3A_292 = tpu.vector_load %arg5[%get3A_290, %get3A_291] {strides = array<i32>} : memref<64x256xf32, #tpu.memory_space<vmem>>, vector<1x16xf32>,
        %get3A_293 = vector.shape_cast %get3A_292 : vector<1x16xf32> to vector<16xf32>
        %add3A_294 = arith.addf %scan3A_265, %get3A_293 : vector<16xf32>
        %add3A_295 = arith.constant 0 : i32
        %add3A_296 = arith.addi %mul3A_281, %add3A_295 : i32
        %get3A_297 = arith.index_cast %add3A_296 : i32 to index
        %get3A_298 = arith.constant 32 : index
        %get3A_299 = tpu.vector_load %arg5[%get3A_297, %get3A_298] {strides = array<i32>} : memref<64x256xf32, #tpu.memory_space<vmem>>, vector<1x16xf32>,
        %get3A_300 = vector.shape_cast %get3A_299 : vector<1x16xf32> to vector<16xf32>
        %add3A_301 = arith.addf %scan3A_266, %get3A_300 : vector<16xf32>
        %add3A_302 = arith.constant 0 : i32
        %add3A_303 = arith.addi %mul3A_281, %add3A_302 : i32
        %get3A_304 = arith.index_cast %add3A_303 : i32 to index
        %get3A_305 = arith.constant 48 : index
        %get3A_306 = tpu.vector_load %arg5[%get3A_304, %get3A_305] {strides = array<i32>} : memref<64x256xf32, #tpu.memory_space<vmem>>, vector<1x16xf32>,
        %get3A_307 = vector.shape_cast %get3A_306 : vector<1x16xf32> to vector<16xf32>
        %add3A_308 = arith.addf %scan3A_267, %get3A_307 : vector<16xf32>
        %add3A_309 = arith.constant 0 : i32
        %add3A_310 = arith.addi %mul3A_281, %add3A_309 : i32
        %get3A_311 = arith.index_cast %add3A_310 : i32 to index
        %get3A_312 = arith.constant 64 : index
        %get3A_313 = tpu.vector_load %arg5[%get3A_311, %get3A_312] {strides = array<i32>} : memref<64x256xf32, #tpu.memory_space<vmem>>, vector<1x16xf32>,
        %get3A_314 = vector.shape_cast %get3A_313 : vector<1x16xf32> to vector<16xf32>
        %add3A_315 = arith.addf %scan3A_268, %get3A_314 : vector<16xf32>
        %add3A_316 = arith.constant 0 : i32
        %add3A_317 = arith.addi %mul3A_281, %add3A_316 : i32
        %get3A_318 = arith.index_cast %add3A_317 : i32 to index
        %get3A_319 = arith.constant 80 : index
        %get3A_320 = tpu.vector_load %arg5[%get3A_318, %get3A_319] {strides = array<i32>} : memref<64x256xf32, #tpu.memory_space<vmem>>, vector<1x16xf32>,
        %get3A_321 = vector.shape_cast %get3A_320 : vector<1x16xf32> to vector<16xf32>
        %add3A_322 = arith.addf %scan3A_269, %get3A_321 : vector<16xf32>
        %add3A_323 = arith.constant 0 : i32
        %add3A_324 = arith.addi %mul3A_281, %add3A_323 : i32
        %get3A_325 = arith.index_cast %add3A_324 : i32 to index
        %get3A_326 = arith.constant 96 : index
        %get3A_327 = tpu.vector_load %arg5[%get3A_325, %get3A_326] {strides = array<i32>} : memref<64x256xf32, #tpu.memory_space<vmem>>, vector<1x16xf32>,
        %get3A_328 = vector.shape_cast %get3A_327 : vector<1x16xf32> to vector<16xf32>
        %add3A_329 = arith.addf %scan3A_270, %get3A_328 : vector<16xf32>
        %add3A_330 = arith.constant 0 : i32
        %add3A_331 = arith.addi %mul3A_281, %add3A_330 : i32
        %get3A_332 = arith.index_cast %add3A_331 : i32 to index
        %get3A_333 = arith.constant 112 : index
        %get3A_334 = tpu.vector_load %arg5[%get3A_332, %get3A_333] {strides = array<i32>} : memref<64x256xf32, #tpu.memory_space<vmem>>, vector<1x16xf32>,
        %get3A_335 = vector.shape_cast %get3A_334 : vector<1x16xf32> to vector<16xf32>
        %add3A_336 = arith.addf %scan3A_271, %get3A_335 : vector<16xf32>
        %add3A_337 = arith.constant 0 : i32
        %add3A_338 = arith.addi %mul3A_281, %add3A_337 : i32
        %get3A_339 = arith.index_cast %add3A_338 : i32 to index
        %get3A_340 = arith.constant 128 : index
        %get3A_341 = tpu.vector_load %arg5[%get3A_339, %get3A_340] {strides = array<i32>} : memref<64x256xf32, #tpu.memory_space<vmem>>, vector<1x16xf32>,
        %get3A_342 = vector.shape_cast %get3A_341 : vector<1x16xf32> to vector<16xf32>
        %add3A_343 = arith.addf %scan3A_272, %get3A_342 : vector<16xf32>
        %add3A_344 = arith.constant 0 : i32
        %add3A_345 = arith.addi %mul3A_281, %add3A_344 : i32
        %get3A_346 = arith.index_cast %add3A_345 : i32 to index
        %get3A_347 = arith.constant 144 : index
        %get3A_348 = tpu.vector_load %arg5[%get3A_346, %get3A_347] {strides = array<i32>} : memref<64x256xf32, #tpu.memory_space<vmem>>, vector<1x16xf32>,
        %get3A_349 = vector.shape_cast %get3A_348 : vector<1x16xf32> to vector<16xf32>
        %add3A_350 = arith.addf %scan3A_273, %get3A_349 : vector<16xf32>
        %add3A_351 = arith.constant 0 : i32
        %add3A_352 = arith.addi %mul3A_281, %add3A_351 : i32
        %get3A_353 = arith.index_cast %add3A_352 : i32 to index
        %get3A_354 = arith.constant 160 : index
        %get3A_355 = tpu.vector_load %arg5[%get3A_353, %get3A_354] {strides = array<i32>} : memref<64x256xf32, #tpu.memory_space<vmem>>, vector<1x16xf32>,
        %get3A_356 = vector.shape_cast %get3A_355 : vector<1x16xf32> to vector<16xf32>
        %add3A_357 = arith.addf %scan3A_274, %get3A_356 : vector<16xf32>
        %add3A_358 = arith.constant 0 : i32
        %add3A_359 = arith.addi %mul3A_281, %add3A_358 : i32
        %get3A_360 = arith.index_cast %add3A_359 : i32 to index
        %get3A_361 = arith.constant 176 : index
        %get3A_362 = tpu.vector_load %arg5[%get3A_360, %get3A_361] {strides = array<i32>} : memref<64x256xf32, #tpu.memory_space<vmem>>, vector<1x16xf32>,
        %get3A_363 = vector.shape_cast %get3A_362 : vector<1x16xf32> to vector<16xf32>
        %add3A_364 = arith.addf %scan3A_275, %get3A_363 : vector<16xf32>
        %add3A_365 = arith.constant 0 : i32
        %add3A_366 = arith.addi %mul3A_281, %add3A_365 : i32
        %get3A_367 = arith.index_cast %add3A_366 : i32 to index
        %get3A_368 = arith.constant 192 : index
        %get3A_369 = tpu.vector_load %arg5[%get3A_367, %get3A_368] {strides = array<i32>} : memref<64x256xf32, #tpu.memory_space<vmem>>, vector<1x16xf32>,
        %get3A_370 = vector.shape_cast %get3A_369 : vector<1x16xf32> to vector<16xf32>
        %add3A_371 = arith.addf %scan3A_276, %get3A_370 : vector<16xf32>
        %add3A_372 = arith.constant 0 : i32
        %add3A_373 = arith.addi %mul3A_281, %add3A_372 : i32
        %get3A_374 = arith.index_cast %add3A_373 : i32 to index
        %get3A_375 = arith.constant 208 : index
        %get3A_376 = tpu.vector_load %arg5[%get3A_374, %get3A_375] {strides = array<i32>} : memref<64x256xf32, #tpu.memory_space<vmem>>, vector<1x16xf32>,
        %get3A_377 = vector.shape_cast %get3A_376 : vector<1x16xf32> to vector<16xf32>
        %add3A_378 = arith.addf %scan3A_277, %get3A_377 : vector<16xf32>
        %add3A_379 = arith.constant 0 : i32
        %add3A_380 = arith.addi %mul3A_281, %add3A_379 : i32
        %get3A_381 = arith.index_cast %add3A_380 : i32 to index
        %get3A_382 = arith.constant 224 : index
        %get3A_383 = tpu.vector_load %arg5[%get3A_381, %get3A_382] {strides = array<i32>} : memref<64x256xf32, #tpu.memory_space<vmem>>, vector<1x16xf32>,
        %get3A_384 = vector.shape_cast %get3A_383 : vector<1x16xf32> to vector<16xf32>
        %add3A_385 = arith.addf %scan3A_278, %get3A_384 : vector<16xf32>
        %add3A_386 = arith.constant 0 : i32
        %add3A_387 = arith.addi %mul3A_281, %add3A_386 : i32
        %get3A_388 = arith.index_cast %add3A_387 : i32 to index
        %get3A_389 = arith.constant 240 : index
        %get3A_390 = tpu.vector_load %arg5[%get3A_388, %get3A_389] {strides = array<i32>} : memref<64x256xf32, #tpu.memory_space<vmem>>, vector<1x16xf32>,
        %get3A_391 = vector.shape_cast %get3A_390 : vector<1x16xf32> to vector<16xf32>
        %add3A_392 = arith.addf %scan3A_279, %get3A_391 : vector<16xf32>
        %add3A_393 = arith.constant 1 : i32
        %add3A_394 = arith.addi %mul3A_281, %add3A_393 : i32
        %get3A_395 = arith.index_cast %add3A_394 : i32 to index
        %get3A_396 = arith.constant 0 : index
        %get3A_397 = tpu.vector_load %arg5[%get3A_395, %get3A_396] {strides = array<i32>} : memref<64x256xf32, #tpu.memory_space<vmem>>, vector<1x16xf32>,
        %get3A_398 = vector.shape_cast %get3A_397 : vector<1x16xf32> to vector<16xf32>
        %add3A_399 = arith.addf %add3A_287, %get3A_398 : vector<16xf32>
        %add3A_400 = arith.constant 1 : i32
        %add3A_401 = arith.addi %mul3A_281, %add3A_400 : i32
        %get3A_402 = arith.index_cast %add3A_401 : i32 to index
        %get3A_403 = arith.constant 16 : index
        %get3A_404 = tpu.vector_load %arg5[%get3A_402, %get3A_403] {strides = array<i32>} : memref<64x256xf32, #tpu.memory_space<vmem>>, vector<1x16xf32>,
        %get3A_405 = vector.shape_cast %get3A_404 : vector<1x16xf32> to vector<16xf32>
        %add3A_406 = arith.addf %add3A_294, %get3A_405 : vector<16xf32>
        %add3A_407 = arith.constant 1 : i32
        %add3A_408 = arith.addi %mul3A_281, %add3A_407 : i32
        %get3A_409 = arith.index_cast %add3A_408 : i32 to index
        %get3A_410 = arith.constant 32 : index
        %get3A_411 = tpu.vector_load %arg5[%get3A_409, %get3A_410] {strides = array<i32>} : memref<64x256xf32, #tpu.memory_space<vmem>>, vector<1x16xf32>,
        %get3A_412 = vector.shape_cast %get3A_411 : vector<1x16xf32> to vector<16xf32>
        %add3A_413 = arith.addf %add3A_301, %get3A_412 : vector<16xf32>
        %add3A_414 = arith.constant 1 : i32
        %add3A_415 = arith.addi %mul3A_281, %add3A_414 : i32
        %get3A_416 = arith.index_cast %add3A_415 : i32 to index
        %get3A_417 = arith.constant 48 : index
        %get3A_418 = tpu.vector_load %arg5[%get3A_416, %get3A_417] {strides = array<i32>} : memref<64x256xf32, #tpu.memory_space<vmem>>, vector<1x16xf32>,
        %get3A_419 = vector.shape_cast %get3A_418 : vector<1x16xf32> to vector<16xf32>
        %add3A_420 = arith.addf %add3A_308, %get3A_419 : vector<16xf32>
        %add3A_421 = arith.constant 1 : i32
        %add3A_422 = arith.addi %mul3A_281, %add3A_421 : i32
        %get3A_423 = arith.index_cast %add3A_422 : i32 to index
        %get3A_424 = arith.constant 64 : index
        %get3A_425 = tpu.vector_load %arg5[%get3A_423, %get3A_424] {strides = array<i32>} : memref<64x256xf32, #tpu.memory_space<vmem>>, vector<1x16xf32>,
        %get3A_426 = vector.shape_cast %get3A_425 : vector<1x16xf32> to vector<16xf32>
        %add3A_427 = arith.addf %add3A_315, %get3A_426 : vector<16xf32>
        %add3A_428 = arith.constant 1 : i32
        %add3A_429 = arith.addi %mul3A_281, %add3A_428 : i32
        %get3A_430 = arith.index_cast %add3A_429 : i32 to index
        %get3A_431 = arith.constant 80 : index
        %get3A_432 = tpu.vector_load %arg5[%get3A_430, %get3A_431] {strides = array<i32>} : memref<64x256xf32, #tpu.memory_space<vmem>>, vector<1x16xf32>,
        %get3A_433 = vector.shape_cast %get3A_432 : vector<1x16xf32> to vector<16xf32>
        %add3A_434 = arith.addf %add3A_322, %get3A_433 : vector<16xf32>
        %add3A_435 = arith.constant 1 : i32
        %add3A_436 = arith.addi %mul3A_281, %add3A_435 : i32
        %get3A_437 = arith.index_cast %add3A_436 : i32 to index
        %get3A_438 = arith.constant 96 : index
        %get3A_439 = tpu.vector_load %arg5[%get3A_437, %get3A_438] {strides = array<i32>} : memref<64x256xf32, #tpu.memory_space<vmem>>, vector<1x16xf32>,
        %get3A_440 = vector.shape_cast %get3A_439 : vector<1x16xf32> to vector<16xf32>
        %add3A_441 = arith.addf %add3A_329, %get3A_440 : vector<16xf32>
        %add3A_442 = arith.constant 1 : i32
        %add3A_443 = arith.addi %mul3A_281, %add3A_442 : i32
        %get3A_444 = arith.index_cast %add3A_443 : i32 to index
        %get3A_445 = arith.constant 112 : index
        %get3A_446 = tpu.vector_load %arg5[%get3A_444, %get3A_445] {strides = array<i32>} : memref<64x256xf32, #tpu.memory_space<vmem>>, vector<1x16xf32>,
        %get3A_447 = vector.shape_cast %get3A_446 : vector<1x16xf32> to vector<16xf32>
        %add3A_448 = arith.addf %add3A_336, %get3A_447 : vector<16xf32>
        %add3A_449 = arith.constant 1 : i32
        %add3A_450 = arith.addi %mul3A_281, %add3A_449 : i32
        %get3A_451 = arith.index_cast %add3A_450 : i32 to index
        %get3A_452 = arith.constant 128 : index
        %get3A_453 = tpu.vector_load %arg5[%get3A_451, %get3A_452] {strides = array<i32>} : memref<64x256xf32, #tpu.memory_space<vmem>>, vector<1x16xf32>,
        %get3A_454 = vector.shape_cast %get3A_453 : vector<1x16xf32> to vector<16xf32>
        %add3A_455 = arith.addf %add3A_343, %get3A_454 : vector<16xf32>
        %add3A_456 = arith.constant 1 : i32
        %add3A_457 = arith.addi %mul3A_281, %add3A_456 : i32
        %get3A_458 = arith.index_cast %add3A_457 : i32 to index
        %get3A_459 = arith.constant 144 : index
        %get3A_460 = tpu.vector_load %arg5[%get3A_458, %get3A_459] {strides = array<i32>} : memref<64x256xf32, #tpu.memory_space<vmem>>, vector<1x16xf32>,
        %get3A_461 = vector.shape_cast %get3A_460 : vector<1x16xf32> to vector<16xf32>
        %add3A_462 = arith.addf %add3A_350, %get3A_461 : vector<16xf32>
        %add3A_463 = arith.constant 1 : i32
        %add3A_464 = arith.addi %mul3A_281, %add3A_463 : i32
        %get3A_465 = arith.index_cast %add3A_464 : i32 to index
        %get3A_466 = arith.constant 160 : index
        %get3A_467 = tpu.vector_load %arg5[%get3A_465, %get3A_466] {strides = array<i32>} : memref<64x256xf32, #tpu.memory_space<vmem>>, vector<1x16xf32>,
        %get3A_468 = vector.shape_cast %get3A_467 : vector<1x16xf32> to vector<16xf32>
        %add3A_469 = arith.addf %add3A_357, %get3A_468 : vector<16xf32>
        %add3A_470 = arith.constant 1 : i32
        %add3A_471 = arith.addi %mul3A_281, %add3A_470 : i32
        %get3A_472 = arith.index_cast %add3A_471 : i32 to index
        %get3A_473 = arith.constant 176 : index
        %get3A_474 = tpu.vector_load %arg5[%get3A_472, %get3A_473] {strides = array<i32>} : memref<64x256xf32, #tpu.memory_space<vmem>>, vector<1x16xf32>,
        %get3A_475 = vector.shape_cast %get3A_474 : vector<1x16xf32> to vector<16xf32>
        %add3A_476 = arith.addf %add3A_364, %get3A_475 : vector<16xf32>
        %add3A_477 = arith.constant 1 : i32
        %add3A_478 = arith.addi %mul3A_281, %add3A_477 : i32
        %get3A_479 = arith.index_cast %add3A_478 : i32 to index
        %get3A_480 = arith.constant 192 : index
        %get3A_481 = tpu.vector_load %arg5[%get3A_479, %get3A_480] {strides = array<i32>} : memref<64x256xf32, #tpu.memory_space<vmem>>, vector<1x16xf32>,
        %get3A_482 = vector.shape_cast %get3A_481 : vector<1x16xf32> to vector<16xf32>
        %add3A_483 = arith.addf %add3A_371, %get3A_482 : vector<16xf32>
        %add3A_484 = arith.constant 1 : i32
        %add3A_485 = arith.addi %mul3A_281, %add3A_484 : i32
        %get3A_486 = arith.index_cast %add3A_485 : i32 to index
        %get3A_487 = arith.constant 208 : index
        %get3A_488 = tpu.vector_load %arg5[%get3A_486, %get3A_487] {strides = array<i32>} : memref<64x256xf32, #tpu.memory_space<vmem>>, vector<1x16xf32>,
        %get3A_489 = vector.shape_cast %get3A_488 : vector<1x16xf32> to vector<16xf32>
        %add3A_490 = arith.addf %add3A_378, %get3A_489 : vector<16xf32>
        %add3A_491 = arith.constant 1 : i32
        %add3A_492 = arith.addi %mul3A_281, %add3A_491 : i32
        %get3A_493 = arith.index_cast %add3A_492 : i32 to index
        %get3A_494 = arith.constant 224 : index
        %get3A_495 = tpu.vector_load %arg5[%get3A_493, %get3A_494] {strides = array<i32>} : memref<64x256xf32, #tpu.memory_space<vmem>>, vector<1x16xf32>,
        %get3A_496 = vector.shape_cast %get3A_495 : vector<1x16xf32> to vector<16xf32>
        %add3A_497 = arith.addf %add3A_385, %get3A_496 : vector<16xf32>
        %add3A_498 = arith.constant 1 : i32
        %add3A_499 = arith.addi %mul3A_281, %add3A_498 : i32
        %get3A_500 = arith.index_cast %add3A_499 : i32 to index
        %get3A_501 = arith.constant 240 : index
        %get3A_502 = tpu.vector_load %arg5[%get3A_500, %get3A_501] {strides = array<i32>} : memref<64x256xf32, #tpu.memory_space<vmem>>, vector<1x16xf32>,
        %get3A_503 = vector.shape_cast %get3A_502 : vector<1x16xf32> to vector<16xf32>
        %add3A_504 = arith.addf %add3A_392, %get3A_503 : vector<16xf32>
        %add3A_505 = arith.constant 2 : i32
        %add3A_506 = arith.addi %mul3A_281, %add3A_505 : i32
        %get3A_507 = arith.index_cast %add3A_506 : i32 to index
        %get3A_508 = arith.constant 0 : index
        %get3A_509 = tpu.vector_load %arg5[%get3A_507, %get3A_508] {strides = array<i32>} : memref<64x256xf32, #tpu.memory_space<vmem>>, vector<1x16xf32>,
        %get3A_510 = vector.shape_cast %get3A_509 : vector<1x16xf32> to vector<16xf32>
        %add3A_511 = arith.addf %add3A_399, %get3A_510 : vector<16xf32>
        %add3A_512 = arith.constant 2 : i32
        %add3A_513 = arith.addi %mul3A_281, %add3A_512 : i32
        %get3A_514 = arith.index_cast %add3A_513 : i32 to index
        %get3A_515 = arith.constant 16 : index
        %get3A_516 = tpu.vector_load %arg5[%get3A_514, %get3A_515] {strides = array<i32>} : memref<64x256xf32, #tpu.memory_space<vmem>>, vector<1x16xf32>,
        %get3A_517 = vector.shape_cast %get3A_516 : vector<1x16xf32> to vector<16xf32>
        %add3A_518 = arith.addf %add3A_406, %get3A_517 : vector<16xf32>
        %add3A_519 = arith.constant 2 : i32
        %add3A_520 = arith.addi %mul3A_281, %add3A_519 : i32
        %get3A_521 = arith.index_cast %add3A_520 : i32 to index
        %get3A_522 = arith.constant 32 : index
        %get3A_523 = tpu.vector_load %arg5[%get3A_521, %get3A_522] {strides = array<i32>} : memref<64x256xf32, #tpu.memory_space<vmem>>, vector<1x16xf32>,
        %get3A_524 = vector.shape_cast %get3A_523 : vector<1x16xf32> to vector<16xf32>
        %add3A_525 = arith.addf %add3A_413, %get3A_524 : vector<16xf32>
        %add3A_526 = arith.constant 2 : i32
        %add3A_527 = arith.addi %mul3A_281, %add3A_526 : i32
        %get3A_528 = arith.index_cast %add3A_527 : i32 to index
        %get3A_529 = arith.constant 48 : index
        %get3A_530 = tpu.vector_load %arg5[%get3A_528, %get3A_529] {strides = array<i32>} : memref<64x256xf32, #tpu.memory_space<vmem>>, vector<1x16xf32>,
        %get3A_531 = vector.shape_cast %get3A_530 : vector<1x16xf32> to vector<16xf32>
        %add3A_532 = arith.addf %add3A_420, %get3A_531 : vector<16xf32>
        %add3A_533 = arith.constant 2 : i32
        %add3A_534 = arith.addi %mul3A_281, %add3A_533 : i32
        %get3A_535 = arith.index_cast %add3A_534 : i32 to index
        %get3A_536 = arith.constant 64 : index
        %get3A_537 = tpu.vector_load %arg5[%get3A_535, %get3A_536] {strides = array<i32>} : memref<64x256xf32, #tpu.memory_space<vmem>>, vector<1x16xf32>,
        %get3A_538 = vector.shape_cast %get3A_537 : vector<1x16xf32> to vector<16xf32>
        %add3A_539 = arith.addf %add3A_427, %get3A_538 : vector<16xf32>
        %add3A_540 = arith.constant 2 : i32
        %add3A_541 = arith.addi %mul3A_281, %add3A_540 : i32
        %get3A_542 = arith.index_cast %add3A_541 : i32 to index
        %get3A_543 = arith.constant 80 : index
        %get3A_544 = tpu.vector_load %arg5[%get3A_542, %get3A_543] {strides = array<i32>} : memref<64x256xf32, #tpu.memory_space<vmem>>, vector<1x16xf32>,
        %get3A_545 = vector.shape_cast %get3A_544 : vector<1x16xf32> to vector<16xf32>
        %add3A_546 = arith.addf %add3A_434, %get3A_545 : vector<16xf32>
        %add3A_547 = arith.constant 2 : i32
        %add3A_548 = arith.addi %mul3A_281, %add3A_547 : i32
        %get3A_549 = arith.index_cast %add3A_548 : i32 to index
        %get3A_550 = arith.constant 96 : index
        %get3A_551 = tpu.vector_load %arg5[%get3A_549, %get3A_550] {strides = array<i32>} : memref<64x256xf32, #tpu.memory_space<vmem>>, vector<1x16xf32>,
        %get3A_552 = vector.shape_cast %get3A_551 : vector<1x16xf32> to vector<16xf32>
        %add3A_553 = arith.addf %add3A_441, %get3A_552 : vector<16xf32>
        %add3A_554 = arith.constant 2 : i32
        %add3A_555 = arith.addi %mul3A_281, %add3A_554 : i32
        %get3A_556 = arith.index_cast %add3A_555 : i32 to index
        %get3A_557 = arith.constant 112 : index
        %get3A_558 = tpu.vector_load %arg5[%get3A_556, %get3A_557] {strides = array<i32>} : memref<64x256xf32, #tpu.memory_space<vmem>>, vector<1x16xf32>,
        %get3A_559 = vector.shape_cast %get3A_558 : vector<1x16xf32> to vector<16xf32>
        %add3A_560 = arith.addf %add3A_448, %get3A_559 : vector<16xf32>
        %add3A_561 = arith.constant 2 : i32
        %add3A_562 = arith.addi %mul3A_281, %add3A_561 : i32
        %get3A_563 = arith.index_cast %add3A_562 : i32 to index
        %get3A_564 = arith.constant 128 : index
        %get3A_565 = tpu.vector_load %arg5[%get3A_563, %get3A_564] {strides = array<i32>} : memref<64x256xf32, #tpu.memory_space<vmem>>, vector<1x16xf32>,
        %get3A_566 = vector.shape_cast %get3A_565 : vector<1x16xf32> to vector<16xf32>
        %add3A_567 = arith.addf %add3A_455, %get3A_566 : vector<16xf32>
        %add3A_568 = arith.constant 2 : i32
        %add3A_569 = arith.addi %mul3A_281, %add3A_568 : i32
        %get3A_570 = arith.index_cast %add3A_569 : i32 to index
        %get3A_571 = arith.constant 144 : index
        %get3A_572 = tpu.vector_load %arg5[%get3A_570, %get3A_571] {strides = array<i32>} : memref<64x256xf32, #tpu.memory_space<vmem>>, vector<1x16xf32>,
        %get3A_573 = vector.shape_cast %get3A_572 : vector<1x16xf32> to vector<16xf32>
        %add3A_574 = arith.addf %add3A_462, %get3A_573 : vector<16xf32>
        %add3A_575 = arith.constant 2 : i32
        %add3A_576 = arith.addi %mul3A_281, %add3A_575 : i32
        %get3A_577 = arith.index_cast %add3A_576 : i32 to index
        %get3A_578 = arith.constant 160 : index
        %get3A_579 = tpu.vector_load %arg5[%get3A_577, %get3A_578] {strides = array<i32>} : memref<64x256xf32, #tpu.memory_space<vmem>>, vector<1x16xf32>,
        %get3A_580 = vector.shape_cast %get3A_579 : vector<1x16xf32> to vector<16xf32>
        %add3A_581 = arith.addf %add3A_469, %get3A_580 : vector<16xf32>
        %add3A_582 = arith.constant 2 : i32
        %add3A_583 = arith.addi %mul3A_281, %add3A_582 : i32
        %get3A_584 = arith.index_cast %add3A_583 : i32 to index
        %get3A_585 = arith.constant 176 : index
        %get3A_586 = tpu.vector_load %arg5[%get3A_584, %get3A_585] {strides = array<i32>} : memref<64x256xf32, #tpu.memory_space<vmem>>, vector<1x16xf32>,
        %get3A_587 = vector.shape_cast %get3A_586 : vector<1x16xf32> to vector<16xf32>
        %add3A_588 = arith.addf %add3A_476, %get3A_587 : vector<16xf32>
        %add3A_589 = arith.constant 2 : i32
        %add3A_590 = arith.addi %mul3A_281, %add3A_589 : i32
        %get3A_591 = arith.index_cast %add3A_590 : i32 to index
        %get3A_592 = arith.constant 192 : index
        %get3A_593 = tpu.vector_load %arg5[%get3A_591, %get3A_592] {strides = array<i32>} : memref<64x256xf32, #tpu.memory_space<vmem>>, vector<1x16xf32>,
        %get3A_594 = vector.shape_cast %get3A_593 : vector<1x16xf32> to vector<16xf32>
        %add3A_595 = arith.addf %add3A_483, %get3A_594 : vector<16xf32>
        %add3A_596 = arith.constant 2 : i32
        %add3A_597 = arith.addi %mul3A_281, %add3A_596 : i32
        %get3A_598 = arith.index_cast %add3A_597 : i32 to index
        %get3A_599 = arith.constant 208 : index
        %get3A_600 = tpu.vector_load %arg5[%get3A_598, %get3A_599] {strides = array<i32>} : memref<64x256xf32, #tpu.memory_space<vmem>>, vector<1x16xf32>,
        %get3A_601 = vector.shape_cast %get3A_600 : vector<1x16xf32> to vector<16xf32>
        %add3A_602 = arith.addf %add3A_490, %get3A_601 : vector<16xf32>
        %add3A_603 = arith.constant 2 : i32
        %add3A_604 = arith.addi %mul3A_281, %add3A_603 : i32
        %get3A_605 = arith.index_cast %add3A_604 : i32 to index
        %get3A_606 = arith.constant 224 : index
        %get3A_607 = tpu.vector_load %arg5[%get3A_605, %get3A_606] {strides = array<i32>} : memref<64x256xf32, #tpu.memory_space<vmem>>, vector<1x16xf32>,
        %get3A_608 = vector.shape_cast %get3A_607 : vector<1x16xf32> to vector<16xf32>
        %add3A_609 = arith.addf %add3A_497, %get3A_608 : vector<16xf32>
        %add3A_610 = arith.constant 2 : i32
        %add3A_611 = arith.addi %mul3A_281, %add3A_610 : i32
        %get3A_612 = arith.index_cast %add3A_611 : i32 to index
        %get3A_613 = arith.constant 240 : index
        %get3A_614 = tpu.vector_load %arg5[%get3A_612, %get3A_613] {strides = array<i32>} : memref<64x256xf32, #tpu.memory_space<vmem>>, vector<1x16xf32>,
        %get3A_615 = vector.shape_cast %get3A_614 : vector<1x16xf32> to vector<16xf32>
        %add3A_616 = arith.addf %add3A_504, %get3A_615 : vector<16xf32>
        %add3A_617 = arith.constant 3 : i32
        %add3A_618 = arith.addi %mul3A_281, %add3A_617 : i32
        %get3A_619 = arith.index_cast %add3A_618 : i32 to index
        %get3A_620 = arith.constant 0 : index
        %get3A_621 = tpu.vector_load %arg5[%get3A_619, %get3A_620] {strides = array<i32>} : memref<64x256xf32, #tpu.memory_space<vmem>>, vector<1x16xf32>,
        %get3A_622 = vector.shape_cast %get3A_621 : vector<1x16xf32> to vector<16xf32>
        %add3A_623 = arith.addf %add3A_511, %get3A_622 : vector<16xf32>
        %add3A_624 = arith.constant 3 : i32
        %add3A_625 = arith.addi %mul3A_281, %add3A_624 : i32
        %get3A_626 = arith.index_cast %add3A_625 : i32 to index
        %get3A_627 = arith.constant 16 : index
        %get3A_628 = tpu.vector_load %arg5[%get3A_626, %get3A_627] {strides = array<i32>} : memref<64x256xf32, #tpu.memory_space<vmem>>, vector<1x16xf32>,
        %get3A_629 = vector.shape_cast %get3A_628 : vector<1x16xf32> to vector<16xf32>
        %add3A_630 = arith.addf %add3A_518, %get3A_629 : vector<16xf32>
        %add3A_631 = arith.constant 3 : i32
        %add3A_632 = arith.addi %mul3A_281, %add3A_631 : i32
        %get3A_633 = arith.index_cast %add3A_632 : i32 to index
        %get3A_634 = arith.constant 32 : index
        %get3A_635 = tpu.vector_load %arg5[%get3A_633, %get3A_634] {strides = array<i32>} : memref<64x256xf32, #tpu.memory_space<vmem>>, vector<1x16xf32>,
        %get3A_636 = vector.shape_cast %get3A_635 : vector<1x16xf32> to vector<16xf32>
        %add3A_637 = arith.addf %add3A_525, %get3A_636 : vector<16xf32>
        %add3A_638 = arith.constant 3 : i32
        %add3A_639 = arith.addi %mul3A_281, %add3A_638 : i32
        %get3A_640 = arith.index_cast %add3A_639 : i32 to index
        %get3A_641 = arith.constant 48 : index
        %get3A_642 = tpu.vector_load %arg5[%get3A_640, %get3A_641] {strides = array<i32>} : memref<64x256xf32, #tpu.memory_space<vmem>>, vector<1x16xf32>,
        %get3A_643 = vector.shape_cast %get3A_642 : vector<1x16xf32> to vector<16xf32>
        %add3A_644 = arith.addf %add3A_532, %get3A_643 : vector<16xf32>
        %add3A_645 = arith.constant 3 : i32
        %add3A_646 = arith.addi %mul3A_281, %add3A_645 : i32
        %get3A_647 = arith.index_cast %add3A_646 : i32 to index
        %get3A_648 = arith.constant 64 : index
        %get3A_649 = tpu.vector_load %arg5[%get3A_647, %get3A_648] {strides = array<i32>} : memref<64x256xf32, #tpu.memory_space<vmem>>, vector<1x16xf32>,
        %get3A_650 = vector.shape_cast %get3A_649 : vector<1x16xf32> to vector<16xf32>
        %add3A_651 = arith.addf %add3A_539, %get3A_650 : vector<16xf32>
        %add3A_652 = arith.constant 3 : i32
        %add3A_653 = arith.addi %mul3A_281, %add3A_652 : i32
        %get3A_654 = arith.index_cast %add3A_653 : i32 to index
        %get3A_655 = arith.constant 80 : index
        %get3A_656 = tpu.vector_load %arg5[%get3A_654, %get3A_655] {strides = array<i32>} : memref<64x256xf32, #tpu.memory_space<vmem>>, vector<1x16xf32>,
        %get3A_657 = vector.shape_cast %get3A_656 : vector<1x16xf32> to vector<16xf32>
        %add3A_658 = arith.addf %add3A_546, %get3A_657 : vector<16xf32>
        %add3A_659 = arith.constant 3 : i32
        %add3A_660 = arith.addi %mul3A_281, %add3A_659 : i32
        %get3A_661 = arith.index_cast %add3A_660 : i32 to index
        %get3A_662 = arith.constant 96 : index
        %get3A_663 = tpu.vector_load %arg5[%get3A_661, %get3A_662] {strides = array<i32>} : memref<64x256xf32, #tpu.memory_space<vmem>>, vector<1x16xf32>,
        %get3A_664 = vector.shape_cast %get3A_663 : vector<1x16xf32> to vector<16xf32>
        %add3A_665 = arith.addf %add3A_553, %get3A_664 : vector<16xf32>
        %add3A_666 = arith.constant 3 : i32
        %add3A_667 = arith.addi %mul3A_281, %add3A_666 : i32
        %get3A_668 = arith.index_cast %add3A_667 : i32 to index
        %get3A_669 = arith.constant 112 : index
        %get3A_670 = tpu.vector_load %arg5[%get3A_668, %get3A_669] {strides = array<i32>} : memref<64x256xf32, #tpu.memory_space<vmem>>, vector<1x16xf32>,
        %get3A_671 = vector.shape_cast %get3A_670 : vector<1x16xf32> to vector<16xf32>
        %add3A_672 = arith.addf %add3A_560, %get3A_671 : vector<16xf32>
        %add3A_673 = arith.constant 3 : i32
        %add3A_674 = arith.addi %mul3A_281, %add3A_673 : i32
        %get3A_675 = arith.index_cast %add3A_674 : i32 to index
        %get3A_676 = arith.constant 128 : index
        %get3A_677 = tpu.vector_load %arg5[%get3A_675, %get3A_676] {strides = array<i32>} : memref<64x256xf32, #tpu.memory_space<vmem>>, vector<1x16xf32>,
        %get3A_678 = vector.shape_cast %get3A_677 : vector<1x16xf32> to vector<16xf32>
        %add3A_679 = arith.addf %add3A_567, %get3A_678 : vector<16xf32>
        %add3A_680 = arith.constant 3 : i32
        %add3A_681 = arith.addi %mul3A_281, %add3A_680 : i32
        %get3A_682 = arith.index_cast %add3A_681 : i32 to index
        %get3A_683 = arith.constant 144 : index
        %get3A_684 = tpu.vector_load %arg5[%get3A_682, %get3A_683] {strides = array<i32>} : memref<64x256xf32, #tpu.memory_space<vmem>>, vector<1x16xf32>,
        %get3A_685 = vector.shape_cast %get3A_684 : vector<1x16xf32> to vector<16xf32>
        %add3A_686 = arith.addf %add3A_574, %get3A_685 : vector<16xf32>
        %add3A_687 = arith.constant 3 : i32
        %add3A_688 = arith.addi %mul3A_281, %add3A_687 : i32
        %get3A_689 = arith.index_cast %add3A_688 : i32 to index
        %get3A_690 = arith.constant 160 : index
        %get3A_691 = tpu.vector_load %arg5[%get3A_689, %get3A_690] {strides = array<i32>} : memref<64x256xf32, #tpu.memory_space<vmem>>, vector<1x16xf32>,
        %get3A_692 = vector.shape_cast %get3A_691 : vector<1x16xf32> to vector<16xf32>
        %add3A_693 = arith.addf %add3A_581, %get3A_692 : vector<16xf32>
        %add3A_694 = arith.constant 3 : i32
        %add3A_695 = arith.addi %mul3A_281, %add3A_694 : i32
        %get3A_696 = arith.index_cast %add3A_695 : i32 to index
        %get3A_697 = arith.constant 176 : index
        %get3A_698 = tpu.vector_load %arg5[%get3A_696, %get3A_697] {strides = array<i32>} : memref<64x256xf32, #tpu.memory_space<vmem>>, vector<1x16xf32>,
        %get3A_699 = vector.shape_cast %get3A_698 : vector<1x16xf32> to vector<16xf32>
        %add3A_700 = arith.addf %add3A_588, %get3A_699 : vector<16xf32>
        %add3A_701 = arith.constant 3 : i32
        %add3A_702 = arith.addi %mul3A_281, %add3A_701 : i32
        %get3A_703 = arith.index_cast %add3A_702 : i32 to index
        %get3A_704 = arith.constant 192 : index
        %get3A_705 = tpu.vector_load %arg5[%get3A_703, %get3A_704] {strides = array<i32>} : memref<64x256xf32, #tpu.memory_space<vmem>>, vector<1x16xf32>,
        %get3A_706 = vector.shape_cast %get3A_705 : vector<1x16xf32> to vector<16xf32>
        %add3A_707 = arith.addf %add3A_595, %get3A_706 : vector<16xf32>
        %add3A_708 = arith.constant 3 : i32
        %add3A_709 = arith.addi %mul3A_281, %add3A_708 : i32
        %get3A_710 = arith.index_cast %add3A_709 : i32 to index
        %get3A_711 = arith.constant 208 : index
        %get3A_712 = tpu.vector_load %arg5[%get3A_710, %get3A_711] {strides = array<i32>} : memref<64x256xf32, #tpu.memory_space<vmem>>, vector<1x16xf32>,
        %get3A_713 = vector.shape_cast %get3A_712 : vector<1x16xf32> to vector<16xf32>
        %add3A_714 = arith.addf %add3A_602, %get3A_713 : vector<16xf32>
        %add3A_715 = arith.constant 3 : i32
        %add3A_716 = arith.addi %mul3A_281, %add3A_715 : i32
        %get3A_717 = arith.index_cast %add3A_716 : i32 to index
        %get3A_718 = arith.constant 224 : index
        %get3A_719 = tpu.vector_load %arg5[%get3A_717, %get3A_718] {strides = array<i32>} : memref<64x256xf32, #tpu.memory_space<vmem>>, vector<1x16xf32>,
        %get3A_720 = vector.shape_cast %get3A_719 : vector<1x16xf32> to vector<16xf32>
        %add3A_721 = arith.addf %add3A_609, %get3A_720 : vector<16xf32>
        %add3A_722 = arith.constant 3 : i32
        %add3A_723 = arith.addi %mul3A_281, %add3A_722 : i32
        %get3A_724 = arith.index_cast %add3A_723 : i32 to index
        %get3A_725 = arith.constant 240 : index
        %get3A_726 = tpu.vector_load %arg5[%get3A_724, %get3A_725] {strides = array<i32>} : memref<64x256xf32, #tpu.memory_space<vmem>>, vector<1x16xf32>,
        %get3A_727 = vector.shape_cast %get3A_726 : vector<1x16xf32> to vector<16xf32>
        %add3A_728 = arith.addf %add3A_616, %get3A_727 : vector<16xf32>
        scf.yield %add3A_623, %add3A_630, %add3A_637, %add3A_644, %add3A_651, %add3A_658, %add3A_665, %add3A_672, %add3A_679, %add3A_686, %add3A_693, %add3A_700, %add3A_707, %add3A_714, %add3A_721, %add3A_728 : vector<16xf32>, vector<16xf32>, vector<16xf32>, vector<16xf32>, vector<16xf32>, vector<16xf32>, vector<16xf32>, vector<16xf32>, vector<16xf32>, vector<16xf32>, vector<16xf32>, vector<16xf32>, vector<16xf32>, vector<16xf32>, vector<16xf32>, vector<16xf32>
      }
      %scan3A_209 = arith.constant 16 : i32
      %add3A_210 = arith.constant 4 : i32
      %add3A_211 = arith.addi %add3A_195, %add3A_210 : i32
      %lt3A_212 = arith.constant 24 : i32
      %lt3A_213 = arith.cmpi slt, %add3A_211, %lt3A_212 : i32
      %convert_element_type3A_214 = arith.extui %lt3A_213 : i1 to i32
      %cond3A_215 = arith.constant 0 : i32
      %cond3A_216 = arith.cmpi ne, %convert_element_type3A_214, %cond3A_215 : i32
      scf.if %cond3A_216 {
        %add3A_263 = arith.constant 4 : i32
        %add3A_264 = arith.addi %add3A_195, %add3A_263 : i32
        %mul3A_265 = arith.constant 64 : i32
        %mul3A_266 = arith.muli %add3A_264, %mul3A_265 : i32
        %add3A_267 = arith.constant 2560 : i32
        %add3A_268 = arith.addi %add3A_267, %mul3A_266 : i32
        %dma_start3A_269 = tpu.memref_slice %arg2[%select_n3A, %add3A_268, %mul3A_32] : memref<4x4096x2048xf32, #tpu.memory_space<hbm>> -> memref<1x64x256xf32, #tpu.memory_space<hbm>>
        %dma_start3A_270 = tpu.memref_squeeze %dma_start3A_269 : memref<1x64x256xf32, #tpu.memory_space<hbm>> -> memref<64x256xf32, #tpu.memory_space<hbm>>
        %dma_start3A_271 = tpu.memref_slice %arg2[%select_n3A, %add3A_268, %mul3A_32] : memref<4x4096x2048xf32, #tpu.memory_space<hbm>> -> memref<1x64x256xf32, #tpu.memory_space<hbm>>
        %dma_start3A_272 = tpu.memref_squeeze %dma_start3A_271 : memref<1x64x256xf32, #tpu.memory_space<hbm>> -> memref<64x256xf32, #tpu.memory_space<hbm>>
        tpu.enqueue_dma source(%dma_start3A_272 : memref<64x256xf32, #tpu.memory_space<hbm>>) target(%arg5 : memref<64x256xf32, #tpu.memory_space<vmem>>) target_semaphore(%arg10 : memref<!tpu.dma_semaphore, #tpu.memory_space<semaphore_mem>>)
      } else {
      }
      %add3A_217 = arith.constant 2 : i32
      %add3A_218 = arith.addi %mul3A_173, %add3A_217 : i32
      %mul3A_219 = arith.constant 64 : i32
      %mul3A_220 = arith.muli %add3A_218, %mul3A_219 : i32
      %add3A_221 = arith.constant 2560 : i32
      %add3A_222 = arith.addi %add3A_221, %mul3A_220 : i32
      %dma_wait3A_223 = tpu.memref_slice %arg2[%select_n3A, %add3A_222, %mul3A_32] : memref<4x4096x2048xf32, #tpu.memory_space<hbm>> -> memref<1x64x256xf32, #tpu.memory_space<hbm>>
      %dma_wait3A_224 = tpu.memref_squeeze %dma_wait3A_223 : memref<1x64x256xf32, #tpu.memory_space<hbm>> -> memref<64x256xf32, #tpu.memory_space<hbm>>
      %dma_wait3A_225 = tpu.memref_slice %arg2[%select_n3A, %add3A_222, %mul3A_32] : memref<4x4096x2048xf32, #tpu.memory_space<hbm>> -> memref<1x64x256xf32, #tpu.memory_space<hbm>>
      %dma_wait3A_226 = tpu.memref_squeeze %dma_wait3A_225 : memref<1x64x256xf32, #tpu.memory_space<hbm>> -> memref<64x256xf32, #tpu.memory_space<hbm>>
      tpu.wait_dma2 semaphore(%arg11 : memref<!tpu.dma_semaphore, #tpu.memory_space<semaphore_mem>>) src(%dma_wait3A_226 : memref<64x256xf32, #tpu.memory_space<hbm>>) dst(%arg6 : memref<64x256xf32, #tpu.memory_space<vmem>>)
      %scan3A_227 = arith.constant 0 : i32
      %scan3A_228 = arith.constant 16 : i32
      %scan3A_229 = arith.addi %scan3A_227, %scan3A_228 : i32
      %scan3A_230 = arith.constant 1 : i32
      %scan3A_231:16 = scf.for %scan3A_263 = %scan3A_227 to %scan3A_229 step %scan3A_230 iter_args(%scan3A_264 = %scan3A_208#0, %scan3A_265 = %scan3A_208#1, %scan3A_266 = %scan3A_208#2, %scan3A_267 = %scan3A_208#3, %scan3A_268 = %scan3A_208#4, %scan3A_269 = %scan3A_208#5, %scan3A_270 = %scan3A_208#6, %scan3A_271 = %scan3A_208#7, %scan3A_272 = %scan3A_208#8, %scan3A_273 = %scan3A_208#9, %scan3A_274 = %scan3A_208#10, %scan3A_275 = %scan3A_208#11, %scan3A_276 = %scan3A_208#12, %scan3A_277 = %scan3A_208#13, %scan3A_278 = %scan3A_208#14, %scan3A_279 = %scan3A_208#15) -> (vector<16xf32>, vector<16xf32>, vector<16xf32>, vector<16xf32>, vector<16xf32>, vector<16xf32>, vector<16xf32>, vector<16xf32>, vector<16xf32>, vector<16xf32>, vector<16xf32>, vector<16xf32>, vector<16xf32>, vector<16xf32>, vector<16xf32>, vector<16xf32>)  : i32 {
        %mul3A_280 = arith.constant 4 : i32
        %mul3A_281 = arith.muli %scan3A_263, %mul3A_280 : i32
        %add3A_282 = arith.constant 0 : i32
        %add3A_283 = arith.addi %mul3A_281, %add3A_282 : i32
        %get3A = arith.index_cast %add3A_283 : i32 to index
        %get3A_284 = arith.constant 0 : index
        %get3A_285 = tpu.vector_load %arg6[%get3A, %get3A_284] {strides = array<i32>} : memref<64x256xf32, #tpu.memory_space<vmem>>, vector<1x16xf32>,
        %get3A_286 = vector.shape_cast %get3A_285 : vector<1x16xf32> to vector<16xf32>
        %add3A_287 = arith.addf %scan3A_264, %get3A_286 : vector<16xf32>
        %add3A_288 = arith.constant 0 : i32
        %add3A_289 = arith.addi %mul3A_281, %add3A_288 : i32
        %get3A_290 = arith.index_cast %add3A_289 : i32 to index
        %get3A_291 = arith.constant 16 : index
        %get3A_292 = tpu.vector_load %arg6[%get3A_290, %get3A_291] {strides = array<i32>} : memref<64x256xf32, #tpu.memory_space<vmem>>, vector<1x16xf32>,
        %get3A_293 = vector.shape_cast %get3A_292 : vector<1x16xf32> to vector<16xf32>
        %add3A_294 = arith.addf %scan3A_265, %get3A_293 : vector<16xf32>
        %add3A_295 = arith.constant 0 : i32
        %add3A_296 = arith.addi %mul3A_281, %add3A_295 : i32
        %get3A_297 = arith.index_cast %add3A_296 : i32 to index
        %get3A_298 = arith.constant 32 : index
        %get3A_299 = tpu.vector_load %arg6[%get3A_297, %get3A_298] {strides = array<i32>} : memref<64x256xf32, #tpu.memory_space<vmem>>, vector<1x16xf32>,
        %get3A_300 = vector.shape_cast %get3A_299 : vector<1x16xf32> to vector<16xf32>
        %add3A_301 = arith.addf %scan3A_266, %get3A_300 : vector<16xf32>
        %add3A_302 = arith.constant 0 : i32
        %add3A_303 = arith.addi %mul3A_281, %add3A_302 : i32
        %get3A_304 = arith.index_cast %add3A_303 : i32 to index
        %get3A_305 = arith.constant 48 : index
        %get3A_306 = tpu.vector_load %arg6[%get3A_304, %get3A_305] {strides = array<i32>} : memref<64x256xf32, #tpu.memory_space<vmem>>, vector<1x16xf32>,
        %get3A_307 = vector.shape_cast %get3A_306 : vector<1x16xf32> to vector<16xf32>
        %add3A_308 = arith.addf %scan3A_267, %get3A_307 : vector<16xf32>
        %add3A_309 = arith.constant 0 : i32
        %add3A_310 = arith.addi %mul3A_281, %add3A_309 : i32
        %get3A_311 = arith.index_cast %add3A_310 : i32 to index
        %get3A_312 = arith.constant 64 : index
        %get3A_313 = tpu.vector_load %arg6[%get3A_311, %get3A_312] {strides = array<i32>} : memref<64x256xf32, #tpu.memory_space<vmem>>, vector<1x16xf32>,
        %get3A_314 = vector.shape_cast %get3A_313 : vector<1x16xf32> to vector<16xf32>
        %add3A_315 = arith.addf %scan3A_268, %get3A_314 : vector<16xf32>
        %add3A_316 = arith.constant 0 : i32
        %add3A_317 = arith.addi %mul3A_281, %add3A_316 : i32
        %get3A_318 = arith.index_cast %add3A_317 : i32 to index
        %get3A_319 = arith.constant 80 : index
        %get3A_320 = tpu.vector_load %arg6[%get3A_318, %get3A_319] {strides = array<i32>} : memref<64x256xf32, #tpu.memory_space<vmem>>, vector<1x16xf32>,
        %get3A_321 = vector.shape_cast %get3A_320 : vector<1x16xf32> to vector<16xf32>
        %add3A_322 = arith.addf %scan3A_269, %get3A_321 : vector<16xf32>
        %add3A_323 = arith.constant 0 : i32
        %add3A_324 = arith.addi %mul3A_281, %add3A_323 : i32
        %get3A_325 = arith.index_cast %add3A_324 : i32 to index
        %get3A_326 = arith.constant 96 : index
        %get3A_327 = tpu.vector_load %arg6[%get3A_325, %get3A_326] {strides = array<i32>} : memref<64x256xf32, #tpu.memory_space<vmem>>, vector<1x16xf32>,
        %get3A_328 = vector.shape_cast %get3A_327 : vector<1x16xf32> to vector<16xf32>
        %add3A_329 = arith.addf %scan3A_270, %get3A_328 : vector<16xf32>
        %add3A_330 = arith.constant 0 : i32
        %add3A_331 = arith.addi %mul3A_281, %add3A_330 : i32
        %get3A_332 = arith.index_cast %add3A_331 : i32 to index
        %get3A_333 = arith.constant 112 : index
        %get3A_334 = tpu.vector_load %arg6[%get3A_332, %get3A_333] {strides = array<i32>} : memref<64x256xf32, #tpu.memory_space<vmem>>, vector<1x16xf32>,
        %get3A_335 = vector.shape_cast %get3A_334 : vector<1x16xf32> to vector<16xf32>
        %add3A_336 = arith.addf %scan3A_271, %get3A_335 : vector<16xf32>
        %add3A_337 = arith.constant 0 : i32
        %add3A_338 = arith.addi %mul3A_281, %add3A_337 : i32
        %get3A_339 = arith.index_cast %add3A_338 : i32 to index
        %get3A_340 = arith.constant 128 : index
        %get3A_341 = tpu.vector_load %arg6[%get3A_339, %get3A_340] {strides = array<i32>} : memref<64x256xf32, #tpu.memory_space<vmem>>, vector<1x16xf32>,
        %get3A_342 = vector.shape_cast %get3A_341 : vector<1x16xf32> to vector<16xf32>
        %add3A_343 = arith.addf %scan3A_272, %get3A_342 : vector<16xf32>
        %add3A_344 = arith.constant 0 : i32
        %add3A_345 = arith.addi %mul3A_281, %add3A_344 : i32
        %get3A_346 = arith.index_cast %add3A_345 : i32 to index
        %get3A_347 = arith.constant 144 : index
        %get3A_348 = tpu.vector_load %arg6[%get3A_346, %get3A_347] {strides = array<i32>} : memref<64x256xf32, #tpu.memory_space<vmem>>, vector<1x16xf32>,
        %get3A_349 = vector.shape_cast %get3A_348 : vector<1x16xf32> to vector<16xf32>
        %add3A_350 = arith.addf %scan3A_273, %get3A_349 : vector<16xf32>
        %add3A_351 = arith.constant 0 : i32
        %add3A_352 = arith.addi %mul3A_281, %add3A_351 : i32
        %get3A_353 = arith.index_cast %add3A_352 : i32 to index
        %get3A_354 = arith.constant 160 : index
        %get3A_355 = tpu.vector_load %arg6[%get3A_353, %get3A_354] {strides = array<i32>} : memref<64x256xf32, #tpu.memory_space<vmem>>, vector<1x16xf32>,
        %get3A_356 = vector.shape_cast %get3A_355 : vector<1x16xf32> to vector<16xf32>
        %add3A_357 = arith.addf %scan3A_274, %get3A_356 : vector<16xf32>
        %add3A_358 = arith.constant 0 : i32
        %add3A_359 = arith.addi %mul3A_281, %add3A_358 : i32
        %get3A_360 = arith.index_cast %add3A_359 : i32 to index
        %get3A_361 = arith.constant 176 : index
        %get3A_362 = tpu.vector_load %arg6[%get3A_360, %get3A_361] {strides = array<i32>} : memref<64x256xf32, #tpu.memory_space<vmem>>, vector<1x16xf32>,
        %get3A_363 = vector.shape_cast %get3A_362 : vector<1x16xf32> to vector<16xf32>
        %add3A_364 = arith.addf %scan3A_275, %get3A_363 : vector<16xf32>
        %add3A_365 = arith.constant 0 : i32
        %add3A_366 = arith.addi %mul3A_281, %add3A_365 : i32
        %get3A_367 = arith.index_cast %add3A_366 : i32 to index
        %get3A_368 = arith.constant 192 : index
        %get3A_369 = tpu.vector_load %arg6[%get3A_367, %get3A_368] {strides = array<i32>} : memref<64x256xf32, #tpu.memory_space<vmem>>, vector<1x16xf32>,
        %get3A_370 = vector.shape_cast %get3A_369 : vector<1x16xf32> to vector<16xf32>
        %add3A_371 = arith.addf %scan3A_276, %get3A_370 : vector<16xf32>
        %add3A_372 = arith.constant 0 : i32
        %add3A_373 = arith.addi %mul3A_281, %add3A_372 : i32
        %get3A_374 = arith.index_cast %add3A_373 : i32 to index
        %get3A_375 = arith.constant 208 : index
        %get3A_376 = tpu.vector_load %arg6[%get3A_374, %get3A_375] {strides = array<i32>} : memref<64x256xf32, #tpu.memory_space<vmem>>, vector<1x16xf32>,
        %get3A_377 = vector.shape_cast %get3A_376 : vector<1x16xf32> to vector<16xf32>
        %add3A_378 = arith.addf %scan3A_277, %get3A_377 : vector<16xf32>
        %add3A_379 = arith.constant 0 : i32
        %add3A_380 = arith.addi %mul3A_281, %add3A_379 : i32
        %get3A_381 = arith.index_cast %add3A_380 : i32 to index
        %get3A_382 = arith.constant 224 : index
        %get3A_383 = tpu.vector_load %arg6[%get3A_381, %get3A_382] {strides = array<i32>} : memref<64x256xf32, #tpu.memory_space<vmem>>, vector<1x16xf32>,
        %get3A_384 = vector.shape_cast %get3A_383 : vector<1x16xf32> to vector<16xf32>
        %add3A_385 = arith.addf %scan3A_278, %get3A_384 : vector<16xf32>
        %add3A_386 = arith.constant 0 : i32
        %add3A_387 = arith.addi %mul3A_281, %add3A_386 : i32
        %get3A_388 = arith.index_cast %add3A_387 : i32 to index
        %get3A_389 = arith.constant 240 : index
        %get3A_390 = tpu.vector_load %arg6[%get3A_388, %get3A_389] {strides = array<i32>} : memref<64x256xf32, #tpu.memory_space<vmem>>, vector<1x16xf32>,
        %get3A_391 = vector.shape_cast %get3A_390 : vector<1x16xf32> to vector<16xf32>
        %add3A_392 = arith.addf %scan3A_279, %get3A_391 : vector<16xf32>
        %add3A_393 = arith.constant 1 : i32
        %add3A_394 = arith.addi %mul3A_281, %add3A_393 : i32
        %get3A_395 = arith.index_cast %add3A_394 : i32 to index
        %get3A_396 = arith.constant 0 : index
        %get3A_397 = tpu.vector_load %arg6[%get3A_395, %get3A_396] {strides = array<i32>} : memref<64x256xf32, #tpu.memory_space<vmem>>, vector<1x16xf32>,
        %get3A_398 = vector.shape_cast %get3A_397 : vector<1x16xf32> to vector<16xf32>
        %add3A_399 = arith.addf %add3A_287, %get3A_398 : vector<16xf32>
        %add3A_400 = arith.constant 1 : i32
        %add3A_401 = arith.addi %mul3A_281, %add3A_400 : i32
        %get3A_402 = arith.index_cast %add3A_401 : i32 to index
        %get3A_403 = arith.constant 16 : index
        %get3A_404 = tpu.vector_load %arg6[%get3A_402, %get3A_403] {strides = array<i32>} : memref<64x256xf32, #tpu.memory_space<vmem>>, vector<1x16xf32>,
        %get3A_405 = vector.shape_cast %get3A_404 : vector<1x16xf32> to vector<16xf32>
        %add3A_406 = arith.addf %add3A_294, %get3A_405 : vector<16xf32>
        %add3A_407 = arith.constant 1 : i32
        %add3A_408 = arith.addi %mul3A_281, %add3A_407 : i32
        %get3A_409 = arith.index_cast %add3A_408 : i32 to index
        %get3A_410 = arith.constant 32 : index
        %get3A_411 = tpu.vector_load %arg6[%get3A_409, %get3A_410] {strides = array<i32>} : memref<64x256xf32, #tpu.memory_space<vmem>>, vector<1x16xf32>,
        %get3A_412 = vector.shape_cast %get3A_411 : vector<1x16xf32> to vector<16xf32>
        %add3A_413 = arith.addf %add3A_301, %get3A_412 : vector<16xf32>
        %add3A_414 = arith.constant 1 : i32
        %add3A_415 = arith.addi %mul3A_281, %add3A_414 : i32
        %get3A_416 = arith.index_cast %add3A_415 : i32 to index
        %get3A_417 = arith.constant 48 : index
        %get3A_418 = tpu.vector_load %arg6[%get3A_416, %get3A_417] {strides = array<i32>} : memref<64x256xf32, #tpu.memory_space<vmem>>, vector<1x16xf32>,
        %get3A_419 = vector.shape_cast %get3A_418 : vector<1x16xf32> to vector<16xf32>
        %add3A_420 = arith.addf %add3A_308, %get3A_419 : vector<16xf32>
        %add3A_421 = arith.constant 1 : i32
        %add3A_422 = arith.addi %mul3A_281, %add3A_421 : i32
        %get3A_423 = arith.index_cast %add3A_422 : i32 to index
        %get3A_424 = arith.constant 64 : index
        %get3A_425 = tpu.vector_load %arg6[%get3A_423, %get3A_424] {strides = array<i32>} : memref<64x256xf32, #tpu.memory_space<vmem>>, vector<1x16xf32>,
        %get3A_426 = vector.shape_cast %get3A_425 : vector<1x16xf32> to vector<16xf32>
        %add3A_427 = arith.addf %add3A_315, %get3A_426 : vector<16xf32>
        %add3A_428 = arith.constant 1 : i32
        %add3A_429 = arith.addi %mul3A_281, %add3A_428 : i32
        %get3A_430 = arith.index_cast %add3A_429 : i32 to index
        %get3A_431 = arith.constant 80 : index
        %get3A_432 = tpu.vector_load %arg6[%get3A_430, %get3A_431] {strides = array<i32>} : memref<64x256xf32, #tpu.memory_space<vmem>>, vector<1x16xf32>,
        %get3A_433 = vector.shape_cast %get3A_432 : vector<1x16xf32> to vector<16xf32>
        %add3A_434 = arith.addf %add3A_322, %get3A_433 : vector<16xf32>
        %add3A_435 = arith.constant 1 : i32
        %add3A_436 = arith.addi %mul3A_281, %add3A_435 : i32
        %get3A_437 = arith.index_cast %add3A_436 : i32 to index
        %get3A_438 = arith.constant 96 : index
        %get3A_439 = tpu.vector_load %arg6[%get3A_437, %get3A_438] {strides = array<i32>} : memref<64x256xf32, #tpu.memory_space<vmem>>, vector<1x16xf32>,
        %get3A_440 = vector.shape_cast %get3A_439 : vector<1x16xf32> to vector<16xf32>
        %add3A_441 = arith.addf %add3A_329, %get3A_440 : vector<16xf32>
        %add3A_442 = arith.constant 1 : i32
        %add3A_443 = arith.addi %mul3A_281, %add3A_442 : i32
        %get3A_444 = arith.index_cast %add3A_443 : i32 to index
        %get3A_445 = arith.constant 112 : index
        %get3A_446 = tpu.vector_load %arg6[%get3A_444, %get3A_445] {strides = array<i32>} : memref<64x256xf32, #tpu.memory_space<vmem>>, vector<1x16xf32>,
        %get3A_447 = vector.shape_cast %get3A_446 : vector<1x16xf32> to vector<16xf32>
        %add3A_448 = arith.addf %add3A_336, %get3A_447 : vector<16xf32>
        %add3A_449 = arith.constant 1 : i32
        %add3A_450 = arith.addi %mul3A_281, %add3A_449 : i32
        %get3A_451 = arith.index_cast %add3A_450 : i32 to index
        %get3A_452 = arith.constant 128 : index
        %get3A_453 = tpu.vector_load %arg6[%get3A_451, %get3A_452] {strides = array<i32>} : memref<64x256xf32, #tpu.memory_space<vmem>>, vector<1x16xf32>,
        %get3A_454 = vector.shape_cast %get3A_453 : vector<1x16xf32> to vector<16xf32>
        %add3A_455 = arith.addf %add3A_343, %get3A_454 : vector<16xf32>
        %add3A_456 = arith.constant 1 : i32
        %add3A_457 = arith.addi %mul3A_281, %add3A_456 : i32
        %get3A_458 = arith.index_cast %add3A_457 : i32 to index
        %get3A_459 = arith.constant 144 : index
        %get3A_460 = tpu.vector_load %arg6[%get3A_458, %get3A_459] {strides = array<i32>} : memref<64x256xf32, #tpu.memory_space<vmem>>, vector<1x16xf32>,
        %get3A_461 = vector.shape_cast %get3A_460 : vector<1x16xf32> to vector<16xf32>
        %add3A_462 = arith.addf %add3A_350, %get3A_461 : vector<16xf32>
        %add3A_463 = arith.constant 1 : i32
        %add3A_464 = arith.addi %mul3A_281, %add3A_463 : i32
        %get3A_465 = arith.index_cast %add3A_464 : i32 to index
        %get3A_466 = arith.constant 160 : index
        %get3A_467 = tpu.vector_load %arg6[%get3A_465, %get3A_466] {strides = array<i32>} : memref<64x256xf32, #tpu.memory_space<vmem>>, vector<1x16xf32>,
        %get3A_468 = vector.shape_cast %get3A_467 : vector<1x16xf32> to vector<16xf32>
        %add3A_469 = arith.addf %add3A_357, %get3A_468 : vector<16xf32>
        %add3A_470 = arith.constant 1 : i32
        %add3A_471 = arith.addi %mul3A_281, %add3A_470 : i32
        %get3A_472 = arith.index_cast %add3A_471 : i32 to index
        %get3A_473 = arith.constant 176 : index
        %get3A_474 = tpu.vector_load %arg6[%get3A_472, %get3A_473] {strides = array<i32>} : memref<64x256xf32, #tpu.memory_space<vmem>>, vector<1x16xf32>,
        %get3A_475 = vector.shape_cast %get3A_474 : vector<1x16xf32> to vector<16xf32>
        %add3A_476 = arith.addf %add3A_364, %get3A_475 : vector<16xf32>
        %add3A_477 = arith.constant 1 : i32
        %add3A_478 = arith.addi %mul3A_281, %add3A_477 : i32
        %get3A_479 = arith.index_cast %add3A_478 : i32 to index
        %get3A_480 = arith.constant 192 : index
        %get3A_481 = tpu.vector_load %arg6[%get3A_479, %get3A_480] {strides = array<i32>} : memref<64x256xf32, #tpu.memory_space<vmem>>, vector<1x16xf32>,
        %get3A_482 = vector.shape_cast %get3A_481 : vector<1x16xf32> to vector<16xf32>
        %add3A_483 = arith.addf %add3A_371, %get3A_482 : vector<16xf32>
        %add3A_484 = arith.constant 1 : i32
        %add3A_485 = arith.addi %mul3A_281, %add3A_484 : i32
        %get3A_486 = arith.index_cast %add3A_485 : i32 to index
        %get3A_487 = arith.constant 208 : index
        %get3A_488 = tpu.vector_load %arg6[%get3A_486, %get3A_487] {strides = array<i32>} : memref<64x256xf32, #tpu.memory_space<vmem>>, vector<1x16xf32>,
        %get3A_489 = vector.shape_cast %get3A_488 : vector<1x16xf32> to vector<16xf32>
        %add3A_490 = arith.addf %add3A_378, %get3A_489 : vector<16xf32>
        %add3A_491 = arith.constant 1 : i32
        %add3A_492 = arith.addi %mul3A_281, %add3A_491 : i32
        %get3A_493 = arith.index_cast %add3A_492 : i32 to index
        %get3A_494 = arith.constant 224 : index
        %get3A_495 = tpu.vector_load %arg6[%get3A_493, %get3A_494] {strides = array<i32>} : memref<64x256xf32, #tpu.memory_space<vmem>>, vector<1x16xf32>,
        %get3A_496 = vector.shape_cast %get3A_495 : vector<1x16xf32> to vector<16xf32>
        %add3A_497 = arith.addf %add3A_385, %get3A_496 : vector<16xf32>
        %add3A_498 = arith.constant 1 : i32
        %add3A_499 = arith.addi %mul3A_281, %add3A_498 : i32
        %get3A_500 = arith.index_cast %add3A_499 : i32 to index
        %get3A_501 = arith.constant 240 : index
        %get3A_502 = tpu.vector_load %arg6[%get3A_500, %get3A_501] {strides = array<i32>} : memref<64x256xf32, #tpu.memory_space<vmem>>, vector<1x16xf32>,
        %get3A_503 = vector.shape_cast %get3A_502 : vector<1x16xf32> to vector<16xf32>
        %add3A_504 = arith.addf %add3A_392, %get3A_503 : vector<16xf32>
        %add3A_505 = arith.constant 2 : i32
        %add3A_506 = arith.addi %mul3A_281, %add3A_505 : i32
        %get3A_507 = arith.index_cast %add3A_506 : i32 to index
        %get3A_508 = arith.constant 0 : index
        %get3A_509 = tpu.vector_load %arg6[%get3A_507, %get3A_508] {strides = array<i32>} : memref<64x256xf32, #tpu.memory_space<vmem>>, vector<1x16xf32>,
        %get3A_510 = vector.shape_cast %get3A_509 : vector<1x16xf32> to vector<16xf32>
        %add3A_511 = arith.addf %add3A_399, %get3A_510 : vector<16xf32>
        %add3A_512 = arith.constant 2 : i32
        %add3A_513 = arith.addi %mul3A_281, %add3A_512 : i32
        %get3A_514 = arith.index_cast %add3A_513 : i32 to index
        %get3A_515 = arith.constant 16 : index
        %get3A_516 = tpu.vector_load %arg6[%get3A_514, %get3A_515] {strides = array<i32>} : memref<64x256xf32, #tpu.memory_space<vmem>>, vector<1x16xf32>,
        %get3A_517 = vector.shape_cast %get3A_516 : vector<1x16xf32> to vector<16xf32>
        %add3A_518 = arith.addf %add3A_406, %get3A_517 : vector<16xf32>
        %add3A_519 = arith.constant 2 : i32
        %add3A_520 = arith.addi %mul3A_281, %add3A_519 : i32
        %get3A_521 = arith.index_cast %add3A_520 : i32 to index
        %get3A_522 = arith.constant 32 : index
        %get3A_523 = tpu.vector_load %arg6[%get3A_521, %get3A_522] {strides = array<i32>} : memref<64x256xf32, #tpu.memory_space<vmem>>, vector<1x16xf32>,
        %get3A_524 = vector.shape_cast %get3A_523 : vector<1x16xf32> to vector<16xf32>
        %add3A_525 = arith.addf %add3A_413, %get3A_524 : vector<16xf32>
        %add3A_526 = arith.constant 2 : i32
        %add3A_527 = arith.addi %mul3A_281, %add3A_526 : i32
        %get3A_528 = arith.index_cast %add3A_527 : i32 to index
        %get3A_529 = arith.constant 48 : index
        %get3A_530 = tpu.vector_load %arg6[%get3A_528, %get3A_529] {strides = array<i32>} : memref<64x256xf32, #tpu.memory_space<vmem>>, vector<1x16xf32>,
        %get3A_531 = vector.shape_cast %get3A_530 : vector<1x16xf32> to vector<16xf32>
        %add3A_532 = arith.addf %add3A_420, %get3A_531 : vector<16xf32>
        %add3A_533 = arith.constant 2 : i32
        %add3A_534 = arith.addi %mul3A_281, %add3A_533 : i32
        %get3A_535 = arith.index_cast %add3A_534 : i32 to index
        %get3A_536 = arith.constant 64 : index
        %get3A_537 = tpu.vector_load %arg6[%get3A_535, %get3A_536] {strides = array<i32>} : memref<64x256xf32, #tpu.memory_space<vmem>>, vector<1x16xf32>,
        %get3A_538 = vector.shape_cast %get3A_537 : vector<1x16xf32> to vector<16xf32>
        %add3A_539 = arith.addf %add3A_427, %get3A_538 : vector<16xf32>
        %add3A_540 = arith.constant 2 : i32
        %add3A_541 = arith.addi %mul3A_281, %add3A_540 : i32
        %get3A_542 = arith.index_cast %add3A_541 : i32 to index
        %get3A_543 = arith.constant 80 : index
        %get3A_544 = tpu.vector_load %arg6[%get3A_542, %get3A_543] {strides = array<i32>} : memref<64x256xf32, #tpu.memory_space<vmem>>, vector<1x16xf32>,
        %get3A_545 = vector.shape_cast %get3A_544 : vector<1x16xf32> to vector<16xf32>
        %add3A_546 = arith.addf %add3A_434, %get3A_545 : vector<16xf32>
        %add3A_547 = arith.constant 2 : i32
        %add3A_548 = arith.addi %mul3A_281, %add3A_547 : i32
        %get3A_549 = arith.index_cast %add3A_548 : i32 to index
        %get3A_550 = arith.constant 96 : index
        %get3A_551 = tpu.vector_load %arg6[%get3A_549, %get3A_550] {strides = array<i32>} : memref<64x256xf32, #tpu.memory_space<vmem>>, vector<1x16xf32>,
        %get3A_552 = vector.shape_cast %get3A_551 : vector<1x16xf32> to vector<16xf32>
        %add3A_553 = arith.addf %add3A_441, %get3A_552 : vector<16xf32>
        %add3A_554 = arith.constant 2 : i32
        %add3A_555 = arith.addi %mul3A_281, %add3A_554 : i32
        %get3A_556 = arith.index_cast %add3A_555 : i32 to index
        %get3A_557 = arith.constant 112 : index
        %get3A_558 = tpu.vector_load %arg6[%get3A_556, %get3A_557] {strides = array<i32>} : memref<64x256xf32, #tpu.memory_space<vmem>>, vector<1x16xf32>,
        %get3A_559 = vector.shape_cast %get3A_558 : vector<1x16xf32> to vector<16xf32>
        %add3A_560 = arith.addf %add3A_448, %get3A_559 : vector<16xf32>
        %add3A_561 = arith.constant 2 : i32
        %add3A_562 = arith.addi %mul3A_281, %add3A_561 : i32
        %get3A_563 = arith.index_cast %add3A_562 : i32 to index
        %get3A_564 = arith.constant 128 : index
        %get3A_565 = tpu.vector_load %arg6[%get3A_563, %get3A_564] {strides = array<i32>} : memref<64x256xf32, #tpu.memory_space<vmem>>, vector<1x16xf32>,
        %get3A_566 = vector.shape_cast %get3A_565 : vector<1x16xf32> to vector<16xf32>
        %add3A_567 = arith.addf %add3A_455, %get3A_566 : vector<16xf32>
        %add3A_568 = arith.constant 2 : i32
        %add3A_569 = arith.addi %mul3A_281, %add3A_568 : i32
        %get3A_570 = arith.index_cast %add3A_569 : i32 to index
        %get3A_571 = arith.constant 144 : index
        %get3A_572 = tpu.vector_load %arg6[%get3A_570, %get3A_571] {strides = array<i32>} : memref<64x256xf32, #tpu.memory_space<vmem>>, vector<1x16xf32>,
        %get3A_573 = vector.shape_cast %get3A_572 : vector<1x16xf32> to vector<16xf32>
        %add3A_574 = arith.addf %add3A_462, %get3A_573 : vector<16xf32>
        %add3A_575 = arith.constant 2 : i32
        %add3A_576 = arith.addi %mul3A_281, %add3A_575 : i32
        %get3A_577 = arith.index_cast %add3A_576 : i32 to index
        %get3A_578 = arith.constant 160 : index
        %get3A_579 = tpu.vector_load %arg6[%get3A_577, %get3A_578] {strides = array<i32>} : memref<64x256xf32, #tpu.memory_space<vmem>>, vector<1x16xf32>,
        %get3A_580 = vector.shape_cast %get3A_579 : vector<1x16xf32> to vector<16xf32>
        %add3A_581 = arith.addf %add3A_469, %get3A_580 : vector<16xf32>
        %add3A_582 = arith.constant 2 : i32
        %add3A_583 = arith.addi %mul3A_281, %add3A_582 : i32
        %get3A_584 = arith.index_cast %add3A_583 : i32 to index
        %get3A_585 = arith.constant 176 : index
        %get3A_586 = tpu.vector_load %arg6[%get3A_584, %get3A_585] {strides = array<i32>} : memref<64x256xf32, #tpu.memory_space<vmem>>, vector<1x16xf32>,
        %get3A_587 = vector.shape_cast %get3A_586 : vector<1x16xf32> to vector<16xf32>
        %add3A_588 = arith.addf %add3A_476, %get3A_587 : vector<16xf32>
        %add3A_589 = arith.constant 2 : i32
        %add3A_590 = arith.addi %mul3A_281, %add3A_589 : i32
        %get3A_591 = arith.index_cast %add3A_590 : i32 to index
        %get3A_592 = arith.constant 192 : index
        %get3A_593 = tpu.vector_load %arg6[%get3A_591, %get3A_592] {strides = array<i32>} : memref<64x256xf32, #tpu.memory_space<vmem>>, vector<1x16xf32>,
        %get3A_594 = vector.shape_cast %get3A_593 : vector<1x16xf32> to vector<16xf32>
        %add3A_595 = arith.addf %add3A_483, %get3A_594 : vector<16xf32>
        %add3A_596 = arith.constant 2 : i32
        %add3A_597 = arith.addi %mul3A_281, %add3A_596 : i32
        %get3A_598 = arith.index_cast %add3A_597 : i32 to index
        %get3A_599 = arith.constant 208 : index
        %get3A_600 = tpu.vector_load %arg6[%get3A_598, %get3A_599] {strides = array<i32>} : memref<64x256xf32, #tpu.memory_space<vmem>>, vector<1x16xf32>,
        %get3A_601 = vector.shape_cast %get3A_600 : vector<1x16xf32> to vector<16xf32>
        %add3A_602 = arith.addf %add3A_490, %get3A_601 : vector<16xf32>
        %add3A_603 = arith.constant 2 : i32
        %add3A_604 = arith.addi %mul3A_281, %add3A_603 : i32
        %get3A_605 = arith.index_cast %add3A_604 : i32 to index
        %get3A_606 = arith.constant 224 : index
        %get3A_607 = tpu.vector_load %arg6[%get3A_605, %get3A_606] {strides = array<i32>} : memref<64x256xf32, #tpu.memory_space<vmem>>, vector<1x16xf32>,
        %get3A_608 = vector.shape_cast %get3A_607 : vector<1x16xf32> to vector<16xf32>
        %add3A_609 = arith.addf %add3A_497, %get3A_608 : vector<16xf32>
        %add3A_610 = arith.constant 2 : i32
        %add3A_611 = arith.addi %mul3A_281, %add3A_610 : i32
        %get3A_612 = arith.index_cast %add3A_611 : i32 to index
        %get3A_613 = arith.constant 240 : index
        %get3A_614 = tpu.vector_load %arg6[%get3A_612, %get3A_613] {strides = array<i32>} : memref<64x256xf32, #tpu.memory_space<vmem>>, vector<1x16xf32>,
        %get3A_615 = vector.shape_cast %get3A_614 : vector<1x16xf32> to vector<16xf32>
        %add3A_616 = arith.addf %add3A_504, %get3A_615 : vector<16xf32>
        %add3A_617 = arith.constant 3 : i32
        %add3A_618 = arith.addi %mul3A_281, %add3A_617 : i32
        %get3A_619 = arith.index_cast %add3A_618 : i32 to index
        %get3A_620 = arith.constant 0 : index
        %get3A_621 = tpu.vector_load %arg6[%get3A_619, %get3A_620] {strides = array<i32>} : memref<64x256xf32, #tpu.memory_space<vmem>>, vector<1x16xf32>,
        %get3A_622 = vector.shape_cast %get3A_621 : vector<1x16xf32> to vector<16xf32>
        %add3A_623 = arith.addf %add3A_511, %get3A_622 : vector<16xf32>
        %add3A_624 = arith.constant 3 : i32
        %add3A_625 = arith.addi %mul3A_281, %add3A_624 : i32
        %get3A_626 = arith.index_cast %add3A_625 : i32 to index
        %get3A_627 = arith.constant 16 : index
        %get3A_628 = tpu.vector_load %arg6[%get3A_626, %get3A_627] {strides = array<i32>} : memref<64x256xf32, #tpu.memory_space<vmem>>, vector<1x16xf32>,
        %get3A_629 = vector.shape_cast %get3A_628 : vector<1x16xf32> to vector<16xf32>
        %add3A_630 = arith.addf %add3A_518, %get3A_629 : vector<16xf32>
        %add3A_631 = arith.constant 3 : i32
        %add3A_632 = arith.addi %mul3A_281, %add3A_631 : i32
        %get3A_633 = arith.index_cast %add3A_632 : i32 to index
        %get3A_634 = arith.constant 32 : index
        %get3A_635 = tpu.vector_load %arg6[%get3A_633, %get3A_634] {strides = array<i32>} : memref<64x256xf32, #tpu.memory_space<vmem>>, vector<1x16xf32>,
        %get3A_636 = vector.shape_cast %get3A_635 : vector<1x16xf32> to vector<16xf32>
        %add3A_637 = arith.addf %add3A_525, %get3A_636 : vector<16xf32>
        %add3A_638 = arith.constant 3 : i32
        %add3A_639 = arith.addi %mul3A_281, %add3A_638 : i32
        %get3A_640 = arith.index_cast %add3A_639 : i32 to index
        %get3A_641 = arith.constant 48 : index
        %get3A_642 = tpu.vector_load %arg6[%get3A_640, %get3A_641] {strides = array<i32>} : memref<64x256xf32, #tpu.memory_space<vmem>>, vector<1x16xf32>,
        %get3A_643 = vector.shape_cast %get3A_642 : vector<1x16xf32> to vector<16xf32>
        %add3A_644 = arith.addf %add3A_532, %get3A_643 : vector<16xf32>
        %add3A_645 = arith.constant 3 : i32
        %add3A_646 = arith.addi %mul3A_281, %add3A_645 : i32
        %get3A_647 = arith.index_cast %add3A_646 : i32 to index
        %get3A_648 = arith.constant 64 : index
        %get3A_649 = tpu.vector_load %arg6[%get3A_647, %get3A_648] {strides = array<i32>} : memref<64x256xf32, #tpu.memory_space<vmem>>, vector<1x16xf32>,
        %get3A_650 = vector.shape_cast %get3A_649 : vector<1x16xf32> to vector<16xf32>
        %add3A_651 = arith.addf %add3A_539, %get3A_650 : vector<16xf32>
        %add3A_652 = arith.constant 3 : i32
        %add3A_653 = arith.addi %mul3A_281, %add3A_652 : i32
        %get3A_654 = arith.index_cast %add3A_653 : i32 to index
        %get3A_655 = arith.constant 80 : index
        %get3A_656 = tpu.vector_load %arg6[%get3A_654, %get3A_655] {strides = array<i32>} : memref<64x256xf32, #tpu.memory_space<vmem>>, vector<1x16xf32>,
        %get3A_657 = vector.shape_cast %get3A_656 : vector<1x16xf32> to vector<16xf32>
        %add3A_658 = arith.addf %add3A_546, %get3A_657 : vector<16xf32>
        %add3A_659 = arith.constant 3 : i32
        %add3A_660 = arith.addi %mul3A_281, %add3A_659 : i32
        %get3A_661 = arith.index_cast %add3A_660 : i32 to index
        %get3A_662 = arith.constant 96 : index
        %get3A_663 = tpu.vector_load %arg6[%get3A_661, %get3A_662] {strides = array<i32>} : memref<64x256xf32, #tpu.memory_space<vmem>>, vector<1x16xf32>,
        %get3A_664 = vector.shape_cast %get3A_663 : vector<1x16xf32> to vector<16xf32>
        %add3A_665 = arith.addf %add3A_553, %get3A_664 : vector<16xf32>
        %add3A_666 = arith.constant 3 : i32
        %add3A_667 = arith.addi %mul3A_281, %add3A_666 : i32
        %get3A_668 = arith.index_cast %add3A_667 : i32 to index
        %get3A_669 = arith.constant 112 : index
        %get3A_670 = tpu.vector_load %arg6[%get3A_668, %get3A_669] {strides = array<i32>} : memref<64x256xf32, #tpu.memory_space<vmem>>, vector<1x16xf32>,
        %get3A_671 = vector.shape_cast %get3A_670 : vector<1x16xf32> to vector<16xf32>
        %add3A_672 = arith.addf %add3A_560, %get3A_671 : vector<16xf32>
        %add3A_673 = arith.constant 3 : i32
        %add3A_674 = arith.addi %mul3A_281, %add3A_673 : i32
        %get3A_675 = arith.index_cast %add3A_674 : i32 to index
        %get3A_676 = arith.constant 128 : index
        %get3A_677 = tpu.vector_load %arg6[%get3A_675, %get3A_676] {strides = array<i32>} : memref<64x256xf32, #tpu.memory_space<vmem>>, vector<1x16xf32>,
        %get3A_678 = vector.shape_cast %get3A_677 : vector<1x16xf32> to vector<16xf32>
        %add3A_679 = arith.addf %add3A_567, %get3A_678 : vector<16xf32>
        %add3A_680 = arith.constant 3 : i32
        %add3A_681 = arith.addi %mul3A_281, %add3A_680 : i32
        %get3A_682 = arith.index_cast %add3A_681 : i32 to index
        %get3A_683 = arith.constant 144 : index
        %get3A_684 = tpu.vector_load %arg6[%get3A_682, %get3A_683] {strides = array<i32>} : memref<64x256xf32, #tpu.memory_space<vmem>>, vector<1x16xf32>,
        %get3A_685 = vector.shape_cast %get3A_684 : vector<1x16xf32> to vector<16xf32>
        %add3A_686 = arith.addf %add3A_574, %get3A_685 : vector<16xf32>
        %add3A_687 = arith.constant 3 : i32
        %add3A_688 = arith.addi %mul3A_281, %add3A_687 : i32
        %get3A_689 = arith.index_cast %add3A_688 : i32 to index
        %get3A_690 = arith.constant 160 : index
        %get3A_691 = tpu.vector_load %arg6[%get3A_689, %get3A_690] {strides = array<i32>} : memref<64x256xf32, #tpu.memory_space<vmem>>, vector<1x16xf32>,
        %get3A_692 = vector.shape_cast %get3A_691 : vector<1x16xf32> to vector<16xf32>
        %add3A_693 = arith.addf %add3A_581, %get3A_692 : vector<16xf32>
        %add3A_694 = arith.constant 3 : i32
        %add3A_695 = arith.addi %mul3A_281, %add3A_694 : i32
        %get3A_696 = arith.index_cast %add3A_695 : i32 to index
        %get3A_697 = arith.constant 176 : index
        %get3A_698 = tpu.vector_load %arg6[%get3A_696, %get3A_697] {strides = array<i32>} : memref<64x256xf32, #tpu.memory_space<vmem>>, vector<1x16xf32>,
        %get3A_699 = vector.shape_cast %get3A_698 : vector<1x16xf32> to vector<16xf32>
        %add3A_700 = arith.addf %add3A_588, %get3A_699 : vector<16xf32>
        %add3A_701 = arith.constant 3 : i32
        %add3A_702 = arith.addi %mul3A_281, %add3A_701 : i32
        %get3A_703 = arith.index_cast %add3A_702 : i32 to index
        %get3A_704 = arith.constant 192 : index
        %get3A_705 = tpu.vector_load %arg6[%get3A_703, %get3A_704] {strides = array<i32>} : memref<64x256xf32, #tpu.memory_space<vmem>>, vector<1x16xf32>,
        %get3A_706 = vector.shape_cast %get3A_705 : vector<1x16xf32> to vector<16xf32>
        %add3A_707 = arith.addf %add3A_595, %get3A_706 : vector<16xf32>
        %add3A_708 = arith.constant 3 : i32
        %add3A_709 = arith.addi %mul3A_281, %add3A_708 : i32
        %get3A_710 = arith.index_cast %add3A_709 : i32 to index
        %get3A_711 = arith.constant 208 : index
        %get3A_712 = tpu.vector_load %arg6[%get3A_710, %get3A_711] {strides = array<i32>} : memref<64x256xf32, #tpu.memory_space<vmem>>, vector<1x16xf32>,
        %get3A_713 = vector.shape_cast %get3A_712 : vector<1x16xf32> to vector<16xf32>
        %add3A_714 = arith.addf %add3A_602, %get3A_713 : vector<16xf32>
        %add3A_715 = arith.constant 3 : i32
        %add3A_716 = arith.addi %mul3A_281, %add3A_715 : i32
        %get3A_717 = arith.index_cast %add3A_716 : i32 to index
        %get3A_718 = arith.constant 224 : index
        %get3A_719 = tpu.vector_load %arg6[%get3A_717, %get3A_718] {strides = array<i32>} : memref<64x256xf32, #tpu.memory_space<vmem>>, vector<1x16xf32>,
        %get3A_720 = vector.shape_cast %get3A_719 : vector<1x16xf32> to vector<16xf32>
        %add3A_721 = arith.addf %add3A_609, %get3A_720 : vector<16xf32>
        %add3A_722 = arith.constant 3 : i32
        %add3A_723 = arith.addi %mul3A_281, %add3A_722 : i32
        %get3A_724 = arith.index_cast %add3A_723 : i32 to index
        %get3A_725 = arith.constant 240 : index
        %get3A_726 = tpu.vector_load %arg6[%get3A_724, %get3A_725] {strides = array<i32>} : memref<64x256xf32, #tpu.memory_space<vmem>>, vector<1x16xf32>,
        %get3A_727 = vector.shape_cast %get3A_726 : vector<1x16xf32> to vector<16xf32>
        %add3A_728 = arith.addf %add3A_616, %get3A_727 : vector<16xf32>
        scf.yield %add3A_623, %add3A_630, %add3A_637, %add3A_644, %add3A_651, %add3A_658, %add3A_665, %add3A_672, %add3A_679, %add3A_686, %add3A_693, %add3A_700, %add3A_707, %add3A_714, %add3A_721, %add3A_728 : vector<16xf32>, vector<16xf32>, vector<16xf32>, vector<16xf32>, vector<16xf32>, vector<16xf32>, vector<16xf32>, vector<16xf32>, vector<16xf32>, vector<16xf32>, vector<16xf32>, vector<16xf32>, vector<16xf32>, vector<16xf32>, vector<16xf32>, vector<16xf32>
      }
      %scan3A_232 = arith.constant 16 : i32
      %add3A_233 = arith.constant 4 : i32
      %add3A_234 = arith.addi %add3A_218, %add3A_233 : i32
      %lt3A_235 = arith.constant 24 : i32
      %lt3A_236 = arith.cmpi slt, %add3A_234, %lt3A_235 : i32
      %convert_element_type3A_237 = arith.extui %lt3A_236 : i1 to i32
      %cond3A_238 = arith.constant 0 : i32
      %cond3A_239 = arith.cmpi ne, %convert_element_type3A_237, %cond3A_238 : i32
      scf.if %cond3A_239 {
        %add3A_263 = arith.constant 4 : i32
        %add3A_264 = arith.addi %add3A_218, %add3A_263 : i32
        %mul3A_265 = arith.constant 64 : i32
        %mul3A_266 = arith.muli %add3A_264, %mul3A_265 : i32
        %add3A_267 = arith.constant 2560 : i32
        %add3A_268 = arith.addi %add3A_267, %mul3A_266 : i32
        %dma_start3A_269 = tpu.memref_slice %arg2[%select_n3A, %add3A_268, %mul3A_32] : memref<4x4096x2048xf32, #tpu.memory_space<hbm>> -> memref<1x64x256xf32, #tpu.memory_space<hbm>>
        %dma_start3A_270 = tpu.memref_squeeze %dma_start3A_269 : memref<1x64x256xf32, #tpu.memory_space<hbm>> -> memref<64x256xf32, #tpu.memory_space<hbm>>
        %dma_start3A_271 = tpu.memref_slice %arg2[%select_n3A, %add3A_268, %mul3A_32] : memref<4x4096x2048xf32, #tpu.memory_space<hbm>> -> memref<1x64x256xf32, #tpu.memory_space<hbm>>
        %dma_start3A_272 = tpu.memref_squeeze %dma_start3A_271 : memref<1x64x256xf32, #tpu.memory_space<hbm>> -> memref<64x256xf32, #tpu.memory_space<hbm>>
        tpu.enqueue_dma source(%dma_start3A_272 : memref<64x256xf32, #tpu.memory_space<hbm>>) target(%arg6 : memref<64x256xf32, #tpu.memory_space<vmem>>) target_semaphore(%arg11 : memref<!tpu.dma_semaphore, #tpu.memory_space<semaphore_mem>>)
      } else {
      }
      %add3A_240 = arith.constant 3 : i32
      %add3A_241 = arith.addi %mul3A_173, %add3A_240 : i32
      %mul3A_242 = arith.constant 64 : i32
      %mul3A_243 = arith.muli %add3A_241, %mul3A_242 : i32
      %add3A_244 = arith.constant 2560 : i32
      %add3A_245 = arith.addi %add3A_244, %mul3A_243 : i32
      %dma_wait3A_246 = tpu.memref_slice %arg2[%select_n3A, %add3A_245, %mul3A_32] : memref<4x4096x2048xf32, #tpu.memory_space<hbm>> -> memref<1x64x256xf32, #tpu.memory_space<hbm>>
      %dma_wait3A_247 = tpu.memref_squeeze %dma_wait3A_246 : memref<1x64x256xf32, #tpu.memory_space<hbm>> -> memref<64x256xf32, #tpu.memory_space<hbm>>
      %dma_wait3A_248 = tpu.memref_slice %arg2[%select_n3A, %add3A_245, %mul3A_32] : memref<4x4096x2048xf32, #tpu.memory_space<hbm>> -> memref<1x64x256xf32, #tpu.memory_space<hbm>>
      %dma_wait3A_249 = tpu.memref_squeeze %dma_wait3A_248 : memref<1x64x256xf32, #tpu.memory_space<hbm>> -> memref<64x256xf32, #tpu.memory_space<hbm>>
      tpu.wait_dma2 semaphore(%arg12 : memref<!tpu.dma_semaphore, #tpu.memory_space<semaphore_mem>>) src(%dma_wait3A_249 : memref<64x256xf32, #tpu.memory_space<hbm>>) dst(%arg7 : memref<64x256xf32, #tpu.memory_space<vmem>>)
      %scan3A_250 = arith.constant 0 : i32
      %scan3A_251 = arith.constant 16 : i32
      %scan3A_252 = arith.addi %scan3A_250, %scan3A_251 : i32
      %scan3A_253 = arith.constant 1 : i32
      %scan3A_254:16 = scf.for %scan3A_263 = %scan3A_250 to %scan3A_252 step %scan3A_253 iter_args(%scan3A_264 = %scan3A_231#0, %scan3A_265 = %scan3A_231#1, %scan3A_266 = %scan3A_231#2, %scan3A_267 = %scan3A_231#3, %scan3A_268 = %scan3A_231#4, %scan3A_269 = %scan3A_231#5, %scan3A_270 = %scan3A_231#6, %scan3A_271 = %scan3A_231#7, %scan3A_272 = %scan3A_231#8, %scan3A_273 = %scan3A_231#9, %scan3A_274 = %scan3A_231#10, %scan3A_275 = %scan3A_231#11, %scan3A_276 = %scan3A_231#12, %scan3A_277 = %scan3A_231#13, %scan3A_278 = %scan3A_231#14, %scan3A_279 = %scan3A_231#15) -> (vector<16xf32>, vector<16xf32>, vector<16xf32>, vector<16xf32>, vector<16xf32>, vector<16xf32>, vector<16xf32>, vector<16xf32>, vector<16xf32>, vector<16xf32>, vector<16xf32>, vector<16xf32>, vector<16xf32>, vector<16xf32>, vector<16xf32>, vector<16xf32>)  : i32 {
        %mul3A_280 = arith.constant 4 : i32
        %mul3A_281 = arith.muli %scan3A_263, %mul3A_280 : i32
        %add3A_282 = arith.constant 0 : i32
        %add3A_283 = arith.addi %mul3A_281, %add3A_282 : i32
        %get3A = arith.index_cast %add3A_283 : i32 to index
        %get3A_284 = arith.constant 0 : index
        %get3A_285 = tpu.vector_load %arg7[%get3A, %get3A_284] {strides = array<i32>} : memref<64x256xf32, #tpu.memory_space<vmem>>, vector<1x16xf32>,
        %get3A_286 = vector.shape_cast %get3A_285 : vector<1x16xf32> to vector<16xf32>
        %add3A_287 = arith.addf %scan3A_264, %get3A_286 : vector<16xf32>
        %add3A_288 = arith.constant 0 : i32
        %add3A_289 = arith.addi %mul3A_281, %add3A_288 : i32
        %get3A_290 = arith.index_cast %add3A_289 : i32 to index
        %get3A_291 = arith.constant 16 : index
        %get3A_292 = tpu.vector_load %arg7[%get3A_290, %get3A_291] {strides = array<i32>} : memref<64x256xf32, #tpu.memory_space<vmem>>, vector<1x16xf32>,
        %get3A_293 = vector.shape_cast %get3A_292 : vector<1x16xf32> to vector<16xf32>
        %add3A_294 = arith.addf %scan3A_265, %get3A_293 : vector<16xf32>
        %add3A_295 = arith.constant 0 : i32
        %add3A_296 = arith.addi %mul3A_281, %add3A_295 : i32
        %get3A_297 = arith.index_cast %add3A_296 : i32 to index
        %get3A_298 = arith.constant 32 : index
        %get3A_299 = tpu.vector_load %arg7[%get3A_297, %get3A_298] {strides = array<i32>} : memref<64x256xf32, #tpu.memory_space<vmem>>, vector<1x16xf32>,
        %get3A_300 = vector.shape_cast %get3A_299 : vector<1x16xf32> to vector<16xf32>
        %add3A_301 = arith.addf %scan3A_266, %get3A_300 : vector<16xf32>
        %add3A_302 = arith.constant 0 : i32
        %add3A_303 = arith.addi %mul3A_281, %add3A_302 : i32
        %get3A_304 = arith.index_cast %add3A_303 : i32 to index
        %get3A_305 = arith.constant 48 : index
        %get3A_306 = tpu.vector_load %arg7[%get3A_304, %get3A_305] {strides = array<i32>} : memref<64x256xf32, #tpu.memory_space<vmem>>, vector<1x16xf32>,
        %get3A_307 = vector.shape_cast %get3A_306 : vector<1x16xf32> to vector<16xf32>
        %add3A_308 = arith.addf %scan3A_267, %get3A_307 : vector<16xf32>
        %add3A_309 = arith.constant 0 : i32
        %add3A_310 = arith.addi %mul3A_281, %add3A_309 : i32
        %get3A_311 = arith.index_cast %add3A_310 : i32 to index
        %get3A_312 = arith.constant 64 : index
        %get3A_313 = tpu.vector_load %arg7[%get3A_311, %get3A_312] {strides = array<i32>} : memref<64x256xf32, #tpu.memory_space<vmem>>, vector<1x16xf32>,
        %get3A_314 = vector.shape_cast %get3A_313 : vector<1x16xf32> to vector<16xf32>
        %add3A_315 = arith.addf %scan3A_268, %get3A_314 : vector<16xf32>
        %add3A_316 = arith.constant 0 : i32
        %add3A_317 = arith.addi %mul3A_281, %add3A_316 : i32
        %get3A_318 = arith.index_cast %add3A_317 : i32 to index
        %get3A_319 = arith.constant 80 : index
        %get3A_320 = tpu.vector_load %arg7[%get3A_318, %get3A_319] {strides = array<i32>} : memref<64x256xf32, #tpu.memory_space<vmem>>, vector<1x16xf32>,
        %get3A_321 = vector.shape_cast %get3A_320 : vector<1x16xf32> to vector<16xf32>
        %add3A_322 = arith.addf %scan3A_269, %get3A_321 : vector<16xf32>
        %add3A_323 = arith.constant 0 : i32
        %add3A_324 = arith.addi %mul3A_281, %add3A_323 : i32
        %get3A_325 = arith.index_cast %add3A_324 : i32 to index
        %get3A_326 = arith.constant 96 : index
        %get3A_327 = tpu.vector_load %arg7[%get3A_325, %get3A_326] {strides = array<i32>} : memref<64x256xf32, #tpu.memory_space<vmem>>, vector<1x16xf32>,
        %get3A_328 = vector.shape_cast %get3A_327 : vector<1x16xf32> to vector<16xf32>
        %add3A_329 = arith.addf %scan3A_270, %get3A_328 : vector<16xf32>
        %add3A_330 = arith.constant 0 : i32
        %add3A_331 = arith.addi %mul3A_281, %add3A_330 : i32
        %get3A_332 = arith.index_cast %add3A_331 : i32 to index
        %get3A_333 = arith.constant 112 : index
        %get3A_334 = tpu.vector_load %arg7[%get3A_332, %get3A_333] {strides = array<i32>} : memref<64x256xf32, #tpu.memory_space<vmem>>, vector<1x16xf32>,
        %get3A_335 = vector.shape_cast %get3A_334 : vector<1x16xf32> to vector<16xf32>
        %add3A_336 = arith.addf %scan3A_271, %get3A_335 : vector<16xf32>
        %add3A_337 = arith.constant 0 : i32
        %add3A_338 = arith.addi %mul3A_281, %add3A_337 : i32
        %get3A_339 = arith.index_cast %add3A_338 : i32 to index
        %get3A_340 = arith.constant 128 : index
        %get3A_341 = tpu.vector_load %arg7[%get3A_339, %get3A_340] {strides = array<i32>} : memref<64x256xf32, #tpu.memory_space<vmem>>, vector<1x16xf32>,
        %get3A_342 = vector.shape_cast %get3A_341 : vector<1x16xf32> to vector<16xf32>
        %add3A_343 = arith.addf %scan3A_272, %get3A_342 : vector<16xf32>
        %add3A_344 = arith.constant 0 : i32
        %add3A_345 = arith.addi %mul3A_281, %add3A_344 : i32
        %get3A_346 = arith.index_cast %add3A_345 : i32 to index
        %get3A_347 = arith.constant 144 : index
        %get3A_348 = tpu.vector_load %arg7[%get3A_346, %get3A_347] {strides = array<i32>} : memref<64x256xf32, #tpu.memory_space<vmem>>, vector<1x16xf32>,
        %get3A_349 = vector.shape_cast %get3A_348 : vector<1x16xf32> to vector<16xf32>
        %add3A_350 = arith.addf %scan3A_273, %get3A_349 : vector<16xf32>
        %add3A_351 = arith.constant 0 : i32
        %add3A_352 = arith.addi %mul3A_281, %add3A_351 : i32
        %get3A_353 = arith.index_cast %add3A_352 : i32 to index
        %get3A_354 = arith.constant 160 : index
        %get3A_355 = tpu.vector_load %arg7[%get3A_353, %get3A_354] {strides = array<i32>} : memref<64x256xf32, #tpu.memory_space<vmem>>, vector<1x16xf32>,
        %get3A_356 = vector.shape_cast %get3A_355 : vector<1x16xf32> to vector<16xf32>
        %add3A_357 = arith.addf %scan3A_274, %get3A_356 : vector<16xf32>
        %add3A_358 = arith.constant 0 : i32
        %add3A_359 = arith.addi %mul3A_281, %add3A_358 : i32
        %get3A_360 = arith.index_cast %add3A_359 : i32 to index
        %get3A_361 = arith.constant 176 : index
        %get3A_362 = tpu.vector_load %arg7[%get3A_360, %get3A_361] {strides = array<i32>} : memref<64x256xf32, #tpu.memory_space<vmem>>, vector<1x16xf32>,
        %get3A_363 = vector.shape_cast %get3A_362 : vector<1x16xf32> to vector<16xf32>
        %add3A_364 = arith.addf %scan3A_275, %get3A_363 : vector<16xf32>
        %add3A_365 = arith.constant 0 : i32
        %add3A_366 = arith.addi %mul3A_281, %add3A_365 : i32
        %get3A_367 = arith.index_cast %add3A_366 : i32 to index
        %get3A_368 = arith.constant 192 : index
        %get3A_369 = tpu.vector_load %arg7[%get3A_367, %get3A_368] {strides = array<i32>} : memref<64x256xf32, #tpu.memory_space<vmem>>, vector<1x16xf32>,
        %get3A_370 = vector.shape_cast %get3A_369 : vector<1x16xf32> to vector<16xf32>
        %add3A_371 = arith.addf %scan3A_276, %get3A_370 : vector<16xf32>
        %add3A_372 = arith.constant 0 : i32
        %add3A_373 = arith.addi %mul3A_281, %add3A_372 : i32
        %get3A_374 = arith.index_cast %add3A_373 : i32 to index
        %get3A_375 = arith.constant 208 : index
        %get3A_376 = tpu.vector_load %arg7[%get3A_374, %get3A_375] {strides = array<i32>} : memref<64x256xf32, #tpu.memory_space<vmem>>, vector<1x16xf32>,
        %get3A_377 = vector.shape_cast %get3A_376 : vector<1x16xf32> to vector<16xf32>
        %add3A_378 = arith.addf %scan3A_277, %get3A_377 : vector<16xf32>
        %add3A_379 = arith.constant 0 : i32
        %add3A_380 = arith.addi %mul3A_281, %add3A_379 : i32
        %get3A_381 = arith.index_cast %add3A_380 : i32 to index
        %get3A_382 = arith.constant 224 : index
        %get3A_383 = tpu.vector_load %arg7[%get3A_381, %get3A_382] {strides = array<i32>} : memref<64x256xf32, #tpu.memory_space<vmem>>, vector<1x16xf32>,
        %get3A_384 = vector.shape_cast %get3A_383 : vector<1x16xf32> to vector<16xf32>
        %add3A_385 = arith.addf %scan3A_278, %get3A_384 : vector<16xf32>
        %add3A_386 = arith.constant 0 : i32
        %add3A_387 = arith.addi %mul3A_281, %add3A_386 : i32
        %get3A_388 = arith.index_cast %add3A_387 : i32 to index
        %get3A_389 = arith.constant 240 : index
        %get3A_390 = tpu.vector_load %arg7[%get3A_388, %get3A_389] {strides = array<i32>} : memref<64x256xf32, #tpu.memory_space<vmem>>, vector<1x16xf32>,
        %get3A_391 = vector.shape_cast %get3A_390 : vector<1x16xf32> to vector<16xf32>
        %add3A_392 = arith.addf %scan3A_279, %get3A_391 : vector<16xf32>
        %add3A_393 = arith.constant 1 : i32
        %add3A_394 = arith.addi %mul3A_281, %add3A_393 : i32
        %get3A_395 = arith.index_cast %add3A_394 : i32 to index
        %get3A_396 = arith.constant 0 : index
        %get3A_397 = tpu.vector_load %arg7[%get3A_395, %get3A_396] {strides = array<i32>} : memref<64x256xf32, #tpu.memory_space<vmem>>, vector<1x16xf32>,
        %get3A_398 = vector.shape_cast %get3A_397 : vector<1x16xf32> to vector<16xf32>
        %add3A_399 = arith.addf %add3A_287, %get3A_398 : vector<16xf32>
        %add3A_400 = arith.constant 1 : i32
        %add3A_401 = arith.addi %mul3A_281, %add3A_400 : i32
        %get3A_402 = arith.index_cast %add3A_401 : i32 to index
        %get3A_403 = arith.constant 16 : index
        %get3A_404 = tpu.vector_load %arg7[%get3A_402, %get3A_403] {strides = array<i32>} : memref<64x256xf32, #tpu.memory_space<vmem>>, vector<1x16xf32>,
        %get3A_405 = vector.shape_cast %get3A_404 : vector<1x16xf32> to vector<16xf32>
        %add3A_406 = arith.addf %add3A_294, %get3A_405 : vector<16xf32>
        %add3A_407 = arith.constant 1 : i32
        %add3A_408 = arith.addi %mul3A_281, %add3A_407 : i32
        %get3A_409 = arith.index_cast %add3A_408 : i32 to index
        %get3A_410 = arith.constant 32 : index
        %get3A_411 = tpu.vector_load %arg7[%get3A_409, %get3A_410] {strides = array<i32>} : memref<64x256xf32, #tpu.memory_space<vmem>>, vector<1x16xf32>,
        %get3A_412 = vector.shape_cast %get3A_411 : vector<1x16xf32> to vector<16xf32>
        %add3A_413 = arith.addf %add3A_301, %get3A_412 : vector<16xf32>
        %add3A_414 = arith.constant 1 : i32
        %add3A_415 = arith.addi %mul3A_281, %add3A_414 : i32
        %get3A_416 = arith.index_cast %add3A_415 : i32 to index
        %get3A_417 = arith.constant 48 : index
        %get3A_418 = tpu.vector_load %arg7[%get3A_416, %get3A_417] {strides = array<i32>} : memref<64x256xf32, #tpu.memory_space<vmem>>, vector<1x16xf32>,
        %get3A_419 = vector.shape_cast %get3A_418 : vector<1x16xf32> to vector<16xf32>
        %add3A_420 = arith.addf %add3A_308, %get3A_419 : vector<16xf32>
        %add3A_421 = arith.constant 1 : i32
        %add3A_422 = arith.addi %mul3A_281, %add3A_421 : i32
        %get3A_423 = arith.index_cast %add3A_422 : i32 to index
        %get3A_424 = arith.constant 64 : index
        %get3A_425 = tpu.vector_load %arg7[%get3A_423, %get3A_424] {strides = array<i32>} : memref<64x256xf32, #tpu.memory_space<vmem>>, vector<1x16xf32>,
        %get3A_426 = vector.shape_cast %get3A_425 : vector<1x16xf32> to vector<16xf32>
        %add3A_427 = arith.addf %add3A_315, %get3A_426 : vector<16xf32>
        %add3A_428 = arith.constant 1 : i32
        %add3A_429 = arith.addi %mul3A_281, %add3A_428 : i32
        %get3A_430 = arith.index_cast %add3A_429 : i32 to index
        %get3A_431 = arith.constant 80 : index
        %get3A_432 = tpu.vector_load %arg7[%get3A_430, %get3A_431] {strides = array<i32>} : memref<64x256xf32, #tpu.memory_space<vmem>>, vector<1x16xf32>,
        %get3A_433 = vector.shape_cast %get3A_432 : vector<1x16xf32> to vector<16xf32>
        %add3A_434 = arith.addf %add3A_322, %get3A_433 : vector<16xf32>
        %add3A_435 = arith.constant 1 : i32
        %add3A_436 = arith.addi %mul3A_281, %add3A_435 : i32
        %get3A_437 = arith.index_cast %add3A_436 : i32 to index
        %get3A_438 = arith.constant 96 : index
        %get3A_439 = tpu.vector_load %arg7[%get3A_437, %get3A_438] {strides = array<i32>} : memref<64x256xf32, #tpu.memory_space<vmem>>, vector<1x16xf32>,
        %get3A_440 = vector.shape_cast %get3A_439 : vector<1x16xf32> to vector<16xf32>
        %add3A_441 = arith.addf %add3A_329, %get3A_440 : vector<16xf32>
        %add3A_442 = arith.constant 1 : i32
        %add3A_443 = arith.addi %mul3A_281, %add3A_442 : i32
        %get3A_444 = arith.index_cast %add3A_443 : i32 to index
        %get3A_445 = arith.constant 112 : index
        %get3A_446 = tpu.vector_load %arg7[%get3A_444, %get3A_445] {strides = array<i32>} : memref<64x256xf32, #tpu.memory_space<vmem>>, vector<1x16xf32>,
        %get3A_447 = vector.shape_cast %get3A_446 : vector<1x16xf32> to vector<16xf32>
        %add3A_448 = arith.addf %add3A_336, %get3A_447 : vector<16xf32>
        %add3A_449 = arith.constant 1 : i32
        %add3A_450 = arith.addi %mul3A_281, %add3A_449 : i32
        %get3A_451 = arith.index_cast %add3A_450 : i32 to index
        %get3A_452 = arith.constant 128 : index
        %get3A_453 = tpu.vector_load %arg7[%get3A_451, %get3A_452] {strides = array<i32>} : memref<64x256xf32, #tpu.memory_space<vmem>>, vector<1x16xf32>,
        %get3A_454 = vector.shape_cast %get3A_453 : vector<1x16xf32> to vector<16xf32>
        %add3A_455 = arith.addf %add3A_343, %get3A_454 : vector<16xf32>
        %add3A_456 = arith.constant 1 : i32
        %add3A_457 = arith.addi %mul3A_281, %add3A_456 : i32
        %get3A_458 = arith.index_cast %add3A_457 : i32 to index
        %get3A_459 = arith.constant 144 : index
        %get3A_460 = tpu.vector_load %arg7[%get3A_458, %get3A_459] {strides = array<i32>} : memref<64x256xf32, #tpu.memory_space<vmem>>, vector<1x16xf32>,
        %get3A_461 = vector.shape_cast %get3A_460 : vector<1x16xf32> to vector<16xf32>
        %add3A_462 = arith.addf %add3A_350, %get3A_461 : vector<16xf32>
        %add3A_463 = arith.constant 1 : i32
        %add3A_464 = arith.addi %mul3A_281, %add3A_463 : i32
        %get3A_465 = arith.index_cast %add3A_464 : i32 to index
        %get3A_466 = arith.constant 160 : index
        %get3A_467 = tpu.vector_load %arg7[%get3A_465, %get3A_466] {strides = array<i32>} : memref<64x256xf32, #tpu.memory_space<vmem>>, vector<1x16xf32>,
        %get3A_468 = vector.shape_cast %get3A_467 : vector<1x16xf32> to vector<16xf32>
        %add3A_469 = arith.addf %add3A_357, %get3A_468 : vector<16xf32>
        %add3A_470 = arith.constant 1 : i32
        %add3A_471 = arith.addi %mul3A_281, %add3A_470 : i32
        %get3A_472 = arith.index_cast %add3A_471 : i32 to index
        %get3A_473 = arith.constant 176 : index
        %get3A_474 = tpu.vector_load %arg7[%get3A_472, %get3A_473] {strides = array<i32>} : memref<64x256xf32, #tpu.memory_space<vmem>>, vector<1x16xf32>,
        %get3A_475 = vector.shape_cast %get3A_474 : vector<1x16xf32> to vector<16xf32>
        %add3A_476 = arith.addf %add3A_364, %get3A_475 : vector<16xf32>
        %add3A_477 = arith.constant 1 : i32
        %add3A_478 = arith.addi %mul3A_281, %add3A_477 : i32
        %get3A_479 = arith.index_cast %add3A_478 : i32 to index
        %get3A_480 = arith.constant 192 : index
        %get3A_481 = tpu.vector_load %arg7[%get3A_479, %get3A_480] {strides = array<i32>} : memref<64x256xf32, #tpu.memory_space<vmem>>, vector<1x16xf32>,
        %get3A_482 = vector.shape_cast %get3A_481 : vector<1x16xf32> to vector<16xf32>
        %add3A_483 = arith.addf %add3A_371, %get3A_482 : vector<16xf32>
        %add3A_484 = arith.constant 1 : i32
        %add3A_485 = arith.addi %mul3A_281, %add3A_484 : i32
        %get3A_486 = arith.index_cast %add3A_485 : i32 to index
        %get3A_487 = arith.constant 208 : index
        %get3A_488 = tpu.vector_load %arg7[%get3A_486, %get3A_487] {strides = array<i32>} : memref<64x256xf32, #tpu.memory_space<vmem>>, vector<1x16xf32>,
        %get3A_489 = vector.shape_cast %get3A_488 : vector<1x16xf32> to vector<16xf32>
        %add3A_490 = arith.addf %add3A_378, %get3A_489 : vector<16xf32>
        %add3A_491 = arith.constant 1 : i32
        %add3A_492 = arith.addi %mul3A_281, %add3A_491 : i32
        %get3A_493 = arith.index_cast %add3A_492 : i32 to index
        %get3A_494 = arith.constant 224 : index
        %get3A_495 = tpu.vector_load %arg7[%get3A_493, %get3A_494] {strides = array<i32>} : memref<64x256xf32, #tpu.memory_space<vmem>>, vector<1x16xf32>,
        %get3A_496 = vector.shape_cast %get3A_495 : vector<1x16xf32> to vector<16xf32>
        %add3A_497 = arith.addf %add3A_385, %get3A_496 : vector<16xf32>
        %add3A_498 = arith.constant 1 : i32
        %add3A_499 = arith.addi %mul3A_281, %add3A_498 : i32
        %get3A_500 = arith.index_cast %add3A_499 : i32 to index
        %get3A_501 = arith.constant 240 : index
        %get3A_502 = tpu.vector_load %arg7[%get3A_500, %get3A_501] {strides = array<i32>} : memref<64x256xf32, #tpu.memory_space<vmem>>, vector<1x16xf32>,
        %get3A_503 = vector.shape_cast %get3A_502 : vector<1x16xf32> to vector<16xf32>
        %add3A_504 = arith.addf %add3A_392, %get3A_503 : vector<16xf32>
        %add3A_505 = arith.constant 2 : i32
        %add3A_506 = arith.addi %mul3A_281, %add3A_505 : i32
        %get3A_507 = arith.index_cast %add3A_506 : i32 to index
        %get3A_508 = arith.constant 0 : index
        %get3A_509 = tpu.vector_load %arg7[%get3A_507, %get3A_508] {strides = array<i32>} : memref<64x256xf32, #tpu.memory_space<vmem>>, vector<1x16xf32>,
        %get3A_510 = vector.shape_cast %get3A_509 : vector<1x16xf32> to vector<16xf32>
        %add3A_511 = arith.addf %add3A_399, %get3A_510 : vector<16xf32>
        %add3A_512 = arith.constant 2 : i32
        %add3A_513 = arith.addi %mul3A_281, %add3A_512 : i32
        %get3A_514 = arith.index_cast %add3A_513 : i32 to index
        %get3A_515 = arith.constant 16 : index
        %get3A_516 = tpu.vector_load %arg7[%get3A_514, %get3A_515] {strides = array<i32>} : memref<64x256xf32, #tpu.memory_space<vmem>>, vector<1x16xf32>,
        %get3A_517 = vector.shape_cast %get3A_516 : vector<1x16xf32> to vector<16xf32>
        %add3A_518 = arith.addf %add3A_406, %get3A_517 : vector<16xf32>
        %add3A_519 = arith.constant 2 : i32
        %add3A_520 = arith.addi %mul3A_281, %add3A_519 : i32
        %get3A_521 = arith.index_cast %add3A_520 : i32 to index
        %get3A_522 = arith.constant 32 : index
        %get3A_523 = tpu.vector_load %arg7[%get3A_521, %get3A_522] {strides = array<i32>} : memref<64x256xf32, #tpu.memory_space<vmem>>, vector<1x16xf32>,
        %get3A_524 = vector.shape_cast %get3A_523 : vector<1x16xf32> to vector<16xf32>
        %add3A_525 = arith.addf %add3A_413, %get3A_524 : vector<16xf32>
        %add3A_526 = arith.constant 2 : i32
        %add3A_527 = arith.addi %mul3A_281, %add3A_526 : i32
        %get3A_528 = arith.index_cast %add3A_527 : i32 to index
        %get3A_529 = arith.constant 48 : index
        %get3A_530 = tpu.vector_load %arg7[%get3A_528, %get3A_529] {strides = array<i32>} : memref<64x256xf32, #tpu.memory_space<vmem>>, vector<1x16xf32>,
        %get3A_531 = vector.shape_cast %get3A_530 : vector<1x16xf32> to vector<16xf32>
        %add3A_532 = arith.addf %add3A_420, %get3A_531 : vector<16xf32>
        %add3A_533 = arith.constant 2 : i32
        %add3A_534 = arith.addi %mul3A_281, %add3A_533 : i32
        %get3A_535 = arith.index_cast %add3A_534 : i32 to index
        %get3A_536 = arith.constant 64 : index
        %get3A_537 = tpu.vector_load %arg7[%get3A_535, %get3A_536] {strides = array<i32>} : memref<64x256xf32, #tpu.memory_space<vmem>>, vector<1x16xf32>,
        %get3A_538 = vector.shape_cast %get3A_537 : vector<1x16xf32> to vector<16xf32>
        %add3A_539 = arith.addf %add3A_427, %get3A_538 : vector<16xf32>
        %add3A_540 = arith.constant 2 : i32
        %add3A_541 = arith.addi %mul3A_281, %add3A_540 : i32
        %get3A_542 = arith.index_cast %add3A_541 : i32 to index
        %get3A_543 = arith.constant 80 : index
        %get3A_544 = tpu.vector_load %arg7[%get3A_542, %get3A_543] {strides = array<i32>} : memref<64x256xf32, #tpu.memory_space<vmem>>, vector<1x16xf32>,
        %get3A_545 = vector.shape_cast %get3A_544 : vector<1x16xf32> to vector<16xf32>
        %add3A_546 = arith.addf %add3A_434, %get3A_545 : vector<16xf32>
        %add3A_547 = arith.constant 2 : i32
        %add3A_548 = arith.addi %mul3A_281, %add3A_547 : i32
        %get3A_549 = arith.index_cast %add3A_548 : i32 to index
        %get3A_550 = arith.constant 96 : index
        %get3A_551 = tpu.vector_load %arg7[%get3A_549, %get3A_550] {strides = array<i32>} : memref<64x256xf32, #tpu.memory_space<vmem>>, vector<1x16xf32>,
        %get3A_552 = vector.shape_cast %get3A_551 : vector<1x16xf32> to vector<16xf32>
        %add3A_553 = arith.addf %add3A_441, %get3A_552 : vector<16xf32>
        %add3A_554 = arith.constant 2 : i32
        %add3A_555 = arith.addi %mul3A_281, %add3A_554 : i32
        %get3A_556 = arith.index_cast %add3A_555 : i32 to index
        %get3A_557 = arith.constant 112 : index
        %get3A_558 = tpu.vector_load %arg7[%get3A_556, %get3A_557] {strides = array<i32>} : memref<64x256xf32, #tpu.memory_space<vmem>>, vector<1x16xf32>,
        %get3A_559 = vector.shape_cast %get3A_558 : vector<1x16xf32> to vector<16xf32>
        %add3A_560 = arith.addf %add3A_448, %get3A_559 : vector<16xf32>
        %add3A_561 = arith.constant 2 : i32
        %add3A_562 = arith.addi %mul3A_281, %add3A_561 : i32
        %get3A_563 = arith.index_cast %add3A_562 : i32 to index
        %get3A_564 = arith.constant 128 : index
        %get3A_565 = tpu.vector_load %arg7[%get3A_563, %get3A_564] {strides = array<i32>} : memref<64x256xf32, #tpu.memory_space<vmem>>, vector<1x16xf32>,
        %get3A_566 = vector.shape_cast %get3A_565 : vector<1x16xf32> to vector<16xf32>
        %add3A_567 = arith.addf %add3A_455, %get3A_566 : vector<16xf32>
        %add3A_568 = arith.constant 2 : i32
        %add3A_569 = arith.addi %mul3A_281, %add3A_568 : i32
        %get3A_570 = arith.index_cast %add3A_569 : i32 to index
        %get3A_571 = arith.constant 144 : index
        %get3A_572 = tpu.vector_load %arg7[%get3A_570, %get3A_571] {strides = array<i32>} : memref<64x256xf32, #tpu.memory_space<vmem>>, vector<1x16xf32>,
        %get3A_573 = vector.shape_cast %get3A_572 : vector<1x16xf32> to vector<16xf32>
        %add3A_574 = arith.addf %add3A_462, %get3A_573 : vector<16xf32>
        %add3A_575 = arith.constant 2 : i32
        %add3A_576 = arith.addi %mul3A_281, %add3A_575 : i32
        %get3A_577 = arith.index_cast %add3A_576 : i32 to index
        %get3A_578 = arith.constant 160 : index
        %get3A_579 = tpu.vector_load %arg7[%get3A_577, %get3A_578] {strides = array<i32>} : memref<64x256xf32, #tpu.memory_space<vmem>>, vector<1x16xf32>,
        %get3A_580 = vector.shape_cast %get3A_579 : vector<1x16xf32> to vector<16xf32>
        %add3A_581 = arith.addf %add3A_469, %get3A_580 : vector<16xf32>
        %add3A_582 = arith.constant 2 : i32
        %add3A_583 = arith.addi %mul3A_281, %add3A_582 : i32
        %get3A_584 = arith.index_cast %add3A_583 : i32 to index
        %get3A_585 = arith.constant 176 : index
        %get3A_586 = tpu.vector_load %arg7[%get3A_584, %get3A_585] {strides = array<i32>} : memref<64x256xf32, #tpu.memory_space<vmem>>, vector<1x16xf32>,
        %get3A_587 = vector.shape_cast %get3A_586 : vector<1x16xf32> to vector<16xf32>
        %add3A_588 = arith.addf %add3A_476, %get3A_587 : vector<16xf32>
        %add3A_589 = arith.constant 2 : i32
        %add3A_590 = arith.addi %mul3A_281, %add3A_589 : i32
        %get3A_591 = arith.index_cast %add3A_590 : i32 to index
        %get3A_592 = arith.constant 192 : index
        %get3A_593 = tpu.vector_load %arg7[%get3A_591, %get3A_592] {strides = array<i32>} : memref<64x256xf32, #tpu.memory_space<vmem>>, vector<1x16xf32>,
        %get3A_594 = vector.shape_cast %get3A_593 : vector<1x16xf32> to vector<16xf32>
        %add3A_595 = arith.addf %add3A_483, %get3A_594 : vector<16xf32>
        %add3A_596 = arith.constant 2 : i32
        %add3A_597 = arith.addi %mul3A_281, %add3A_596 : i32
        %get3A_598 = arith.index_cast %add3A_597 : i32 to index
        %get3A_599 = arith.constant 208 : index
        %get3A_600 = tpu.vector_load %arg7[%get3A_598, %get3A_599] {strides = array<i32>} : memref<64x256xf32, #tpu.memory_space<vmem>>, vector<1x16xf32>,
        %get3A_601 = vector.shape_cast %get3A_600 : vector<1x16xf32> to vector<16xf32>
        %add3A_602 = arith.addf %add3A_490, %get3A_601 : vector<16xf32>
        %add3A_603 = arith.constant 2 : i32
        %add3A_604 = arith.addi %mul3A_281, %add3A_603 : i32
        %get3A_605 = arith.index_cast %add3A_604 : i32 to index
        %get3A_606 = arith.constant 224 : index
        %get3A_607 = tpu.vector_load %arg7[%get3A_605, %get3A_606] {strides = array<i32>} : memref<64x256xf32, #tpu.memory_space<vmem>>, vector<1x16xf32>,
        %get3A_608 = vector.shape_cast %get3A_607 : vector<1x16xf32> to vector<16xf32>
        %add3A_609 = arith.addf %add3A_497, %get3A_608 : vector<16xf32>
        %add3A_610 = arith.constant 2 : i32
        %add3A_611 = arith.addi %mul3A_281, %add3A_610 : i32
        %get3A_612 = arith.index_cast %add3A_611 : i32 to index
        %get3A_613 = arith.constant 240 : index
        %get3A_614 = tpu.vector_load %arg7[%get3A_612, %get3A_613] {strides = array<i32>} : memref<64x256xf32, #tpu.memory_space<vmem>>, vector<1x16xf32>,
        %get3A_615 = vector.shape_cast %get3A_614 : vector<1x16xf32> to vector<16xf32>
        %add3A_616 = arith.addf %add3A_504, %get3A_615 : vector<16xf32>
        %add3A_617 = arith.constant 3 : i32
        %add3A_618 = arith.addi %mul3A_281, %add3A_617 : i32
        %get3A_619 = arith.index_cast %add3A_618 : i32 to index
        %get3A_620 = arith.constant 0 : index
        %get3A_621 = tpu.vector_load %arg7[%get3A_619, %get3A_620] {strides = array<i32>} : memref<64x256xf32, #tpu.memory_space<vmem>>, vector<1x16xf32>,
        %get3A_622 = vector.shape_cast %get3A_621 : vector<1x16xf32> to vector<16xf32>
        %add3A_623 = arith.addf %add3A_511, %get3A_622 : vector<16xf32>
        %add3A_624 = arith.constant 3 : i32
        %add3A_625 = arith.addi %mul3A_281, %add3A_624 : i32
        %get3A_626 = arith.index_cast %add3A_625 : i32 to index
        %get3A_627 = arith.constant 16 : index
        %get3A_628 = tpu.vector_load %arg7[%get3A_626, %get3A_627] {strides = array<i32>} : memref<64x256xf32, #tpu.memory_space<vmem>>, vector<1x16xf32>,
        %get3A_629 = vector.shape_cast %get3A_628 : vector<1x16xf32> to vector<16xf32>
        %add3A_630 = arith.addf %add3A_518, %get3A_629 : vector<16xf32>
        %add3A_631 = arith.constant 3 : i32
        %add3A_632 = arith.addi %mul3A_281, %add3A_631 : i32
        %get3A_633 = arith.index_cast %add3A_632 : i32 to index
        %get3A_634 = arith.constant 32 : index
        %get3A_635 = tpu.vector_load %arg7[%get3A_633, %get3A_634] {strides = array<i32>} : memref<64x256xf32, #tpu.memory_space<vmem>>, vector<1x16xf32>,
        %get3A_636 = vector.shape_cast %get3A_635 : vector<1x16xf32> to vector<16xf32>
        %add3A_637 = arith.addf %add3A_525, %get3A_636 : vector<16xf32>
        %add3A_638 = arith.constant 3 : i32
        %add3A_639 = arith.addi %mul3A_281, %add3A_638 : i32
        %get3A_640 = arith.index_cast %add3A_639 : i32 to index
        %get3A_641 = arith.constant 48 : index
        %get3A_642 = tpu.vector_load %arg7[%get3A_640, %get3A_641] {strides = array<i32>} : memref<64x256xf32, #tpu.memory_space<vmem>>, vector<1x16xf32>,
        %get3A_643 = vector.shape_cast %get3A_642 : vector<1x16xf32> to vector<16xf32>
        %add3A_644 = arith.addf %add3A_532, %get3A_643 : vector<16xf32>
        %add3A_645 = arith.constant 3 : i32
        %add3A_646 = arith.addi %mul3A_281, %add3A_645 : i32
        %get3A_647 = arith.index_cast %add3A_646 : i32 to index
        %get3A_648 = arith.constant 64 : index
        %get3A_649 = tpu.vector_load %arg7[%get3A_647, %get3A_648] {strides = array<i32>} : memref<64x256xf32, #tpu.memory_space<vmem>>, vector<1x16xf32>,
        %get3A_650 = vector.shape_cast %get3A_649 : vector<1x16xf32> to vector<16xf32>
        %add3A_651 = arith.addf %add3A_539, %get3A_650 : vector<16xf32>
        %add3A_652 = arith.constant 3 : i32
        %add3A_653 = arith.addi %mul3A_281, %add3A_652 : i32
        %get3A_654 = arith.index_cast %add3A_653 : i32 to index
        %get3A_655 = arith.constant 80 : index
        %get3A_656 = tpu.vector_load %arg7[%get3A_654, %get3A_655] {strides = array<i32>} : memref<64x256xf32, #tpu.memory_space<vmem>>, vector<1x16xf32>,
        %get3A_657 = vector.shape_cast %get3A_656 : vector<1x16xf32> to vector<16xf32>
        %add3A_658 = arith.addf %add3A_546, %get3A_657 : vector<16xf32>
        %add3A_659 = arith.constant 3 : i32
        %add3A_660 = arith.addi %mul3A_281, %add3A_659 : i32
        %get3A_661 = arith.index_cast %add3A_660 : i32 to index
        %get3A_662 = arith.constant 96 : index
        %get3A_663 = tpu.vector_load %arg7[%get3A_661, %get3A_662] {strides = array<i32>} : memref<64x256xf32, #tpu.memory_space<vmem>>, vector<1x16xf32>,
        %get3A_664 = vector.shape_cast %get3A_663 : vector<1x16xf32> to vector<16xf32>
        %add3A_665 = arith.addf %add3A_553, %get3A_664 : vector<16xf32>
        %add3A_666 = arith.constant 3 : i32
        %add3A_667 = arith.addi %mul3A_281, %add3A_666 : i32
        %get3A_668 = arith.index_cast %add3A_667 : i32 to index
        %get3A_669 = arith.constant 112 : index
        %get3A_670 = tpu.vector_load %arg7[%get3A_668, %get3A_669] {strides = array<i32>} : memref<64x256xf32, #tpu.memory_space<vmem>>, vector<1x16xf32>,
        %get3A_671 = vector.shape_cast %get3A_670 : vector<1x16xf32> to vector<16xf32>
        %add3A_672 = arith.addf %add3A_560, %get3A_671 : vector<16xf32>
        %add3A_673 = arith.constant 3 : i32
        %add3A_674 = arith.addi %mul3A_281, %add3A_673 : i32
        %get3A_675 = arith.index_cast %add3A_674 : i32 to index
        %get3A_676 = arith.constant 128 : index
        %get3A_677 = tpu.vector_load %arg7[%get3A_675, %get3A_676] {strides = array<i32>} : memref<64x256xf32, #tpu.memory_space<vmem>>, vector<1x16xf32>,
        %get3A_678 = vector.shape_cast %get3A_677 : vector<1x16xf32> to vector<16xf32>
        %add3A_679 = arith.addf %add3A_567, %get3A_678 : vector<16xf32>
        %add3A_680 = arith.constant 3 : i32
        %add3A_681 = arith.addi %mul3A_281, %add3A_680 : i32
        %get3A_682 = arith.index_cast %add3A_681 : i32 to index
        %get3A_683 = arith.constant 144 : index
        %get3A_684 = tpu.vector_load %arg7[%get3A_682, %get3A_683] {strides = array<i32>} : memref<64x256xf32, #tpu.memory_space<vmem>>, vector<1x16xf32>,
        %get3A_685 = vector.shape_cast %get3A_684 : vector<1x16xf32> to vector<16xf32>
        %add3A_686 = arith.addf %add3A_574, %get3A_685 : vector<16xf32>
        %add3A_687 = arith.constant 3 : i32
        %add3A_688 = arith.addi %mul3A_281, %add3A_687 : i32
        %get3A_689 = arith.index_cast %add3A_688 : i32 to index
        %get3A_690 = arith.constant 160 : index
        %get3A_691 = tpu.vector_load %arg7[%get3A_689, %get3A_690] {strides = array<i32>} : memref<64x256xf32, #tpu.memory_space<vmem>>, vector<1x16xf32>,
        %get3A_692 = vector.shape_cast %get3A_691 : vector<1x16xf32> to vector<16xf32>
        %add3A_693 = arith.addf %add3A_581, %get3A_692 : vector<16xf32>
        %add3A_694 = arith.constant 3 : i32
        %add3A_695 = arith.addi %mul3A_281, %add3A_694 : i32
        %get3A_696 = arith.index_cast %add3A_695 : i32 to index
        %get3A_697 = arith.constant 176 : index
        %get3A_698 = tpu.vector_load %arg7[%get3A_696, %get3A_697] {strides = array<i32>} : memref<64x256xf32, #tpu.memory_space<vmem>>, vector<1x16xf32>,
        %get3A_699 = vector.shape_cast %get3A_698 : vector<1x16xf32> to vector<16xf32>
        %add3A_700 = arith.addf %add3A_588, %get3A_699 : vector<16xf32>
        %add3A_701 = arith.constant 3 : i32
        %add3A_702 = arith.addi %mul3A_281, %add3A_701 : i32
        %get3A_703 = arith.index_cast %add3A_702 : i32 to index
        %get3A_704 = arith.constant 192 : index
        %get3A_705 = tpu.vector_load %arg7[%get3A_703, %get3A_704] {strides = array<i32>} : memref<64x256xf32, #tpu.memory_space<vmem>>, vector<1x16xf32>,
        %get3A_706 = vector.shape_cast %get3A_705 : vector<1x16xf32> to vector<16xf32>
        %add3A_707 = arith.addf %add3A_595, %get3A_706 : vector<16xf32>
        %add3A_708 = arith.constant 3 : i32
        %add3A_709 = arith.addi %mul3A_281, %add3A_708 : i32
        %get3A_710 = arith.index_cast %add3A_709 : i32 to index
        %get3A_711 = arith.constant 208 : index
        %get3A_712 = tpu.vector_load %arg7[%get3A_710, %get3A_711] {strides = array<i32>} : memref<64x256xf32, #tpu.memory_space<vmem>>, vector<1x16xf32>,
        %get3A_713 = vector.shape_cast %get3A_712 : vector<1x16xf32> to vector<16xf32>
        %add3A_714 = arith.addf %add3A_602, %get3A_713 : vector<16xf32>
        %add3A_715 = arith.constant 3 : i32
        %add3A_716 = arith.addi %mul3A_281, %add3A_715 : i32
        %get3A_717 = arith.index_cast %add3A_716 : i32 to index
        %get3A_718 = arith.constant 224 : index
        %get3A_719 = tpu.vector_load %arg7[%get3A_717, %get3A_718] {strides = array<i32>} : memref<64x256xf32, #tpu.memory_space<vmem>>, vector<1x16xf32>,
        %get3A_720 = vector.shape_cast %get3A_719 : vector<1x16xf32> to vector<16xf32>
        %add3A_721 = arith.addf %add3A_609, %get3A_720 : vector<16xf32>
        %add3A_722 = arith.constant 3 : i32
        %add3A_723 = arith.addi %mul3A_281, %add3A_722 : i32
        %get3A_724 = arith.index_cast %add3A_723 : i32 to index
        %get3A_725 = arith.constant 240 : index
        %get3A_726 = tpu.vector_load %arg7[%get3A_724, %get3A_725] {strides = array<i32>} : memref<64x256xf32, #tpu.memory_space<vmem>>, vector<1x16xf32>,
        %get3A_727 = vector.shape_cast %get3A_726 : vector<1x16xf32> to vector<16xf32>
        %add3A_728 = arith.addf %add3A_616, %get3A_727 : vector<16xf32>
        scf.yield %add3A_623, %add3A_630, %add3A_637, %add3A_644, %add3A_651, %add3A_658, %add3A_665, %add3A_672, %add3A_679, %add3A_686, %add3A_693, %add3A_700, %add3A_707, %add3A_714, %add3A_721, %add3A_728 : vector<16xf32>, vector<16xf32>, vector<16xf32>, vector<16xf32>, vector<16xf32>, vector<16xf32>, vector<16xf32>, vector<16xf32>, vector<16xf32>, vector<16xf32>, vector<16xf32>, vector<16xf32>, vector<16xf32>, vector<16xf32>, vector<16xf32>, vector<16xf32>
      }
      %scan3A_255 = arith.constant 16 : i32
      %add3A_256 = arith.constant 4 : i32
      %add3A_257 = arith.addi %add3A_241, %add3A_256 : i32
      %lt3A_258 = arith.constant 24 : i32
      %lt3A_259 = arith.cmpi slt, %add3A_257, %lt3A_258 : i32
      %convert_element_type3A_260 = arith.extui %lt3A_259 : i1 to i32
      %cond3A_261 = arith.constant 0 : i32
      %cond3A_262 = arith.cmpi ne, %convert_element_type3A_260, %cond3A_261 : i32
      scf.if %cond3A_262 {
        %add3A_263 = arith.constant 4 : i32
        %add3A_264 = arith.addi %add3A_241, %add3A_263 : i32
        %mul3A_265 = arith.constant 64 : i32
        %mul3A_266 = arith.muli %add3A_264, %mul3A_265 : i32
        %add3A_267 = arith.constant 2560 : i32
        %add3A_268 = arith.addi %add3A_267, %mul3A_266 : i32
        %dma_start3A_269 = tpu.memref_slice %arg2[%select_n3A, %add3A_268, %mul3A_32] : memref<4x4096x2048xf32, #tpu.memory_space<hbm>> -> memref<1x64x256xf32, #tpu.memory_space<hbm>>
        %dma_start3A_270 = tpu.memref_squeeze %dma_start3A_269 : memref<1x64x256xf32, #tpu.memory_space<hbm>> -> memref<64x256xf32, #tpu.memory_space<hbm>>
        %dma_start3A_271 = tpu.memref_slice %arg2[%select_n3A, %add3A_268, %mul3A_32] : memref<4x4096x2048xf32, #tpu.memory_space<hbm>> -> memref<1x64x256xf32, #tpu.memory_space<hbm>>
        %dma_start3A_272 = tpu.memref_squeeze %dma_start3A_271 : memref<1x64x256xf32, #tpu.memory_space<hbm>> -> memref<64x256xf32, #tpu.memory_space<hbm>>
        tpu.enqueue_dma source(%dma_start3A_272 : memref<64x256xf32, #tpu.memory_space<hbm>>) target(%arg7 : memref<64x256xf32, #tpu.memory_space<vmem>>) target_semaphore(%arg12 : memref<!tpu.dma_semaphore, #tpu.memory_space<semaphore_mem>>)
      } else {
      }
      scf.yield %scan3A_254#0, %scan3A_254#1, %scan3A_254#2, %scan3A_254#3, %scan3A_254#4, %scan3A_254#5, %scan3A_254#6, %scan3A_254#7, %scan3A_254#8, %scan3A_254#9, %scan3A_254#10, %scan3A_254#11, %scan3A_254#12, %scan3A_254#13, %scan3A_254#14, %scan3A_254#15 : vector<16xf32>, vector<16xf32>, vector<16xf32>, vector<16xf32>, vector<16xf32>, vector<16xf32>, vector<16xf32>, vector<16xf32>, vector<16xf32>, vector<16xf32>, vector<16xf32>, vector<16xf32>, vector<16xf32>, vector<16xf32>, vector<16xf32>, vector<16xf32>
    }
    %scan3A_91 = arith.constant 6 : i32
    %swap3A = arith.constant 0 : index
    %swap3A_92 = tpu.vector_load %arg8[%swap3A] {strides = array<i32>} : memref<256xf32, #tpu.memory_space<vmem>>, vector<16xf32>,
    %swap3A_93 = vector.shape_cast %swap3A_92 : vector<16xf32> to vector<16xf32>
    %swap3A_94 = vector.shape_cast %scan3A_90#0 : vector<16xf32> to vector<16xf32>
    tpu.vector_store %arg8[%swap3A], %swap3A_94 {strides = array<i32>} : memref<256xf32, #tpu.memory_space<vmem>>, vector<16xf32>,
    %swap3A_95 = arith.constant 16 : index
    %swap3A_96 = tpu.vector_load %arg8[%swap3A_95] {strides = array<i32>} : memref<256xf32, #tpu.memory_space<vmem>>, vector<16xf32>,
    %swap3A_97 = vector.shape_cast %swap3A_96 : vector<16xf32> to vector<16xf32>
    %swap3A_98 = vector.shape_cast %scan3A_90#1 : vector<16xf32> to vector<16xf32>
    tpu.vector_store %arg8[%swap3A_95], %swap3A_98 {strides = array<i32>} : memref<256xf32, #tpu.memory_space<vmem>>, vector<16xf32>,
    %swap3A_99 = arith.constant 32 : index
    %swap3A_100 = tpu.vector_load %arg8[%swap3A_99] {strides = array<i32>} : memref<256xf32, #tpu.memory_space<vmem>>, vector<16xf32>,
    %swap3A_101 = vector.shape_cast %swap3A_100 : vector<16xf32> to vector<16xf32>
    %swap3A_102 = vector.shape_cast %scan3A_90#2 : vector<16xf32> to vector<16xf32>
    tpu.vector_store %arg8[%swap3A_99], %swap3A_102 {strides = array<i32>} : memref<256xf32, #tpu.memory_space<vmem>>, vector<16xf32>,
    %swap3A_103 = arith.constant 48 : index
    %swap3A_104 = tpu.vector_load %arg8[%swap3A_103] {strides = array<i32>} : memref<256xf32, #tpu.memory_space<vmem>>, vector<16xf32>,
    %swap3A_105 = vector.shape_cast %swap3A_104 : vector<16xf32> to vector<16xf32>
    %swap3A_106 = vector.shape_cast %scan3A_90#3 : vector<16xf32> to vector<16xf32>
    tpu.vector_store %arg8[%swap3A_103], %swap3A_106 {strides = array<i32>} : memref<256xf32, #tpu.memory_space<vmem>>, vector<16xf32>,
    %swap3A_107 = arith.constant 64 : index
    %swap3A_108 = tpu.vector_load %arg8[%swap3A_107] {strides = array<i32>} : memref<256xf32, #tpu.memory_space<vmem>>, vector<16xf32>,
    %swap3A_109 = vector.shape_cast %swap3A_108 : vector<16xf32> to vector<16xf32>
    %swap3A_110 = vector.shape_cast %scan3A_90#4 : vector<16xf32> to vector<16xf32>
    tpu.vector_store %arg8[%swap3A_107], %swap3A_110 {strides = array<i32>} : memref<256xf32, #tpu.memory_space<vmem>>, vector<16xf32>,
    %swap3A_111 = arith.constant 80 : index
    %swap3A_112 = tpu.vector_load %arg8[%swap3A_111] {strides = array<i32>} : memref<256xf32, #tpu.memory_space<vmem>>, vector<16xf32>,
    %swap3A_113 = vector.shape_cast %swap3A_112 : vector<16xf32> to vector<16xf32>
    %swap3A_114 = vector.shape_cast %scan3A_90#5 : vector<16xf32> to vector<16xf32>
    tpu.vector_store %arg8[%swap3A_111], %swap3A_114 {strides = array<i32>} : memref<256xf32, #tpu.memory_space<vmem>>, vector<16xf32>,
    %swap3A_115 = arith.constant 96 : index
    %swap3A_116 = tpu.vector_load %arg8[%swap3A_115] {strides = array<i32>} : memref<256xf32, #tpu.memory_space<vmem>>, vector<16xf32>,
    %swap3A_117 = vector.shape_cast %swap3A_116 : vector<16xf32> to vector<16xf32>
    %swap3A_118 = vector.shape_cast %scan3A_90#6 : vector<16xf32> to vector<16xf32>
    tpu.vector_store %arg8[%swap3A_115], %swap3A_118 {strides = array<i32>} : memref<256xf32, #tpu.memory_space<vmem>>, vector<16xf32>,
    %swap3A_119 = arith.constant 112 : index
    %swap3A_120 = tpu.vector_load %arg8[%swap3A_119] {strides = array<i32>} : memref<256xf32, #tpu.memory_space<vmem>>, vector<16xf32>,
    %swap3A_121 = vector.shape_cast %swap3A_120 : vector<16xf32> to vector<16xf32>
    %swap3A_122 = vector.shape_cast %scan3A_90#7 : vector<16xf32> to vector<16xf32>
    tpu.vector_store %arg8[%swap3A_119], %swap3A_122 {strides = array<i32>} : memref<256xf32, #tpu.memory_space<vmem>>, vector<16xf32>,
    %swap3A_123 = arith.constant 128 : index
    %swap3A_124 = tpu.vector_load %arg8[%swap3A_123] {strides = array<i32>} : memref<256xf32, #tpu.memory_space<vmem>>, vector<16xf32>,
    %swap3A_125 = vector.shape_cast %swap3A_124 : vector<16xf32> to vector<16xf32>
    %swap3A_126 = vector.shape_cast %scan3A_90#8 : vector<16xf32> to vector<16xf32>
    tpu.vector_store %arg8[%swap3A_123], %swap3A_126 {strides = array<i32>} : memref<256xf32, #tpu.memory_space<vmem>>, vector<16xf32>,
    %swap3A_127 = arith.constant 144 : index
    %swap3A_128 = tpu.vector_load %arg8[%swap3A_127] {strides = array<i32>} : memref<256xf32, #tpu.memory_space<vmem>>, vector<16xf32>,
    %swap3A_129 = vector.shape_cast %swap3A_128 : vector<16xf32> to vector<16xf32>
    %swap3A_130 = vector.shape_cast %scan3A_90#9 : vector<16xf32> to vector<16xf32>
    tpu.vector_store %arg8[%swap3A_127], %swap3A_130 {strides = array<i32>} : memref<256xf32, #tpu.memory_space<vmem>>, vector<16xf32>,
    %swap3A_131 = arith.constant 160 : index
    %swap3A_132 = tpu.vector_load %arg8[%swap3A_131] {strides = array<i32>} : memref<256xf32, #tpu.memory_space<vmem>>, vector<16xf32>,
    %swap3A_133 = vector.shape_cast %swap3A_132 : vector<16xf32> to vector<16xf32>
    %swap3A_134 = vector.shape_cast %scan3A_90#10 : vector<16xf32> to vector<16xf32>
    tpu.vector_store %arg8[%swap3A_131], %swap3A_134 {strides = array<i32>} : memref<256xf32, #tpu.memory_space<vmem>>, vector<16xf32>,
    %swap3A_135 = arith.constant 176 : index
    %swap3A_136 = tpu.vector_load %arg8[%swap3A_135] {strides = array<i32>} : memref<256xf32, #tpu.memory_space<vmem>>, vector<16xf32>,
    %swap3A_137 = vector.shape_cast %swap3A_136 : vector<16xf32> to vector<16xf32>
    %swap3A_138 = vector.shape_cast %scan3A_90#11 : vector<16xf32> to vector<16xf32>
    tpu.vector_store %arg8[%swap3A_135], %swap3A_138 {strides = array<i32>} : memref<256xf32, #tpu.memory_space<vmem>>, vector<16xf32>,
    %swap3A_139 = arith.constant 192 : index
    %swap3A_140 = tpu.vector_load %arg8[%swap3A_139] {strides = array<i32>} : memref<256xf32, #tpu.memory_space<vmem>>, vector<16xf32>,
    %swap3A_141 = vector.shape_cast %swap3A_140 : vector<16xf32> to vector<16xf32>
    %swap3A_142 = vector.shape_cast %scan3A_90#12 : vector<16xf32> to vector<16xf32>
    tpu.vector_store %arg8[%swap3A_139], %swap3A_142 {strides = array<i32>} : memref<256xf32, #tpu.memory_space<vmem>>, vector<16xf32>,
    %swap3A_143 = arith.constant 208 : index
    %swap3A_144 = tpu.vector_load %arg8[%swap3A_143] {strides = array<i32>} : memref<256xf32, #tpu.memory_space<vmem>>, vector<16xf32>,
    %swap3A_145 = vector.shape_cast %swap3A_144 : vector<16xf32> to vector<16xf32>
    %swap3A_146 = vector.shape_cast %scan3A_90#13 : vector<16xf32> to vector<16xf32>
    tpu.vector_store %arg8[%swap3A_143], %swap3A_146 {strides = array<i32>} : memref<256xf32, #tpu.memory_space<vmem>>, vector<16xf32>,
    %swap3A_147 = arith.constant 224 : index
    %swap3A_148 = tpu.vector_load %arg8[%swap3A_147] {strides = array<i32>} : memref<256xf32, #tpu.memory_space<vmem>>, vector<16xf32>,
    %swap3A_149 = vector.shape_cast %swap3A_148 : vector<16xf32> to vector<16xf32>
    %swap3A_150 = vector.shape_cast %scan3A_90#14 : vector<16xf32> to vector<16xf32>
    tpu.vector_store %arg8[%swap3A_147], %swap3A_150 {strides = array<i32>} : memref<256xf32, #tpu.memory_space<vmem>>, vector<16xf32>,
    %swap3A_151 = arith.constant 240 : index
    %swap3A_152 = tpu.vector_load %arg8[%swap3A_151] {strides = array<i32>} : memref<256xf32, #tpu.memory_space<vmem>>, vector<16xf32>,
    %swap3A_153 = vector.shape_cast %swap3A_152 : vector<16xf32> to vector<16xf32>
    %swap3A_154 = vector.shape_cast %scan3A_90#15 : vector<16xf32> to vector<16xf32>
    tpu.vector_store %arg8[%swap3A_151], %swap3A_154 {strides = array<i32>} : memref<256xf32, #tpu.memory_space<vmem>>, vector<16xf32>,
    "tpu.region"() ({
      %run_scoped3A = tpu.sem_alloc : memref<!tpu.dma_semaphore, #tpu.memory_space<semaphore_mem>>
      %dma_start3A_155 = tpu.memref_slice %arg3[%select_n3A, %mul3A_32] : memref<4x2048xf32, #tpu.memory_space<hbm>> -> memref<1x256xf32, #tpu.memory_space<hbm>>
      %dma_start3A_156 = tpu.memref_squeeze %dma_start3A_155 : memref<1x256xf32, #tpu.memory_space<hbm>> -> memref<256xf32, #tpu.memory_space<hbm>>
      %dma_start3A_157 = tpu.memref_slice %arg3[%select_n3A, %mul3A_32] : memref<4x2048xf32, #tpu.memory_space<hbm>> -> memref<1x256xf32, #tpu.memory_space<hbm>>
      %dma_start3A_158 = tpu.memref_squeeze %dma_start3A_157 : memref<1x256xf32, #tpu.memory_space<hbm>> -> memref<256xf32, #tpu.memory_space<hbm>>
      tpu.enqueue_dma source(%arg8 : memref<256xf32, #tpu.memory_space<vmem>>) target(%dma_start3A_158 : memref<256xf32, #tpu.memory_space<hbm>>) target_semaphore(%run_scoped3A : memref<!tpu.dma_semaphore, #tpu.memory_space<semaphore_mem>>)
      %dma_wait3A = tpu.memref_slice %arg3[%select_n3A, %mul3A_32] : memref<4x2048xf32, #tpu.memory_space<hbm>> -> memref<1x256xf32, #tpu.memory_space<hbm>>
      %dma_wait3A_159 = tpu.memref_squeeze %dma_wait3A : memref<1x256xf32, #tpu.memory_space<hbm>> -> memref<256xf32, #tpu.memory_space<hbm>>
      %dma_wait3A_160 = tpu.memref_slice %arg3[%select_n3A, %mul3A_32] : memref<4x2048xf32, #tpu.memory_space<hbm>> -> memref<1x256xf32, #tpu.memory_space<hbm>>
      %dma_wait3A_161 = tpu.memref_squeeze %dma_wait3A_160 : memref<1x256xf32, #tpu.memory_space<hbm>> -> memref<256xf32, #tpu.memory_space<hbm>>
      tpu.wait_dma2 semaphore(%run_scoped3A : memref<!tpu.dma_semaphore, #tpu.memory_space<semaphore_mem>>) src(%arg8 : memref<256xf32, #tpu.memory_space<vmem>>) dst(%dma_wait3A_161 : memref<256xf32, #tpu.memory_space<hbm>>)
      tpu.yield
    }) : () -> ()
    return
  }
}

module attributes {stable_mosaic.version = 14 : i64} {
  func.func @_tc_partial_kernel(%arg0: i32, %arg1: memref<4x256x2048xf32, #tpu.memory_space<vmem>>, %arg2: memref<4x2048xf32, #tpu.memory_space<vmem>>, %arg3: memref<4x2048xf32, #tpu.memory_space<vmem>>) attributes {dimension_semantics = [#tpu.dimension_semantics<arbitrary>], iteration_bounds = array<i64: 10>, scalar_prefetch = 0 : i64, scratch_operands = 1 : i64, tpu.core_type = #tpu.core_type<tc>, window_params = [{transform_indices = @transform_0, window_bounds = array<i64: 4, 256, 2048>}, {pipeline_mode = #tpu.pipeline_mode<synchronous>, transform_indices = @transform_1, window_bounds = array<i64: 4, 2048>}]} {
    %eq3A = arith.constant 0 : i32
    %eq3A_0 = arith.cmpi eq, %arg0, %eq3A : i32
    %convert_element_type3A = arith.extui %eq3A_0 : i1 to i32
    %cond3A = arith.constant 0 : i32
    %cond3A_1 = arith.cmpi ne, %convert_element_type3A, %cond3A : i32
    scf.if %cond3A_1 {
      %broadcast_in_dim3A = arith.constant 0.000000e+00 : f32
      %broadcast_in_dim3A_16 = vector.broadcast %broadcast_in_dim3A : f32 to vector<4x2048xf32>
      %swap3A_17 = arith.constant 0 : index
      %swap3A_18 = arith.constant 0 : index
      %swap3A_19 = vector.load %arg3[%swap3A_17, %swap3A_18] : memref<4x2048xf32, #tpu.memory_space<vmem>>, vector<4x2048xf32>
      tpu.vector_store %arg3[%swap3A_17, %swap3A_18], %broadcast_in_dim3A_16 {strides = array<i32>} : memref<4x2048xf32, #tpu.memory_space<vmem>>, vector<4x2048xf32>,
    } else {
    }
    %get3A = arith.constant 0 : index
    %get3A_2 = arith.constant 0 : index
    %get3A_3 = vector.load %arg3[%get3A, %get3A_2] : memref<4x2048xf32, #tpu.memory_space<vmem>>, vector<4x2048xf32>
    %get3A_4 = arith.constant 0 : index
    %get3A_5 = arith.constant 0 : index
    %get3A_6 = arith.constant 0 : index
    %get3A_7 = vector.load %arg1[%get3A_4, %get3A_5, %get3A_6] : memref<4x256x2048xf32, #tpu.memory_space<vmem>>, vector<4x256x2048xf32>
    %reduce_sum3A = arith.constant dense<0.000000e+00> : vector<4x2048xf32>
    %reduce_sum3A_8 = vector.multi_reduction <add>, %get3A_7, %reduce_sum3A [1] : vector<4x256x2048xf32> to vector<4x2048xf32>
    %add3A = arith.addf %get3A_3, %reduce_sum3A_8 : vector<4x2048xf32>
    %swap3A = arith.constant 0 : index
    %swap3A_9 = arith.constant 0 : index
    %swap3A_10 = vector.load %arg3[%swap3A, %swap3A_9] : memref<4x2048xf32, #tpu.memory_space<vmem>>, vector<4x2048xf32>
    tpu.vector_store %arg3[%swap3A, %swap3A_9], %add3A {strides = array<i32>} : memref<4x2048xf32, #tpu.memory_space<vmem>>, vector<4x2048xf32>,
    %eq3A_11 = arith.constant 9 : i32
    %eq3A_12 = arith.cmpi eq, %arg0, %eq3A_11 : i32
    %convert_element_type3A_13 = arith.extui %eq3A_12 : i1 to i32
    %cond3A_14 = arith.constant 0 : i32
    %cond3A_15 = arith.cmpi ne, %convert_element_type3A_13, %cond3A_14 : i32
    scf.if %cond3A_15 {
      %get3A_16 = arith.constant 0 : index
      %get3A_17 = arith.constant 0 : index
      %get3A_18 = vector.load %arg3[%get3A_16, %get3A_17] : memref<4x2048xf32, #tpu.memory_space<vmem>>, vector<4x2048xf32>
      %swap3A_19 = arith.constant 0 : index
      %swap3A_20 = arith.constant 0 : index
      %swap3A_21 = vector.load %arg2[%swap3A_19, %swap3A_20] : memref<4x2048xf32, #tpu.memory_space<vmem>>, vector<4x2048xf32>
      tpu.vector_store %arg2[%swap3A_19, %swap3A_20], %get3A_18 {strides = array<i32>} : memref<4x2048xf32, #tpu.memory_space<vmem>>, vector<4x2048xf32>,
    } else {
    }
    return
  }
  func.func @transform_0(%arg0: i32) -> (i32, i32, i32) {
    %c0_i32 = arith.constant 0 : i32
    %c0_i32_0 = arith.constant 0 : i32
    %c0_i32_1 = arith.constant 0 : i32
    return %c0_i32, %arg0, %c0_i32_0 : i32, i32, i32
  }
  func.func @transform_1(%arg0: i32) -> (i32, i32) {
    %c0_i32 = arith.constant 0 : i32
    %c0_i32_0 = arith.constant 0 : i32
    %c0_i32_1 = arith.constant 0 : i32
    return %c0_i32, %c0_i32_0 : i32, i32
  }
}

module attributes {stable_mosaic.version = 14 : i64} {
  func.func @_tail_kernel(%arg0: memref<4x2048xf32, #tpu.memory_space<vmem>>, %arg1: memref<4x2048xf32, #tpu.memory_space<vmem>>, %arg2: memref<16x2048xf32, #tpu.memory_space<vmem>>, %arg3: memref<1x16xf32, #tpu.memory_space<vmem>>, %arg4: memref<4x16xf32, #tpu.memory_space<vmem>>, %arg5: memref<4x16xf32, #tpu.memory_space<vmem>>) attributes {dimension_semantics = [], scalar_prefetch = 0 : i64, scratch_operands = 0 : i64, tpu.core_type = #tpu.core_type<tc>} {
    %get3A = arith.constant 0 : index
    %get3A_0 = arith.constant 0 : index
    %get3A_1 = vector.load %arg0[%get3A, %get3A_0] : memref<4x2048xf32, #tpu.memory_space<vmem>>, vector<4x2048xf32>
    %get3A_2 = arith.constant 0 : index
    %get3A_3 = arith.constant 0 : index
    %get3A_4 = vector.load %arg1[%get3A_2, %get3A_3] : memref<4x2048xf32, #tpu.memory_space<vmem>>, vector<4x2048xf32>
    %add3A = arith.addf %get3A_1, %get3A_4 : vector<4x2048xf32>
    %mul3A = arith.constant 2.44140625E-4 : f32
    %mul3A_5 = vector.broadcast %mul3A : f32 to vector<4x2048xf32>
    %mul3A_6 = arith.mulf %add3A, %mul3A_5 : vector<4x2048xf32>
    %get3A_7 = arith.constant 0 : index
    %get3A_8 = arith.constant 0 : index
    %get3A_9 = vector.load %arg2[%get3A_7, %get3A_8] : memref<16x2048xf32, #tpu.memory_space<vmem>>, vector<16x2048xf32>
    %dot_general3A = arith.constant dense<0.000000e+00> : vector<4x16xf32>
    %dot_general3A_10 = tpu.matmul %mul3A_6, %get3A_9, %dot_general3A {dimension_numbers = #tpu.dot_dimension_numbers<[1], [1], [0], [0], [0, 0, 1, 0], [], []>, transpose_lhs_hint = false} : vector<4x2048xf32>, vector<16x2048xf32>, vector<4x16xf32> -> vector<4x16xf32>
    %get3A_11 = arith.constant 0 : index
    %get3A_12 = arith.constant 0 : index
    %get3A_13 = vector.load %arg3[%get3A_11, %get3A_12] : memref<1x16xf32, #tpu.memory_space<vmem>>, vector<1x16xf32>
    %add3A_14 = vector.broadcast %get3A_13 : vector<1x16xf32> to vector<4x16xf32>
    %add3A_15 = arith.addf %dot_general3A_10, %add3A_14 : vector<4x16xf32>
    %get3A_16 = arith.constant 0 : index
    %get3A_17 = arith.constant 0 : index
    %get3A_18 = vector.load %arg4[%get3A_16, %get3A_17] : memref<4x16xf32, #tpu.memory_space<vmem>>, vector<4x16xf32>
    %add3A_19 = arith.addf %add3A_15, %get3A_18 : vector<4x16xf32>
    %reduce_max3A = arith.constant dense<0xFF800000> : vector<4xf32>
    %reduce_max3A_20 = vector.multi_reduction <maximumf>, %add3A_19, %reduce_max3A [1] : vector<4x16xf32> to vector<4xf32>
    %broadcast_in_dim3A = vector.shape_cast %reduce_max3A_20 : vector<4xf32> to vector<4x1xf32>
    %sub3A = vector.broadcast %broadcast_in_dim3A : vector<4x1xf32> to vector<4x16xf32>
    %sub3A_21 = arith.subf %add3A_19, %sub3A : vector<4x16xf32>
    %exp3A = math.exp %sub3A_21 : vector<4x16xf32>
    %reduce_sum3A = arith.constant dense<0.000000e+00> : vector<4xf32>
    %reduce_sum3A_22 = vector.multi_reduction <add>, %exp3A, %reduce_sum3A [1] : vector<4x16xf32> to vector<4xf32>
    %broadcast_in_dim3A_23 = vector.shape_cast %reduce_sum3A_22 : vector<4xf32> to vector<4x1xf32>
    %div3A = vector.broadcast %broadcast_in_dim3A_23 : vector<4x1xf32> to vector<4x16xf32>
    %div3A_24 = arith.divf %exp3A, %div3A : vector<4x16xf32>
    %reduce_max3A_25 = arith.constant dense<0xFF800000> : vector<4xf32>
    %reduce_max3A_26 = vector.multi_reduction <maximumf>, %div3A_24, %reduce_max3A_25 [1] : vector<4x16xf32> to vector<4xf32>
    %broadcast_in_dim3A_27 = vector.shape_cast %reduce_max3A_26 : vector<4xf32> to vector<4x1xf32>
    %iota3A = tpu.iota {dimensions = array<i32: 1>} : vector<4x16xi32>
    %ge3A = vector.broadcast %broadcast_in_dim3A_27 : vector<4x1xf32> to vector<4x16xf32>
    %ge3A_28 = arith.cmpf oge, %div3A_24, %ge3A : vector<4x16xf32>
    %jit3A = arith.constant 16 : i32
    %broadcast_in_dim3A_29 = vector.broadcast %jit3A : i32 to vector<4x16xi32>
    %select_n3A = arith.select %ge3A_28, %iota3A, %broadcast_in_dim3A_29 : vector<4x16xi1>, vector<4x16xi32>
    %reduce_min3A = arith.constant dense<2147483647> : vector<4xi32>
    %reduce_min3A_30 = vector.multi_reduction <minsi>, %select_n3A, %reduce_min3A [1] : vector<4x16xi32> to vector<4xi32>
    %broadcast_in_dim3A_31 = vector.shape_cast %reduce_min3A_30 : vector<4xi32> to vector<4x1xi32>
    %eq3A = vector.broadcast %broadcast_in_dim3A_31 : vector<4x1xi32> to vector<4x16xi32>
    %eq3A_32 = arith.cmpi eq, %iota3A, %eq3A : vector<4x16xi32>
    %convert_element_type3A = arith.extui %eq3A_32 : vector<4x16xi1> to vector<4x16xi32>
    %convert_element_type3A_33 = arith.sitofp %convert_element_type3A : vector<4x16xi32> to vector<4x16xf32>
    %sub3A_34 = arith.subf %convert_element_type3A_33, %div3A_24 : vector<4x16xf32>
    %add3A_35 = arith.addf %sub3A_34, %div3A_24 : vector<4x16xf32>
    %swap3A = arith.constant 0 : index
    %swap3A_36 = arith.constant 0 : index
    %swap3A_37 = vector.load %arg5[%swap3A, %swap3A_36] : memref<4x16xf32, #tpu.memory_space<vmem>>, vector<4x16xf32>
    tpu.vector_store %arg5[%swap3A, %swap3A_36], %add3A_35 {strides = array<i32>} : memref<4x16xf32, #tpu.memory_space<vmem>>, vector<4x16xf32>,
    return
  }
}

</mosaic_0001>

<sc_bundles>
// kernel: kernel.5.cloned.1.call-start
scs
__scs_entry_jumppad:
0x0: {  	(pc) =	sbr.rel $0x88, $3  }
0x1: {  	(tag) =	ssettag $0x0;
	lr =	simm.s32 $0x1  }
0x2: {  	[smem:$0x3F9E] =	sst lr;
	_ =	strace $0xD0000000  }
0x3: {  	_ = 	snop  }
0x4: {  	_ = 	snop  }
0x5: {  	_ = 	snop  }
0x6: {  	_ = 	snop  }
0x7: {  	_ = 	snop  }
__scs_overlays_trampoline_lowered:
0x8: {  	[smem:$0x3FAD] =	sst s0  }
0x9: {  	[smem:$0x3FAE] =	sst s1  }
0xa: {  	[smem:$0x3FAF] =	sst s2  }
0xb: {  	[smem:$0x3FB0] =	sst s3  }
0xc: {  	[smem:$0x3FB1] =	sst s4  }
0xd: {  	[smem:$0x3FB2] =	sst s5  }
0xe: {  	[smem:$0x3FB3] =	sst s6  }
0xf: {  	[smem:$0x3FB4] =	sst s7  }
0x10: {  	[smem:$0x3FB5] =	sst s8  }
0x11: {  	[smem:$0x3FB6] =	sst s9;
	s0 =	simm.s32 @!p0 $0x0  }
0x12: {  	s1 =	sld [smem:$0x3F9C];
	s0 =	simm.s32 @p0 $0x1  }
0x13: {  	[smem:$0x3FB7] =	sst s0;
	s0 =	simm.s32 @!p1 $0x0  }
0x14: {  	s2 =	sld [smem:$0x3F9B];
	s0 =	simm.s32 @p1 $0x1  }
0x15: {  	[smem:$0x3FB8] =	sst s0;
	s0 =	simm.s32 @!p2 $0x0  }
0x16: {  	s3 =	sld [smem:$0x3FDB];
	s0 =	simm.s32 @p2 $0x1  }
0x17: {  	s4 =	simm.s32 $0x1BF5;
	[smem:$0x3FBA] =	sst s0  }
0x18: {  	s0 =	sld [smem:$0x3F9D];
	_ =	swait.ge [sflag:s4], $0x0  }
0x19: {  	s7 =	sld [smem:$0x3F9E]  }
0x1a: {  	s8 =	sadd.s32 $0xFFFFE003, lr  }
0x1b: {  	s9 =	sadd.s32 $0xFFFFFEF7, lr;
	s5 =	simm.s32 $0xFFFFFFFF;
	p2 =	slt.u32 s8, $0xFFFFF086  }
0x1c: {  	p1 =	slt.u32 s9, $0xF7A;
	s5 =	simm.s32 @!p2 $0x0  }
0x1d: {  	s5 =	simm.s32 @p1 $0x1;
	p0 =	seq.s32 s7, s2  }
0x1e: {  	s7 =	smul.u32 @!p0 $0xF7A, s2;
	p2 =	seq.s32 @!p0 s5, $0x0  }
0x1f: {  	s9 =	smul.u32 $0xF7A, s1;
	s8 =	simm.s32 @!p0 $0x1BF5;
	p2 =	por !p2, p0  }
0x20: {  	[sflag:s8] =	ssyncset.s32 @!p0 $0xFFFFF086;
	s6 =	sadd.s32 @!p0 s3, s7;
	s7 =	simm.s32 @!p0 $0x108  }
0x21: {  	s3 =	sadd.s32 s3, s9;
	s6 =	sadd.s32 @!p0 $0x88, s6;
	s7 =	simm.s32 @p2 $0x1082  }
0x22: {  	[simem:s7], [sflag:s8] =	dma.local @!p0 [hbm:s6], $0xF7A  }
0x23: {  	s9 =	sor.u32 $0xD0000000, s2;
	s6 =	simm.s32 $0x108;
	_ =	swait.ge @!p0 [sflag:s8], $0x0  }
0x24: {  	s3 =	sadd.s32 $0x88, s3;
	s6 =	simm.s32 @!p1 $0x1082;
	[sflag:s4] =	ssyncset.s32 $0xFFFFF086  }
0x25: {  	[simem:s6], [sflag:s4] =	dma.local [hbm:s3], $0xF7A  }
0x26: {  	[smem:$0x3F9E] =	sst s1;
	(tag) =	ssettag s2;
	_ =	strace s9  }
0x27: {  	s1 =	sld [smem:$0x3FAE]  }
0x28: {  	s2 =	sld [smem:$0x3FAF]  }
0x29: {  	s4 =	sld [smem:$0x3FB1]  }
0x2a: {  	p0 =	seq.s32 s5, $0x0;
	s5 =	sld [smem:$0x3FB2]  }
0x2b: {  	s6 =	sld [smem:$0x3FB3]  }
0x2c: {  	s7 =	sld [smem:$0x3FB4]  }
0x2d: {  	s3 =	simm.s32 $0x108;
	s8 =	sld [smem:$0x3FB5]  }
0x2e: {  	s3 =	simm.s32 @!p0 $0x1082;
	s9 =	sld [smem:$0x3FB6]  }
0x2f: {  	lr =	sadd.s32 s0, s3;
	s0 =	sld [smem:$0x3FAD]  }
0x30: {  	s3 =	sld [smem:$0x3FB0]  }
0x31: {  	[smem:$0x3FB9] =	sst s10  }
0x32: {  	s10 =	sld [smem:$0x3FB7];
	_ =	sdelay $0x3  }
0x33: {  	p0 =	seq.s32 s10, $0x1;
	s10 =	sld [smem:$0x3FB9];
	_ =	sdelay $0x3  }
0x34: {  	[smem:$0x3FB9] =	sst s10  }
0x35: {  	s10 =	sld [smem:$0x3FB8];
	_ =	sdelay $0x3  }
0x36: {  	p1 =	seq.s32 s10, $0x1;
	s10 =	sld [smem:$0x3FB9];
	_ =	sdelay $0x3  }
0x37: {  	[smem:$0x3FB9] =	sst s10  }
0x38: {  	s10 =	sld [smem:$0x3FBA]  }
0x39: {  	_ = 	snop;
	(pc) =	sbr.ind lr, $3  }
0x3a: {  	_ = 	snop  }
0x3b: {  	_ = 	snop  }
0x3c: {  	p2 =	seq.s32 s10, $0x1;
	s10 =	sld [smem:$0x3FB9]  }
0x3d: {  	_ =	shalt  }
0x3e: {  	_ =	shalt  }
0x3f: {  	_ =	shalt  }
0x40: {  	_ =	shalt  }
0x41: {  	_ =	shalt  }
0x42: {  	_ =	shalt  }
0x43: {  	_ =	shalt  }
0x44: {  	_ =	shalt  }
0x45: {  	_ =	shalt  }
0x46: {  	_ =	shalt  }
0x47: {  	_ =	shalt  }
0x48: {  	_ =	shalt  }
0x49: {  	_ =	shalt  }
0x4a: {  	_ =	shalt  }
0x4b: {  	_ =	shalt  }
0x4c: {  	_ =	shalt  }
0x4d: {  	_ =	shalt  }
0x4e: {  	_ =	shalt  }
0x4f: {  	_ =	shalt  }
0x50: {  	_ =	shalt  }
0x51: {  	_ =	shalt  }
0x52: {  	_ =	shalt  }
0x53: {  	_ =	shalt  }
0x54: {  	_ =	shalt  }
0x55: {  	_ =	shalt  }
0x56: {  	_ =	shalt  }
0x57: {  	_ =	shalt  }
0x58: {  	_ =	shalt  }
0x59: {  	_ =	shalt  }
0x5a: {  	_ =	shalt  }
0x5b: {  	_ =	shalt  }
0x5c: {  	_ =	shalt  }
0x5d: {  	_ =	shalt  }
0x5e: {  	_ =	shalt  }
0x5f: {  	_ =	shalt  }
0x60: {  	_ =	shalt  }
0x61: {  	_ =	shalt  }
0x62: {  	_ =	shalt  }
0x63: {  	_ =	shalt  }
0x64: {  	_ =	shalt  }
0x65: {  	_ =	shalt  }
0x66: {  	_ =	shalt  }
0x67: {  	_ =	shalt  }
0x68: {  	_ =	shalt  }
0x69: {  	_ =	shalt  }
0x6a: {  	_ =	shalt  }
0x6b: {  	_ =	shalt  }
0x6c: {  	_ =	shalt  }
0x6d: {  	_ =	shalt  }
0x6e: {  	_ =	shalt  }
0x6f: {  	_ =	shalt  }
0x70: {  	_ =	shalt  }
0x71: {  	_ =	shalt  }
0x72: {  	_ =	shalt  }
0x73: {  	_ =	shalt  }
0x74: {  	_ =	shalt  }
0x75: {  	_ =	shalt  }
0x76: {  	_ =	shalt  }
0x77: {  	_ =	shalt  }
0x78: {  	_ =	shalt  }
0x79: {  	_ =	shalt  }
0x7a: {  	_ =	shalt  }
0x7b: {  	_ =	shalt  }
0x7c: {  	_ =	shalt  }
0x7d: {  	_ =	shalt  }
0x7e: {  	_ =	shalt  }
0x7f: {  	_ =	shalt  }
0x80: {  	_ =	shalt  }
0x81: {  	_ =	shalt  }
0x82: {  	_ =	shalt  }
0x83: {  	_ =	shalt  }
0x84: {  	_ =	shalt  }
0x85: {  	_ =	shalt  }
0x86: {  	_ =	shalt  }
0x87: {  	_ =	shalt  }
.Lfunc_end0:
.L_simem_size_0:
called_computation_lowered:
.L_overlay_start_0:
0x88: {  	s2 =	sld [smem:$0x3FD9]  }
0x89: {  	s3 =	sld [smem:$0x3FFE];
	_ =	sdelay $0x1  }
0x8a: {  	s1 =	srdreg.scid  }
0x8b: {  	s0 =	sand.u32 $0x1, s1  }
0x8c: {  	s17 =	sshll.u32 s0, $0xA;
	s2 =	sadd.s32 s3, s2  }
0x8d: {  	s2 =	sadd.s32 s2, s17  }
0x8e: {  	[smem:$0x3FC5] =	sst s2  }
0x8f: {  	_ = 	snop  }
0x90: {  	s2 =	sld [smem:$0x3FC9];
	(tm) =	ssettm $0x1  }
0x91: {  	s18 =	sld [smem:$0x3FFB];
	_ =	sdelay $0x3  }
0x92: {  	_ =	strace s18  }
0x93: {  	s3 =	sld [smem:$0x3FFC];
	_ =	sdelay $0x3  }
0x94: {  	_ =	strace s3  }
0x95: {  	s3 =	sld [smem:$0x3FFD];
	_ =	sdelay $0x3  }
0x96: {  	_ =	strace s3  }
0x97: {  	_ =	strace $0x8FFFFFFF  }
0x98: {  	s19 =	sld [smem:$0x3FDB];
	_ =	sdelay $0x1  }
0x99: {  	s4 =	simm.s32 $_scs_section_size  }
0x9a: {  	s5 =	simm.s32 $_size__tile_overlayer_lowered;
	s6 =	simm.s32 $_tile_overlayer_lowered  }
0x9b: {  	s22 =	simm.s32 $0x1BFF;
	s21 =	sshll.u32 s6, $0x1;
	s3 =	sadd.s32 s4, s19  }
0x9c: {  	s7 =	simm.s32 $0x0;
	s20 =	sshll.u32 s5, $0x1;
	s5 =	sadd.s32 s21, s3  }
0x9d: {  	[timem:s7], [sflag:s22] =	dma.local [hbm:s5], s20  }
0x9e: {  	_ =	swait.ge [sflag:s22], s20  }
0x9f: {  	s4 =	ssub.s32 $0x0, s20;
	[sflag:s22] =	ssyncset.done $0x0  }
0xa0: {  	[sflag:s22] =	ssyncadd.s32 s4;
	_ =	sdelay $0x1  }
0xa1: {  	s23 =	simm.s32 $0x1B8B  }
0xa2: {  	_ =	swait.ge [sflag:s23], $0x1  }
0xa3: {  	[sflag:s23] =	ssyncset.done $0x0  }
0xa4: {  	s25 =	simm.s32 $0x1B8E;
	s24 =	sld [smem:$0x3FFE];
	[sflag:s23] =	ssyncadd.s32 $0xFFFFFFFF  }
0xa5: {  	s26 =	simm.s32 $execute0_lowered;
	[smem:$0x3FD2] =	sst s25  }
0xa6: {  	s5 =	sshll.u32 s26, $0x1;
	_ =	strace $0x80000046;
	[dreg:$0x1] =	wrdreg $0xFFFFFFFF  }
0xa7: {  	s28 =	simm.s32 $_size_execute0_lowered;
	s3 =	sadd.s32 s3, s5;
	[dreg:$0x0] =	wrdreg $0x0  }
0xa8: {  	s5 =	sshll.u32 s28, $0x1;
	[dreg:$0x2] =	wrdreg s3  }
0xa9: {  	[dreg:$0x3] =	wrdreg s5  }
0xaa: {  	[dreg:$0x4] =	wrdreg $0xC0  }
0xab: {  	_ =	task [dreg:s7], $0x5FFFF  }
0xac: {  	[dreg:$0x1] =	wrdreg $0xFFFFFFFF  }
0xad: {  	[dreg:$0x0] =	wrdreg $0x60  }
0xae: {  	[dreg:$0x2] =	wrdreg s2  }
0xaf: {  	[dreg:$0x3] =	wrdreg s24  }
0xb0: {  	[dreg:$0x4] =	wrdreg $0x9  }
0xb1: {  	_ =	task.clear_ibuf [dreg:s7], $0x5FFFF;
	_ =	strace $0x90000046  }
0xb2: {  	s29 =	simm.s32 $0x9;
	_ =	strace $0x80000048  }
0xb3: {  	_ =	swait.ge [sflag:s29], $0x1  }
0xb4: {  	[sflag:s29] =	ssyncadd.s32 $0xFFFFFFFF  }
0xb5: {  	_ =	strace $0x90000048  }
0xb6: {  	_ =	sfence  }
0xb7: {  	s30 =	sld [smem:$0x0];
	_ =	sdelay $0x2  }
0xb8: {  	s31 =	sshll.u32 s1, $0xD;
	s1 =	sshrl.u32 s1, $0x2  }
0xb9: {  	s3 =	sand.u32 $0x4000, s31;
	s1 =	sadd.s32 s1, s30  }
0xba: {  	s0 =	sor.u32 s3, s0;
	s1 =	sshll.u32 s1, $0x11  }
0xbb: {  	s0 =	sor.u32 s1, s0  }
0xbc: {  	s0 =	sadd.s32 $0x8F2B, s0  }
0xbd: {  	[sflag:s0] =	ssyncadd.remote.s32 $0x1  }
0xbe: {  	_ =	sfence.sel $0xFFFF  }
0xbf: {  	[dreg:$0x0] =	wrdreg $0xFFFFFFFF;
	(pc) =	sbr.abs _section_cstart, $3  }
0xc0: {  	[dreg:$0x1] =	wrdreg $0xFFFFFFFF  }
0xc1: {  	_ =	task.clear_ibuf [dreg:s7], $0x2FFFF;
	_ =	strace $0x9FFFFFFF  }
0xc2: {  	(tm) =	ssettm $0x7FFFFFFF  }
0xc3: {  	_ =	shalt  }
tec
execute0_lowered:
.L_overlay_start_1:
0x0: {  	(tag) =	ssettag $0x1  }
0x1: {  	s2 =	rddreg [dreg:$0x0]  }
0x2: {  	s0 =	rddreg [dreg:$0x1];
	s5 =	stileid.u32  }
0x3: {  	s1 =	srdreg.scid;
	s3 =	simm.s32 $0x0;
	s14 =	simm.s32 $0x800  }
0x4: {  	s15 =	simm.s32 $0x4000;
	s17 =	simm.s32 $0xC000;
	s18 =	simm.s32 $0x1  }
0x5: {  	s19 =	simm.s32 $0x2;
	s20 =	simm.s32 $0x3;
	s21 =	simm.s32 $0x4  }
0x6: {  	s24 =	simm.s32 $0x10000;
	s25 =	simm.s32 $0x5;
	s26 =	simm.s32 $0x0  }
0x7: {  	s4 =	sshll.u32 s5, $0x1;
	s1 =	sand.u32 $0x1, s1;
	[smem:$0x7FF] =	sst s3  }
0x8: {  	s5 =	sshrl.u32 s5, $0x2;
	s4 =	sand.u32 $0x6, s4;
	_ =	strace $0x80000047  }
0x9: {  	s6 =	sshll.u32 s5, $0x17;
	s5 =	sshll.u32 s5, $0x4;
	s4 =	sor.u32 s1, s4  }
0xa: {  	s1 =	ssub.s32 $0x2, s1;
	s0 =	sadd.s32 s5, s0;
	s7 =	sshll.u32 s4, $0xB  }
0xb: {  	s30 =	sshrl.u32 s1, $0x1;
	s12 =	sshll.u32 s4, $0x7;
	s11 =	sor.u32 s6, s7  }
.Ltmp0:
0xc: {  	s1 =	ssub.s32 s1, s30;
	s0 =	sadd.s32 s12, s0;
	(pc) =	sbr.rel .LBB2_1-.Ltmp0, $4  }
0xd: {  	s6 =	sshrl.u32 s11, $0x3;
	s8 =	sor.u32 $0x580000, s11;
	s9 =	sor.u32 $0x5A0000, s11  }
0xe: {  	s10 =	sor.u32 $0x5C0000, s11;
	s11 =	sor.u32 $0x5E0000, s11;
	s31 =	sadd.s32 s6, s2  }
0xf: {  	s12 =	sadd.s32 $0xC00, s0;
	s13 =	smax.u32 s1, $0x1;
	s4 =	sadd.s32 $0xA0000, s31  }
0x10: {  	s5 =	sadd.s32 $0xA4000, s31;
	s6 =	sadd.s32 $0xA8000, s31;
	s7 =	sadd.s32 $0xAC000, s31  }
.LBB2_12:
0x11: {  	[tilespmem:$0x10000] =	vst v13  }
0x12: {  	[tilespmem:$0x10010] =	vst v11  }
0x13: {  	[tilespmem:$0x10020] =	vst v12  }
0x14: {  	[tilespmem:$0x10030] =	vst v9  }
0x15: {  	[tilespmem:$0x10040] =	vst v10  }
0x16: {  	[tilespmem:$0x10050] =	vst v8  }
0x17: {  	[tilespmem:$0x10060] =	vst v7  }
0x18: {  	[tilespmem:$0x10070] =	vst v6  }
0x19: {  	[tilespmem:$0x10080] =	vst v29  }
0x1a: {  	[tilespmem:$0x10090] =	vst v28  }
0x1b: {  	[tilespmem:$0x100A0] =	vst v5  }
0x1c: {  	[tilespmem:$0x100B0] =	vst v4  }
0x1d: {  	[tilespmem:$0x100C0] =	vst v3  }
0x1e: {  	[tilespmem:$0x100D0] =	vst v2;
	s26 =	sadd.s32 $0x1, s26  }
0x1f: {  	[tilespmem:$0x100E0] =	vst v1;
	p0 =	sne.s32 s26, s13  }
.Ltmp1:
0x20: {  	[tilespmem:$0x100F0] =	vst v0;
	s0 =	simm.s32 $0x80;
	s1 =	simm.s32 $0x200;
	(pc) =	sbr.rel @!p0 .LBB2_13-.Ltmp1, $4  }
0x21: {  	[hbm4b:s12+s0] =	stream.strided.scatter [tilespmem:s24], [sflag:$0x5], $0x100, s1, s0, $0x38;
	[tilespmem:$0x10100] =	vst v63  }
0x22: {  	_ =	swait.ge [sflag:s25], $0x100  }
0x23: {  	[sflag:s25] =	ssyncset.done $0x0  }
0x24: {  	[sflag:s25] =	ssyncadd.s32 $0xFFFFFF00  }
.LBB2_1:
0x25: {  	[tilespmem:s3], [sflag:$0x1] =	stream.strided.gather [hbm4b:s4+s14], $0x4000, s15, s14, $0x38;
	[tilespmem:$0x10100] =	vst v63  }
0x26: {  	v0 =	vimm.f32 $0.0e+00  }
0x27: {  	v1 =	vimm.f32 $0.0e+00;
	v2 =	vimm.f32 $0.0e+00;
	v3 =	vimm.f32 $0.0e+00;
	[tilespmem:s15], [sflag:$0x2] =	stream.strided.gather [hbm4b:s5+s14], $0x4000, s15, s14, $0x38;
	[tilespmem:$0x10100] =	vst v63  }
0x28: {  	s0 =	simm.s32 $0x8000;
	v4 =	vimm.f32 $0.0e+00;
	v5 =	vimm.f32 $0.0e+00;
	v28 =	vimm.f32 $0.0e+00  }
0x29: {  	v29 =	vimm.f32 $0.0e+00;
	v6 =	vimm.f32 $0.0e+00;
	v7 =	vimm.f32 $0.0e+00;
	[tilespmem:s0], [sflag:$0x3] =	stream.strided.gather [hbm4b:s6+s14], $0x4000, s15, s14, $0x38;
	[tilespmem:$0x10100] =	vst v63  }
0x2a: {  	v8 =	vimm.f32 $0.0e+00;
	v10 =	vimm.f32 $0.0e+00;
	v9 =	vimm.f32 $0.0e+00;
	s28 =	simm.s32 $0x0  }
0x2b: {  	v12 =	vimm.f32 $0.0e+00;
	v11 =	vimm.f32 $0.0e+00;
	v13 =	vimm.f32 $0.0e+00;
	[tilespmem:s17], [sflag:$0x4] =	stream.strided.gather [hbm4b:s7+s14], $0x4000, s15, s14, $0x38;
	[tilespmem:$0x10100] =	vst v63  }
.LBB2_2:
0x2c: {  	_ =	swait.ge [sflag:s18], $0x4000;
	s29 =	simm.s32 $0x0  }
0x2d: {  	[sflag:s18] =	ssyncset.done $0x0;
	s0 =	sand.u32 $0x3800, s29;
	s1 =	sand.u32 $0x200, s29  }
0x2e: {  	[sflag:s18] =	ssyncadd.s32 $0xFFFFC000;
	s0 =	sor.u32 s1, s0  }
0x2f: {  	v14 =	vld [tilespmem:s0+$0x180]  }
0x30: {  	v15 =	vld [tilespmem:s0+$0x190]  }
0x31: {  	v16 =	vld [tilespmem:s0+$0x1A0]  }
0x32: {  	v21 =	vld [tilespmem:s0+$0x1B0]  }
0x33: {  	v31 =	vld [tilespmem:s0+$0x1C0]  }
0x34: {  	v32 =	vld [tilespmem:s0+$0x1D0]  }
0x35: {  	v34 =	vld [tilespmem:s0+$0x1E0]  }
0x36: {  	v40 =	vld [tilespmem:s0+$0x1F0]  }
0x37: {  	v25 =	vld [tilespmem:s0+$0x100]  }
0x38: {  	v26 =	vld [tilespmem:s0+$0x110]  }
0x39: {  	v27 =	vld [tilespmem:s0+$0x120]  }
0x3a: {  	v30 =	vld [tilespmem:s0+$0x130]  }
0x3b: {  	v37 =	vld [tilespmem:s0+$0x140]  }
0x3c: {  	v38 =	vld [tilespmem:s0+$0x150]  }
0x3d: {  	v39 =	vld [tilespmem:s0+$0x160]  }
0x3e: {  	v41 =	vld [tilespmem:s0+$0x170]  }
0x3f: {  	v24 =	vld [tilespmem:s0+$0x80]  }
0x40: {  	v33 =	vld [tilespmem:s0+$0x90]  }
0x41: {  	v35 =	vld [tilespmem:s0+$0xA0]  }
0x42: {  	v36 =	vld [tilespmem:s0+$0xB0]  }
0x43: {  	v42 =	vld [tilespmem:s0+$0xC0]  }
0x44: {  	v43 =	vld [tilespmem:s0+$0xD0]  }
0x45: {  	v44 =	vld [tilespmem:s0+$0xE0]  }
0x46: {  	v45 =	vld [tilespmem:s0+$0xF0]  }
0x47: {  	v18 =	vld [tilespmem:s0+$0x0]  }
0x48: {  	v19 =	vld [tilespmem:s0+$0x10]  }
0x49: {  	v20 =	vld [tilespmem:s0+$0x20]  }
0x4a: {  	p0 =	por $0x0, $0x0;
	s1 =	simm.s32 $0x1;
	v46 =	vld [tilespmem:s0+$0x30]  }
0x4b: {  	s1 =	simm.s32 @!p0 $0x0;
	v47 =	vld [tilespmem:s0+$0x40]  }
0x4c: {  	v48 =	vld [tilespmem:s0+$0x50];
	s1 =	sshll.u32 s1, $0x9  }
0x4d: {  	v49 =	vld [tilespmem:s0+$0x60];
	s16 =	sadd.s32 $0x0, s1  }
0x4e: {  	v50 =	vld [tilespmem:s0+$0x70];
	s31 =	sor.u32 $0x400, s16  }
0x4f: {  	s1 =	sor.u32 $0x410, s16;
	v51 =	vld [tilespmem:s31+$0x0]  }
0x50: {  	s22 =	sor.u32 $0x420, s16;
	v52 =	vld [tilespmem:s1+$0x0]  }
0x51: {  	s23 =	sor.u32 $0x430, s16;
	v22 =	vld [tilespmem:s22+$0x0]  }
0x52: {  	v23 =	vld [tilespmem:s23+$0x0];
	s31 =	sor.u32 $0x440, s16  }
0x53: {  	s1 =	sor.u32 $0x450, s16;
	v17 =	vld [tilespmem:s31+$0x0];
	v13 =	vadd.f32 v18, v13  }
0x54: {  	s22 =	sor.u32 $0x460, s16;
	v11 =	vadd.f32 v19, v11;
	v19 =	vld [tilespmem:s1+$0x0];
	v12 =	vadd.f32 v20, v12  }
0x55: {  	s0 =	sadd.s32 $0x180, s16;
	v9 =	vadd.f32 v46, v9;
	v18 =	vld [tilespmem:s22+$0x0];
	s1 =	sor.u32 $0x470, s16;
	v10 =	vadd.f32 v47, v10  }
0x56: {  	s23 =	sor.u32 $0x400, s0;
	v7 =	vadd.f32 v49, v7;
	v20 =	vld [tilespmem:s1+$0x0];
	v13 =	vadd.f32 v24, v13  }
0x57: {  	s31 =	sor.u32 $0x410, s0;
	v11 =	vadd.f32 v33, v11;
	v12 =	vadd.f32 v35, v12;
	v24 =	vld [tilespmem:s23+$0x0]  }
0x58: {  	s22 =	sor.u32 $0x420, s0;
	v9 =	vadd.f32 v36, v9;
	v13 =	vadd.f32 v25, v13;
	v25 =	vld [tilespmem:s31+$0x0]  }
0x59: {  	v6 =	vadd.f32 v50, v6;
	s1 =	sadd.s32 $0x100, s16;
	s23 =	sor.u32 $0x430, s0;
	v11 =	vadd.f32 v26, v11;
	v26 =	vld [tilespmem:s22+$0x0]  }
0x5a: {  	v12 =	vadd.f32 v27, v12;
	v30 =	vadd.f32 v30, v9;
	v27 =	vld [tilespmem:s23+$0x0];
	s23 =	sor.u32 $0x410, s1  }
0x5b: {  	v10 =	vadd.f32 v42, v10;
	v7 =	vadd.f32 v44, v7;
	s22 =	sor.u32 $0x440, s0;
	v33 =	vld [tilespmem:s23+$0x0]  }
0x5c: {  	s31 =	sor.u32 $0x450, s0;
	v9 =	vadd.f32 v14, v13;
	v13 =	vadd.f32 v21, v30;
	v21 =	vld [tilespmem:s22+$0x0]  }
0x5d: {  	s16 =	sadd.s32 $0x80, s16;
	s30 =	sor.u32 $0x400, s1;
	v6 =	vadd.f32 v45, v6;
	v14 =	vadd.f32 v48, v8;
	v8 =	vld [tilespmem:s31+$0x0]  }
0x5e: {  	v10 =	vadd.f32 v37, v10;
	s23 =	sor.u32 $0x420, s16;
	v30 =	vld [tilespmem:s30+$0x0]  }
0x5f: {  	v7 =	vadd.f32 v39, v7;
	v6 =	vadd.f32 v41, v6;
	s30 =	sor.u32 $0x400, s16;
	v37 =	vld [tilespmem:s23+$0x0]  }
0x60: {  	v11 =	vadd.f32 v15, v11;
	s31 =	sor.u32 $0x410, s16;
	v35 =	vld [tilespmem:s30+$0x0];
	v14 =	vadd.f32 v43, v14  }
0x61: {  	v12 =	vadd.f32 v16, v12;
	v10 =	vadd.f32 v31, v10;
	v36 =	vld [tilespmem:s31+$0x0];
	s31 =	sor.u32 $0x430, s16  }
0x62: {  	v15 =	vadd.f32 v34, v7;
	v39 =	vld [tilespmem:s31+$0x0];
	s31 =	sor.u32 $0x430, s1;
	v14 =	vadd.f32 v38, v14  }
0x63: {  	s23 =	sor.u32 $0x420, s1;
	v16 =	vadd.f32 v40, v6;
	v40 =	vadd.f32 v51, v29;
	v6 =	vld [tilespmem:s31+$0x0]  }
0x64: {  	v7 =	vadd.f32 v52, v28;
	s22 =	sor.u32 $0x440, s1;
	s30 =	simm.s32 $0x200;
	v38 =	vld [tilespmem:s23+$0x0];
	v14 =	vadd.f32 v32, v14  }
.LBB2_3:
0x65: {  	p1 =	sne.s32 s30, $0x1E00;
	v5 =	vadd.f32 v22, v5;
	v4 =	vadd.f32 v23, v4;
	v22 =	vld [tilespmem:s22+$0x0];
	s22 =	sor.u32 $0x450, s1  }
0x66: {  	s31 =	sor.u32 $0x440, s16;
	v23 =	vadd.f32 v35, v40;
	v7 =	vadd.f32 v36, v7;
	v28 =	vld [tilespmem:s22+$0x0]  }
0x67: {  	s22 =	sor.u32 $0x450, s16;
	v5 =	vadd.f32 v37, v5;
	v4 =	vadd.f32 v39, v4;
	v29 =	vld [tilespmem:s31+$0x0]  }
0x68: {  	v31 =	vld [tilespmem:s22+$0x0];
	s22 =	sor.u32 $0x460, s16;
	v23 =	vadd.f32 v30, v23;
	v7 =	vadd.f32 v33, v7  }
0x69: {  	s16 =	sor.u32 $0x470, s16;
	v30 =	vld [tilespmem:s22+$0x0];
	v5 =	vadd.f32 v38, v5;
	v4 =	vadd.f32 v6, v4  }
0x6a: {  	v32 =	vld [tilespmem:s16+$0x0];
	s16 =	sor.u32 $0x460, s1;
	v6 =	vadd.f32 v24, v23;
	v7 =	vadd.f32 v25, v7  }
0x6b: {  	s1 =	sor.u32 $0x470, s1;
	v23 =	vld [tilespmem:s16+$0x0];
	v5 =	vadd.f32 v26, v5;
	v4 =	vadd.f32 v27, v4  }
0x6c: {  	v3 =	vadd.f32 v17, v3;
	v2 =	vadd.f32 v19, v2;
	s29 =	sadd.s32 $0x400, s29;
	v17 =	vld [tilespmem:s1+$0x0];
	s1 =	sor.u32 $0x460, s0  }
0x6d: {  	v1 =	vadd.f32 v18, v1;
	v0 =	vadd.f32 v20, v0;
	s22 =	sand.u32 $0x200, s30;
	s16 =	sand.u32 $0x3800, s29;
	v18 =	vld [tilespmem:s1+$0x0];
	s1 =	sor.u32 $0x470, s0  }
0x6e: {  	v3 =	vadd.f32 v29, v3;
	s0 =	sor.u32 s22, s16;
	v2 =	vadd.f32 v31, v2;
	v19 =	vld [tilespmem:s1+$0x0]  }
0x6f: {  	v1 =	vadd.f32 v30, v1;
	v27 =	vld [tilespmem:s0+$0x180];
	v0 =	vadd.f32 v32, v0  }
0x70: {  	v3 =	vadd.f32 v22, v3;
	v2 =	vadd.f32 v28, v2;
	v30 =	vld [tilespmem:s0+$0x190]  }
0x71: {  	v1 =	vadd.f32 v23, v1;
	v33 =	vld [tilespmem:s0+$0x1A0];
	v0 =	vadd.f32 v17, v0  }
0x72: {  	v3 =	vadd.f32 v21, v3;
	v2 =	vadd.f32 v8, v2;
	v34 =	vld [tilespmem:s0+$0x1B0]  }
0x73: {  	v1 =	vadd.f32 v18, v1;
	v28 =	vld [tilespmem:s0+$0x1C0];
	v0 =	vadd.f32 v19, v0  }
0x74: {  	v32 =	vld [tilespmem:s0+$0x1D0]  }
0x75: {  	v29 =	vld [tilespmem:s0+$0x1E0]  }
0x76: {  	v31 =	vld [tilespmem:s0+$0x1F0]  }
0x77: {  	v8 =	vld [tilespmem:s0+$0x100]  }
0x78: {  	v21 =	vld [tilespmem:s0+$0x110]  }
0x79: {  	v26 =	vld [tilespmem:s0+$0x120]  }
0x7a: {  	v35 =	vld [tilespmem:s0+$0x130]  }
0x7b: {  	v37 =	vld [tilespmem:s0+$0x140]  }
0x7c: {  	v38 =	vld [tilespmem:s0+$0x150]  }
0x7d: {  	v39 =	vld [tilespmem:s0+$0x160]  }
0x7e: {  	v40 =	vld [tilespmem:s0+$0x170]  }
0x7f: {  	v24 =	vld [tilespmem:s0+$0x80]  }
0x80: {  	v25 =	vld [tilespmem:s0+$0x90]  }
0x81: {  	v36 =	vld [tilespmem:s0+$0xA0]  }
0x82: {  	v41 =	vld [tilespmem:s0+$0xB0]  }
0x83: {  	v42 =	vld [tilespmem:s0+$0xC0]  }
0x84: {  	v43 =	vld [tilespmem:s0+$0xD0]  }
0x85: {  	v44 =	vld [tilespmem:s0+$0xE0]  }
0x86: {  	v45 =	vld [tilespmem:s0+$0xF0]  }
0x87: {  	v18 =	vld [tilespmem:s0+$0x0]  }
0x88: {  	v19 =	vld [tilespmem:s0+$0x10]  }
0x89: {  	v20 =	vld [tilespmem:s0+$0x20]  }
0x8a: {  	p0 =	por !p0, !p0;
	s1 =	simm.s32 $0x1;
	v46 =	vld [tilespmem:s0+$0x30]  }
0x8b: {  	s1 =	simm.s32 @!p0 $0x0;
	v47 =	vld [tilespmem:s0+$0x40]  }
0x8c: {  	s1 =	sshll.u32 s1, $0x9;
	v48 =	vld [tilespmem:s0+$0x50]  }
0x8d: {  	s16 =	sadd.s32 s1, s29;
	v49 =	vld [tilespmem:s0+$0x60]  }
0x8e: {  	v50 =	vld [tilespmem:s0+$0x70];
	s0 =	sor.u32 $0x400, s16  }
0x8f: {  	v51 =	vld [tilespmem:s0+$0x0];
	s0 =	sor.u32 $0x410, s16  }
0x90: {  	v52 =	vld [tilespmem:s0+$0x0];
	s0 =	sor.u32 $0x420, s16  }
0x91: {  	v22 =	vld [tilespmem:s0+$0x0];
	s0 =	sor.u32 $0x430, s16  }
0x92: {  	v23 =	vld [tilespmem:s0+$0x0];
	s0 =	sor.u32 $0x440, s16  }
0x93: {  	v17 =	vld [tilespmem:s0+$0x0];
	s0 =	sor.u32 $0x450, s16  }
0x94: {  	v9 =	vadd.f32 v18, v9;
	v11 =	vadd.f32 v19, v11;
	v19 =	vld [tilespmem:s0+$0x0];
	s0 =	sor.u32 $0x460, s16  }
0x95: {  	s1 =	sor.u32 $0x470, s16;
	v12 =	vadd.f32 v20, v12;
	v13 =	vadd.f32 v46, v13;
	v18 =	vld [tilespmem:s0+$0x0];
	s0 =	sadd.s32 $0x180, s16  }
0x96: {  	v9 =	vadd.f32 v24, v9;
	v11 =	vadd.f32 v25, v11;
	v20 =	vld [tilespmem:s1+$0x0];
	s1 =	sor.u32 $0x400, s0  }
0x97: {  	v12 =	vadd.f32 v36, v12;
	v13 =	vadd.f32 v41, v13;
	v24 =	vld [tilespmem:s1+$0x0];
	s1 =	sor.u32 $0x410, s0  }
0x98: {  	v8 =	vadd.f32 v8, v9;
	v11 =	vadd.f32 v21, v11;
	v25 =	vld [tilespmem:s1+$0x0];
	s1 =	sor.u32 $0x420, s0  }
0x99: {  	v12 =	vadd.f32 v26, v12;
	v13 =	vadd.f32 v35, v13;
	v26 =	vld [tilespmem:s1+$0x0];
	s1 =	sor.u32 $0x430, s0  }
0x9a: {  	v9 =	vadd.f32 v27, v8;
	v11 =	vadd.f32 v30, v11;
	s22 =	sor.u32 $0x440, s0;
	v27 =	vld [tilespmem:s1+$0x0]  }
0x9b: {  	v12 =	vadd.f32 v33, v12;
	v13 =	vadd.f32 v34, v13;
	s1 =	sadd.s32 $0x100, s16;
	v21 =	vld [tilespmem:s22+$0x0];
	s22 =	sor.u32 $0x450, s0  }
0x9c: {  	v10 =	vadd.f32 v47, v10;
	v14 =	vadd.f32 v48, v14;
	s31 =	sor.u32 $0x400, s1;
	v8 =	vld [tilespmem:s22+$0x0]  }
0x9d: {  	v15 =	vadd.f32 v49, v15;
	v16 =	vadd.f32 v50, v16;
	s16 =	sadd.s32 $0x80, s16;
	s22 =	sor.u32 $0x410, s1;
	v30 =	vld [tilespmem:s31+$0x0]  }
0x9e: {  	v10 =	vadd.f32 v42, v10;
	v14 =	vadd.f32 v43, v14;
	s31 =	sor.u32 $0x400, s16;
	v33 =	vld [tilespmem:s22+$0x0]  }
0x9f: {  	v15 =	vadd.f32 v44, v15;
	v16 =	vadd.f32 v45, v16;
	s22 =	sor.u32 $0x410, s16;
	v35 =	vld [tilespmem:s31+$0x0]  }
.Ltmp2:
0xa0: {  	v10 =	vadd.f32 v37, v10;
	v14 =	vadd.f32 v38, v14;
	v36 =	vld [tilespmem:s22+$0x0];
	s22 =	sor.u32 $0x420, s16;
	(pc) =	sbr.rel @p1 .LBB2_3-.Ltmp2, $4  }
0xa1: {  	v15 =	vadd.f32 v39, v15;
	v16 =	vadd.f32 v40, v16;
	v37 =	vld [tilespmem:s22+$0x0];
	s22 =	sor.u32 $0x430, s16  }
0xa2: {  	v10 =	vadd.f32 v28, v10;
	v14 =	vadd.f32 v32, v14;
	v39 =	vld [tilespmem:s22+$0x0];
	s22 =	sor.u32 $0x420, s1  }
0xa3: {  	v15 =	vadd.f32 v29, v15;
	v16 =	vadd.f32 v31, v16;
	v38 =	vld [tilespmem:s22+$0x0];
	s22 =	sor.u32 $0x430, s1  }
0xa4: {  	s30 =	sadd.s32 $0x200, s30;
	v7 =	vadd.f32 v52, v7;
	v40 =	vadd.f32 v51, v6;
	v6 =	vld [tilespmem:s22+$0x0];
	s22 =	sor.u32 $0x440, s1  }
0xa5: {  	v31 =	vld [tilespmem:s22+$0x0];
	s23 =	sor.u32 $0x450, s1  }
0xa6: {  	s29 =	sor.u32 $0x440, s16;
	v41 =	vld [tilespmem:s23+$0x0]  }
0xa7: {  	s22 =	sor.u32 $0x460, s1;
	v42 =	vld [tilespmem:s29+$0x0]  }
0xa8: {  	s23 =	sor.u32 $0x450, s16;
	v46 =	vld [tilespmem:s22+$0x0]  }
0xa9: {  	s22 =	sor.u32 $0x460, s0;
	v43 =	vld [tilespmem:s23+$0x0]  }
0xaa: {  	s23 =	sor.u32 $0x460, s16;
	v48 =	vld [tilespmem:s22+$0x0]  }
0xab: {  	p0 =	seq.s32 s28, $0x5;
	s29 =	sshll.u32 s28, $0x13;
	v44 =	vld [tilespmem:s23+$0x0];
	s23 =	sor.u32 $0x470, s16  }
0xac: {  	s16 =	sadd.s32 @!p0 s29, s8;
	v45 =	vld [tilespmem:s23+$0x0];
	s23 =	sor.u32 $0x470, s1  }
0xad: {  	s22 =	simm.s32 @!p0 $0x0;
	s16 =	sshrl.u32 @!p0 s16, $0x3;
	v47 =	vld [tilespmem:s23+$0x0];
	s23 =	sor.u32 $0x470, s0  }
0xae: {  	s1 =	sadd.s32 @!p0 s2, s16;
	s0 =	simm.s32 @!p0 $0x800;
	s16 =	simm.s32 @!p0 $0x4000  }
0xaf: {  	v49 =	vld [tilespmem:s23+$0x0];
	[tilespmem:s22], [sflag:$0x1] =	stream.strided.gather @!p0 [hbm4b:s1+s0], $0x4000, s16, s0, $0x38  }
0xb0: {  	s30 =	simm.s32 $0x0;
	_ =	swait.ge [sflag:s19], $0x4000  }
0xb1: {  	s1 =	sand.u32 $0x3800, s30;
	s16 =	sand.u32 $0x200, s30;
	[sflag:s19] =	ssyncset.done $0x0  }
0xb2: {  	s0 =	sor.u32 s16, s1;
	[sflag:s19] =	ssyncadd.s32 $0xFFFFC000  }
0xb3: {  	v52 =	vld [tilespmem:s0+$0x4180]  }
0xb4: {  	v51 =	vld [tilespmem:s0+$0x4190]  }
0xb5: {  	v58 =	vld [tilespmem:s0+$0x41A0]  }
0xb6: {  	v53 =	vld [tilespmem:s0+$0x41B0]  }
0xb7: {  	v28 =	vld [tilespmem:s0+$0x41C0]  }
0xb8: {  	v54 =	vld [tilespmem:s0+$0x4100]  }
0xb9: {  	v55 =	vld [tilespmem:s0+$0x4110]  }
0xba: {  	v56 =	vld [tilespmem:s0+$0x4120]  }
0xbb: {  	v57 =	vld [tilespmem:s0+$0x4130]  }
0xbc: {  	v60 =	vld [tilespmem:s0+$0x4140]  }
0xbd: {  	v59 =	vld [tilespmem:s0+$0x4150]  }
0xbe: {  	v61 =	vld [tilespmem:s0+$0x4170]  }
0xbf: {  	[tilespmem:$0x1FFC0] =	vst v28;
	v28 =	vld [tilespmem:s0+$0x41D0]  }
0xc0: {  	v62 =	vld [tilespmem:s0+$0x4080]  }
0xc1: {  	v63 =	vld [tilespmem:s0+$0x4090]  }
0xc2: {  	v29 =	vld [tilespmem:s0+$0x40B0]  }
0xc3: {  	v32 =	vld [tilespmem:s0+$0x40C0]  }
0xc4: {  	v5 =	vadd.f32 v22, v5;
	[tilespmem:$0x1FFD0] =	vst v28;
	v28 =	vld [tilespmem:s0+$0x41E0]  }
0xc5: {  	v4 =	vadd.f32 v23, v4;
	v3 =	vadd.f32 v17, v3;
	v34 =	vld [tilespmem:s0+$0x40D0]  }
0xc6: {  	v2 =	vadd.f32 v19, v2;
	v22 =	vadd.f32 v35, v40;
	v50 =	vld [tilespmem:s0+$0x40E0]  }
0xc7: {  	v1 =	vadd.f32 v18, v1;
	v7 =	vadd.f32 v36, v7;
	v23 =	vld [tilespmem:s0+$0x4000]  }
0xc8: {  	v5 =	vadd.f32 v37, v5;
	v22 =	vadd.f32 v30, v22;
	v30 =	vld [tilespmem:s0+$0x4010]  }
0xc9: {  	v0 =	vadd.f32 v20, v0;
	v4 =	vadd.f32 v39, v4;
	[tilespmem:$0x1FFE0] =	vst v28;
	v28 =	vld [tilespmem:s0+$0x41F0]  }
0xca: {  	v7 =	vadd.f32 v33, v7;
	v5 =	vadd.f32 v38, v5;
	v33 =	vld [tilespmem:s0+$0x4020]  }
0xcb: {  	v6 =	vadd.f32 v6, v4;
	v39 =	vadd.f32 v24, v22;
	v22 =	vld [tilespmem:s0+$0x4030]  }
0xcc: {  	v40 =	vadd.f32 v25, v7;
	v4 =	vadd.f32 v26, v5;
	v36 =	vld [tilespmem:s0+$0x4050]  }
0xcd: {  	p1 =	por $0x0, $0x0;
	v3 =	vadd.f32 v42, v3;
	s1 =	simm.s32 $0x1;
	v2 =	vadd.f32 v43, v2;
	v37 =	vld [tilespmem:s0+$0x4060]  }
0xce: {  	v5 =	vadd.f32 v27, v6;
	s1 =	simm.s32 @!p1 $0x0;
	v1 =	vadd.f32 v44, v1;
	[tilespmem:$0x1FFF0] =	vst v28;
	v28 =	vld [tilespmem:s0+$0x4160]  }
0xcf: {  	v3 =	vadd.f32 v31, v3;
	s1 =	sshll.u32 s1, $0x9;
	v7 =	vadd.f32 v41, v2;
	v38 =	vld [tilespmem:s0+$0x4070]  }
0xd0: {  	v0 =	vadd.f32 v45, v0;
	v35 =	vld [tilespmem:s0+$0x40F0];
	s16 =	sadd.s32 $0x0, s1;
	v1 =	vadd.f32 v46, v1  }
0xd1: {  	v27 =	vld [tilespmem:s0+$0x4040];
	s22 =	sor.u32 $0x400, s16;
	v7 =	vadd.f32 v8, v7;
	v8 =	vadd.f32 v23, v9  }
0xd2: {  	s23 =	sor.u32 $0x410, s16;
	v45 =	vld [tilespmem:s22+$0x4000];
	v9 =	vadd.f32 v30, v11;
	v11 =	vadd.f32 v33, v12  }
0xd3: {  	v31 =	vld [tilespmem:s23+$0x4000];
	v12 =	vadd.f32 v22, v13;
	v13 =	vadd.f32 v36, v14;
	[tilespmem:$0x1FFB0] =	vst v28  }
0xd4: {  	s1 =	sor.u32 $0x420, s16;
	v14 =	vadd.f32 v37, v15;
	v15 =	vadd.f32 v38, v16;
	v16 =	vld [tilespmem:$0x1FFB0]  }
0xd5: {  	v17 =	vadd.f32 v47, v0;
	v2 =	vld [tilespmem:s1+$0x4000];
	s22 =	sor.u32 $0x430, s16  }
0xd6: {  	v6 =	vadd.f32 v21, v3;
	s23 =	sor.u32 $0x440, s16;
	v0 =	vadd.f32 v48, v1;
	v3 =	vld [tilespmem:s22+$0x4000]  }
0xd7: {  	s1 =	sor.u32 $0x450, s16;
	v1 =	vadd.f32 v49, v17;
	v17 =	vld [tilespmem:s23+$0x4000];
	v14 =	vadd.f32 v50, v14  }
0xd8: {  	v19 =	vld [tilespmem:s1+$0x4000];
	v10 =	vadd.f32 v27, v10  }
0xd9: {  	s22 =	sor.u32 $0x460, s16;
	v14 =	vadd.f32 v16, v14;
	v16 =	vld [tilespmem:$0x1FFC0]  }
0xda: {  	v18 =	vld [tilespmem:s22+$0x4000];
	v10 =	vadd.f32 v32, v10  }
0xdb: {  	s1 =	sor.u32 $0x470, s16;
	v28 =	vld [tilespmem:s0+$0x40A0];
	s0 =	sadd.s32 $0x180, s16  }
0xdc: {  	v20 =	vld [tilespmem:s1+$0x4000];
	v10 =	vadd.f32 v60, v10;
	s23 =	sor.u32 $0x400, s0  }
0xdd: {  	v23 =	vld [tilespmem:s23+$0x4000]  }
0xde: {  	s22 =	sor.u32 $0x410, s0;
	v10 =	vadd.f32 v16, v10;
	v16 =	vld [tilespmem:$0x1FFD0]  }
0xdf: {  	v13 =	vadd.f32 v34, v13;
	v24 =	vld [tilespmem:s22+$0x4000];
	s23 =	sor.u32 $0x420, s0  }
0xe0: {  	s22 =	sor.u32 $0x430, s0;
	v25 =	vld [tilespmem:s23+$0x4000]  }
0xe1: {  	v13 =	vadd.f32 v59, v13;
	v26 =	vld [tilespmem:s22+$0x4000];
	s23 =	sor.u32 $0x440, s0  }
0xe2: {  	v21 =	vld [tilespmem:s23+$0x4000]  }
0xe3: {  	s1 =	sadd.s32 $0x100, s16;
	s23 =	sor.u32 $0x450, s0;
	v13 =	vadd.f32 v16, v13;
	v16 =	vld [tilespmem:$0x1FFE0]  }
0xe4: {  	s31 =	sor.u32 $0x400, s1;
	v22 =	vld [tilespmem:s23+$0x4000]  }
0xe5: {  	v8 =	vadd.f32 v62, v8;
	s16 =	sadd.s32 $0x80, s16;
	v11 =	vadd.f32 v28, v11;
	v28 =	vld [tilespmem:s31+$0x4000];
	s23 =	sor.u32 $0x410, s1  }
0xe6: {  	v9 =	vadd.f32 v63, v9;
	v12 =	vadd.f32 v29, v12;
	s31 =	sor.u32 $0x400, s16;
	v33 =	vld [tilespmem:s23+$0x4000]  }
0xe7: {  	v15 =	vadd.f32 v35, v15;
	v34 =	vadd.f32 v45, v39;
	v35 =	vld [tilespmem:s31+$0x4000]  }
0xe8: {  	v39 =	vadd.f32 v31, v40;
	s23 =	sor.u32 $0x410, s16;
	v14 =	vadd.f32 v16, v14;
	v16 =	vld [tilespmem:$0x1FFF0]  }
0xe9: {  	v8 =	vadd.f32 v54, v8;
	v9 =	vadd.f32 v55, v9;
	v36 =	vld [tilespmem:s23+$0x4000];
	s23 =	sor.u32 $0x420, s16  }
0xea: {  	v12 =	vadd.f32 v57, v12;
	v15 =	vadd.f32 v61, v15;
	v37 =	vld [tilespmem:s23+$0x4000];
	s23 =	sor.u32 $0x430, s16  }
0xeb: {  	v8 =	vadd.f32 v52, v8;
	v11 =	vadd.f32 v56, v11;
	v38 =	vld [tilespmem:s23+$0x4000];
	s23 =	sor.u32 $0x420, s1  }
0xec: {  	v9 =	vadd.f32 v51, v9;
	v12 =	vadd.f32 v53, v12;
	v32 =	vld [tilespmem:s23+$0x4000];
	s23 =	sor.u32 $0x430, s1  }
0xed: {  	s22 =	sor.u32 $0x440, s1;
	s31 =	simm.s32 $0x200;
	v11 =	vadd.f32 v58, v11;
	v31 =	vld [tilespmem:s23+$0x4000];
	v15 =	vadd.f32 v16, v15  }
.LBB2_5:
0xee: {  	p2 =	sne.s32 s31, $0x1E00;
	v2 =	vadd.f32 v2, v4;
	v3 =	vadd.f32 v3, v5;
	v29 =	vld [tilespmem:s22+$0x4000];
	s22 =	sor.u32 $0x450, s1  }
0xef: {  	s23 =	sor.u32 $0x440, s16;
	v4 =	vadd.f32 v35, v34;
	v5 =	vadd.f32 v36, v39;
	v30 =	vld [tilespmem:s22+$0x4000]  }
0xf0: {  	s22 =	sor.u32 $0x450, s16;
	v2 =	vadd.f32 v37, v2;
	v3 =	vadd.f32 v38, v3;
	v34 =	vld [tilespmem:s23+$0x4000]  }
0xf1: {  	v35 =	vld [tilespmem:s22+$0x4000];
	s22 =	sor.u32 $0x460, s16;
	v4 =	vadd.f32 v28, v4;
	v5 =	vadd.f32 v33, v5  }
0xf2: {  	s16 =	sor.u32 $0x470, s16;
	v28 =	vld [tilespmem:s22+$0x4000];
	v2 =	vadd.f32 v32, v2;
	v3 =	vadd.f32 v31, v3  }
0xf3: {  	v31 =	vld [tilespmem:s16+$0x4000];
	s16 =	sor.u32 $0x460, s1;
	v16 =	vadd.f32 v23, v4;
	v27 =	vadd.f32 v24, v5  }
0xf4: {  	s1 =	sor.u32 $0x470, s1;
	v23 =	vld [tilespmem:s16+$0x4000];
	v4 =	vadd.f32 v25, v2;
	v5 =	vadd.f32 v26, v3  }
0xf5: {  	s30 =	sadd.s32 $0x400, s30;
	v2 =	vadd.f32 v17, v6;
	v3 =	vadd.f32 v19, v7;
	v6 =	vld [tilespmem:s1+$0x4000];
	s1 =	sor.u32 $0x460, s0  }
0xf6: {  	v0 =	vadd.f32 v18, v0;
	v1 =	vadd.f32 v20, v1;
	s22 =	sand.u32 $0x200, s31;
	s16 =	sand.u32 $0x3800, s30;
	v17 =	vld [tilespmem:s1+$0x4000];
	s1 =	sor.u32 $0x470, s0  }
0xf7: {  	s0 =	sor.u32 s22, s16;
	v2 =	vadd.f32 v34, v2;
	v3 =	vadd.f32 v35, v3;
	v18 =	vld [tilespmem:s1+$0x4000]  }
0xf8: {  	v0 =	vadd.f32 v28, v0;
	v26 =	vld [tilespmem:s0+$0x4180];
	v1 =	vadd.f32 v31, v1  }
0xf9: {  	v2 =	vadd.f32 v29, v2;
	v3 =	vadd.f32 v30, v3;
	v28 =	vld [tilespmem:s0+$0x4190]  }
0xfa: {  	v0 =	vadd.f32 v23, v0;
	v33 =	vld [tilespmem:s0+$0x41A0];
	v1 =	vadd.f32 v6, v1  }
0xfb: {  	v6 =	vadd.f32 v21, v2;
	v7 =	vadd.f32 v22, v3;
	v34 =	vld [tilespmem:s0+$0x41B0]  }
0xfc: {  	v0 =	vadd.f32 v17, v0;
	v29 =	vld [tilespmem:s0+$0x41C0];
	v1 =	vadd.f32 v18, v1  }
0xfd: {  	v32 =	vld [tilespmem:s0+$0x41D0]  }
0xfe: {  	v30 =	vld [tilespmem:s0+$0x41E0]  }
0xff: {  	v31 =	vld [tilespmem:s0+$0x41F0]  }
0x100: {  	v21 =	vld [tilespmem:s0+$0x4100]  }
0x101: {  	v22 =	vld [tilespmem:s0+$0x4110]  }
0x102: {  	v25 =	vld [tilespmem:s0+$0x4120]  }
0x103: {  	v35 =	vld [tilespmem:s0+$0x4130]  }
0x104: {  	v37 =	vld [tilespmem:s0+$0x4140]  }
0x105: {  	v38 =	vld [tilespmem:s0+$0x4150]  }
0x106: {  	v39 =	vld [tilespmem:s0+$0x4160]  }
0x107: {  	v40 =	vld [tilespmem:s0+$0x4170]  }
0x108: {  	v23 =	vld [tilespmem:s0+$0x4080]  }
0x109: {  	v24 =	vld [tilespmem:s0+$0x4090]  }
0x10a: {  	v36 =	vld [tilespmem:s0+$0x40A0]  }
0x10b: {  	v41 =	vld [tilespmem:s0+$0x40B0]  }
0x10c: {  	v42 =	vld [tilespmem:s0+$0x40C0]  }
0x10d: {  	v43 =	vld [tilespmem:s0+$0x40D0]  }
0x10e: {  	v44 =	vld [tilespmem:s0+$0x40E0]  }
0x10f: {  	v45 =	vld [tilespmem:s0+$0x40F0]  }
0x110: {  	v18 =	vld [tilespmem:s0+$0x4000]  }
0x111: {  	v19 =	vld [tilespmem:s0+$0x4010]  }
0x112: {  	v20 =	vld [tilespmem:s0+$0x4020]  }
0x113: {  	p1 =	por !p1, !p1;
	s1 =	simm.s32 $0x1;
	v46 =	vld [tilespmem:s0+$0x4030]  }
0x114: {  	s1 =	simm.s32 @!p1 $0x0;
	v47 =	vld [tilespmem:s0+$0x4040]  }
0x115: {  	s1 =	sshll.u32 s1, $0x9;
	v48 =	vld [tilespmem:s0+$0x4050]  }
0x116: {  	s16 =	sadd.s32 s1, s30;
	v49 =	vld [tilespmem:s0+$0x4060]  }
0x117: {  	v50 =	vld [tilespmem:s0+$0x4070];
	s0 =	sor.u32 $0x400, s16  }
0x118: {  	v51 =	vld [tilespmem:s0+$0x4000];
	s0 =	sor.u32 $0x410, s16  }
0x119: {  	v52 =	vld [tilespmem:s0+$0x4000];
	s0 =	sor.u32 $0x420, s16  }
0x11a: {  	v2 =	vld [tilespmem:s0+$0x4000];
	s0 =	sor.u32 $0x430, s16  }
0x11b: {  	v3 =	vld [tilespmem:s0+$0x4000];
	s0 =	sor.u32 $0x440, s16  }
0x11c: {  	v17 =	vld [tilespmem:s0+$0x4000];
	s0 =	sor.u32 $0x450, s16  }
0x11d: {  	v8 =	vadd.f32 v18, v8;
	v9 =	vadd.f32 v19, v9;
	v19 =	vld [tilespmem:s0+$0x4000];
	s0 =	sor.u32 $0x460, s16  }
0x11e: {  	s1 =	sor.u32 $0x470, s16;
	v11 =	vadd.f32 v20, v11;
	v12 =	vadd.f32 v46, v12;
	v18 =	vld [tilespmem:s0+$0x4000];
	s0 =	sadd.s32 $0x180, s16  }
0x11f: {  	v8 =	vadd.f32 v23, v8;
	v9 =	vadd.f32 v24, v9;
	v20 =	vld [tilespmem:s1+$0x4000];
	s1 =	sor.u32 $0x400, s0  }
0x120: {  	v11 =	vadd.f32 v36, v11;
	v12 =	vadd.f32 v41, v12;
	v23 =	vld [tilespmem:s1+$0x4000];
	s1 =	sor.u32 $0x410, s0  }
0x121: {  	v8 =	vadd.f32 v21, v8;
	v9 =	vadd.f32 v22, v9;
	v24 =	vld [tilespmem:s1+$0x4000];
	s1 =	sor.u32 $0x420, s0  }
0x122: {  	v11 =	vadd.f32 v25, v11;
	v12 =	vadd.f32 v35, v12;
	v25 =	vld [tilespmem:s1+$0x4000];
	s1 =	sor.u32 $0x430, s0  }
0x123: {  	v8 =	vadd.f32 v26, v8;
	v9 =	vadd.f32 v28, v9;
	s22 =	sor.u32 $0x440, s0;
	v26 =	vld [tilespmem:s1+$0x4000]  }
0x124: {  	v11 =	vadd.f32 v33, v11;
	v12 =	vadd.f32 v34, v12;
	s1 =	sadd.s32 $0x100, s16;
	v21 =	vld [tilespmem:s22+$0x4000];
	s22 =	sor.u32 $0x450, s0  }
0x125: {  	v10 =	vadd.f32 v47, v10;
	v13 =	vadd.f32 v48, v13;
	s23 =	sor.u32 $0x400, s1;
	v22 =	vld [tilespmem:s22+$0x4000]  }
0x126: {  	v14 =	vadd.f32 v49, v14;
	v15 =	vadd.f32 v50, v15;
	s16 =	sadd.s32 $0x80, s16;
	s22 =	sor.u32 $0x410, s1;
	v28 =	vld [tilespmem:s23+$0x4000]  }
0x127: {  	v10 =	vadd.f32 v42, v10;
	v13 =	vadd.f32 v43, v13;
	s23 =	sor.u32 $0x400, s16;
	v33 =	vld [tilespmem:s22+$0x4000]  }
0x128: {  	v14 =	vadd.f32 v44, v14;
	v15 =	vadd.f32 v45, v15;
	s22 =	sor.u32 $0x410, s16;
	v35 =	vld [tilespmem:s23+$0x4000]  }
.Ltmp3:
0x129: {  	v10 =	vadd.f32 v37, v10;
	v13 =	vadd.f32 v38, v13;
	v36 =	vld [tilespmem:s22+$0x4000];
	s22 =	sor.u32 $0x420, s16;
	(pc) =	sbr.rel @p2 .LBB2_5-.Ltmp3, $4  }
0x12a: {  	v14 =	vadd.f32 v39, v14;
	v15 =	vadd.f32 v40, v15;
	v37 =	vld [tilespmem:s22+$0x4000];
	s22 =	sor.u32 $0x430, s16  }
0x12b: {  	v10 =	vadd.f32 v29, v10;
	v13 =	vadd.f32 v32, v13;
	v38 =	vld [tilespmem:s22+$0x4000];
	s22 =	sor.u32 $0x420, s1  }
0x12c: {  	v14 =	vadd.f32 v30, v14;
	v15 =	vadd.f32 v31, v15;
	v32 =	vld [tilespmem:s22+$0x4000];
	s22 =	sor.u32 $0x430, s1  }
0x12d: {  	s31 =	sadd.s32 $0x200, s31;
	v34 =	vadd.f32 v51, v16;
	v39 =	vadd.f32 v52, v27;
	v31 =	vld [tilespmem:s22+$0x4000];
	s22 =	sor.u32 $0x440, s1  }
0x12e: {  	v40 =	vld [tilespmem:s22+$0x4000];
	s22 =	sor.u32 $0x450, s1  }
0x12f: {  	s23 =	sor.u32 $0x440, s16;
	v41 =	vld [tilespmem:s22+$0x4000]  }
0x130: {  	v42 =	vld [tilespmem:s23+$0x4000];
	s23 =	sor.u32 $0x450, s16  }
0x131: {  	s22 =	sor.u32 $0x470, s16;
	v43 =	vld [tilespmem:s23+$0x4000]  }
0x132: {  	s23 =	sor.u32 $0x460, s16;
	v45 =	vld [tilespmem:s22+$0x4000]  }
0x133: {  	s16 =	sor.u32 $0x470, s1;
	v44 =	vld [tilespmem:s23+$0x4000]  }
0x134: {  	s23 =	sor.u32 $0x460, s1;
	v47 =	vld [tilespmem:s16+$0x4000];
	s16 =	sadd.s32 @!p0 s29, s9  }
0x135: {  	s22 =	sor.u32 $0x460, s0;
	v46 =	vld [tilespmem:s23+$0x4000];
	s23 =	sor.u32 $0x470, s0;
	s1 =	sshrl.u32 @!p0 s16, $0x3  }
0x136: {  	v48 =	vld [tilespmem:s22+$0x4000];
	s16 =	simm.s32 @!p0 $0x4000;
	s0 =	sadd.s32 @!p0 s2, s1;
	s1 =	simm.s32 @!p0 $0x800  }
0x137: {  	v49 =	vld [tilespmem:s23+$0x4000];
	[tilespmem:s16], [sflag:$0x2] =	stream.strided.gather @!p0 [hbm4b:s0+s1], $0x4000, s16, s1, $0x38  }
0x138: {  	s30 =	simm.s32 $0x0;
	_ =	swait.ge [sflag:s20], $0x4000  }
0x139: {  	s1 =	sand.u32 $0x3800, s30;
	s16 =	sand.u32 $0x200, s30;
	[sflag:s20] =	ssyncset.done $0x0  }
0x13a: {  	s0 =	sor.u32 s16, s1;
	[sflag:s20] =	ssyncadd.s32 $0xFFFFC000  }
0x13b: {  	v52 =	vld [tilespmem:s0+$0x8180]  }
0x13c: {  	v51 =	vld [tilespmem:s0+$0x8190]  }
0x13d: {  	v58 =	vld [tilespmem:s0+$0x81A0]  }
0x13e: {  	v53 =	vld [tilespmem:s0+$0x81B0]  }
0x13f: {  	v16 =	vld [tilespmem:s0+$0x81C0]  }
0x140: {  	v54 =	vld [tilespmem:s0+$0x8100]  }
0x141: {  	v55 =	vld [tilespmem:s0+$0x8110]  }
0x142: {  	v56 =	vld [tilespmem:s0+$0x8120]  }
0x143: {  	v57 =	vld [tilespmem:s0+$0x8130]  }
0x144: {  	v60 =	vld [tilespmem:s0+$0x8140]  }
0x145: {  	v61 =	vld [tilespmem:s0+$0x8150]  }
0x146: {  	v62 =	vld [tilespmem:s0+$0x8080]  }
0x147: {  	v63 =	vld [tilespmem:s0+$0x8090]  }
0x148: {  	[tilespmem:$0x1FF70] =	vst v16;
	v16 =	vld [tilespmem:s0+$0x81D0]  }
0x149: {  	v27 =	vld [tilespmem:s0+$0x80B0]  }
0x14a: {  	v29 =	vld [tilespmem:s0+$0x80C0]  }
0x14b: {  	v30 =	vld [tilespmem:s0+$0x80D0]  }
0x14c: {  	v50 =	vld [tilespmem:s0+$0x80E0]  }
0x14d: {  	v3 =	vadd.f32 v3, v5;
	[tilespmem:$0x1FF80] =	vst v16;
	v16 =	vld [tilespmem:s0+$0x81E0]  }
0x14e: {  	v2 =	vadd.f32 v2, v4;
	v4 =	vadd.f32 v35, v34;
	v34 =	vld [tilespmem:s0+$0x80F0]  }
0x14f: {  	v3 =	vadd.f32 v38, v3;
	v35 =	vld [tilespmem:s0+$0x8000]  }
0x150: {  	v4 =	vadd.f32 v28, v4;
	v28 =	vld [tilespmem:s0+$0x8010]  }
0x151: {  	v2 =	vadd.f32 v37, v2;
	v3 =	vadd.f32 v31, v3;
	v31 =	vld [tilespmem:s0+$0x8020]  }
0x152: {  	v5 =	vadd.f32 v36, v39;
	[tilespmem:$0x1FF90] =	vst v16;
	v16 =	vld [tilespmem:s0+$0x81F0]  }
0x153: {  	v2 =	vadd.f32 v32, v2;
	v32 =	vadd.f32 v23, v4;
	v23 =	vld [tilespmem:s0+$0x8030]  }
0x154: {  	p1 =	por $0x0, $0x0;
	v3 =	vadd.f32 v26, v3;
	s1 =	simm.s32 $0x1;
	v26 =	vld [tilespmem:s0+$0x8040]  }
0x155: {  	v5 =	vadd.f32 v33, v5;
	s1 =	simm.s32 @!p1 $0x0;
	v33 =	vld [tilespmem:s0+$0x8050]  }
0x156: {  	s1 =	sshll.u32 s1, $0x9;
	v36 =	vld [tilespmem:s0+$0x8060]  }
0x157: {  	v4 =	vadd.f32 v17, v6;
	s16 =	sadd.s32 $0x0, s1;
	[tilespmem:$0x1FFA0] =	vst v16;
	v16 =	vld [tilespmem:s0+$0x8160]  }
0x158: {  	v1 =	vadd.f32 v20, v1;
	v37 =	vld [tilespmem:s0+$0x8070];
	s22 =	sor.u32 $0x400, s16  }
0x159: {  	v4 =	vadd.f32 v42, v4;
	s23 =	sor.u32 $0x410, s16;
	v42 =	vld [tilespmem:s22+$0x8000]  }
0x15a: {  	v1 =	vadd.f32 v45, v1;
	s1 =	sor.u32 $0x420, s16;
	v45 =	vld [tilespmem:s23+$0x8000]  }
0x15b: {  	v17 =	vld [tilespmem:s1+$0x8000]  }
0x15c: {  	v0 =	vadd.f32 v18, v0;
	[tilespmem:$0x1FF50] =	vst v16;
	v16 =	vld [tilespmem:s0+$0x8170]  }
0x15d: {  	v59 =	vadd.f32 v24, v5;
	s22 =	sor.u32 $0x430, s16;
	v10 =	vadd.f32 v26, v10;
	v26 =	vld [tilespmem:$0x1FF50]  }
0x15e: {  	v5 =	vadd.f32 v19, v7;
	s23 =	sor.u32 $0x440, s16;
	v18 =	vld [tilespmem:s22+$0x8000];
	v14 =	vadd.f32 v36, v14  }
0x15f: {  	s1 =	sor.u32 $0x450, s16;
	v19 =	vld [tilespmem:s23+$0x8000]  }
0x160: {  	v5 =	vadd.f32 v43, v5;
	v20 =	vld [tilespmem:s1+$0x8000];
	s22 =	sor.u32 $0x460, s16;
	v14 =	vadd.f32 v50, v14  }
0x161: {  	v6 =	vadd.f32 v35, v8;
	v8 =	vadd.f32 v31, v11;
	v11 =	vld [tilespmem:s22+$0x8000];
	[tilespmem:$0x1FF60] =	vst v16  }
0x162: {  	v26 =	vadd.f32 v26, v14;
	v14 =	vld [tilespmem:$0x1FF60]  }
0x163: {  	v5 =	vadd.f32 v41, v5;
	s1 =	sor.u32 $0x470, s16;
	v15 =	vadd.f32 v37, v15;
	v16 =	vld [tilespmem:s0+$0x80A0];
	s0 =	sadd.s32 $0x180, s16  }
0x164: {  	v7 =	vadd.f32 v28, v9;
	v9 =	vadd.f32 v23, v12;
	v12 =	vld [tilespmem:s1+$0x8000];
	s23 =	sor.u32 $0x400, s0  }
0x165: {  	v5 =	vadd.f32 v22, v5;
	v15 =	vadd.f32 v34, v15;
	s22 =	sor.u32 $0x410, s0;
	v22 =	vld [tilespmem:s23+$0x8000]  }
0x166: {  	v23 =	vld [tilespmem:s22+$0x8000]  }
0x167: {  	v9 =	vadd.f32 v27, v9;
	s23 =	sor.u32 $0x420, s0;
	v27 =	vadd.f32 v14, v15;
	v14 =	vld [tilespmem:$0x1FF70]  }
0x168: {  	v4 =	vadd.f32 v40, v4;
	v10 =	vadd.f32 v29, v10;
	s22 =	sor.u32 $0x430, s0;
	v24 =	vld [tilespmem:s23+$0x8000]  }
0x169: {  	v2 =	vadd.f32 v25, v2;
	v0 =	vadd.f32 v44, v0;
	v25 =	vld [tilespmem:s22+$0x8000];
	s23 =	sor.u32 $0x440, s0  }
0x16a: {  	v4 =	vadd.f32 v21, v4;
	v10 =	vadd.f32 v60, v10;
	s22 =	sor.u32 $0x450, s0;
	v21 =	vld [tilespmem:s23+$0x8000]  }
0x16b: {  	s1 =	sadd.s32 $0x100, s16;
	v8 =	vadd.f32 v16, v8;
	v16 =	vadd.f32 v33, v13;
	v13 =	vld [tilespmem:s22+$0x8000]  }
0x16c: {  	v1 =	vadd.f32 v47, v1;
	s23 =	sor.u32 $0x400, s1;
	v10 =	vadd.f32 v14, v10;
	v14 =	vld [tilespmem:$0x1FF80]  }
0x16d: {  	v0 =	vadd.f32 v46, v0;
	s16 =	sadd.s32 $0x80, s16;
	v28 =	vld [tilespmem:s23+$0x8000];
	s22 =	sor.u32 $0x410, s1;
	v16 =	vadd.f32 v30, v16  }
0x16e: {  	v1 =	vadd.f32 v49, v1;
	v6 =	vadd.f32 v62, v6;
	s23 =	sor.u32 $0x400, s16;
	v33 =	vld [tilespmem:s22+$0x8000]  }
0x16f: {  	v7 =	vadd.f32 v63, v7;
	v36 =	vld [tilespmem:s23+$0x8000];
	v16 =	vadd.f32 v61, v16  }
0x170: {  	v0 =	vadd.f32 v48, v0;
	v6 =	vadd.f32 v54, v6;
	v15 =	vld [tilespmem:$0x1FF90]  }
0x171: {  	v7 =	vadd.f32 v55, v7;
	s23 =	sor.u32 $0x410, s16;
	v14 =	vadd.f32 v14, v16;
	v16 =	vld [tilespmem:$0x1FFA0]  }
0x172: {  	v9 =	vadd.f32 v57, v9;
	v6 =	vadd.f32 v52, v6;
	v37 =	vld [tilespmem:s23+$0x8000];
	s23 =	sor.u32 $0x420, s16  }
0x173: {  	v7 =	vadd.f32 v51, v7;
	v8 =	vadd.f32 v56, v8;
	v38 =	vld [tilespmem:s23+$0x8000];
	s23 =	sor.u32 $0x430, s16  }
0x174: {  	v9 =	vadd.f32 v53, v9;
	v30 =	vadd.f32 v42, v32;
	v40 =	vld [tilespmem:s23+$0x8000];
	s23 =	sor.u32 $0x420, s1  }
0x175: {  	v8 =	vadd.f32 v58, v8;
	v39 =	vld [tilespmem:s23+$0x8000];
	s23 =	sor.u32 $0x430, s1;
	v15 =	vadd.f32 v15, v26  }
0x176: {  	s31 =	simm.s32 $0x200;
	s22 =	sor.u32 $0x440, s1;
	v26 =	vld [tilespmem:s23+$0x8000];
	v16 =	vadd.f32 v16, v27;
	v27 =	vadd.f32 v45, v59  }
.LBB2_7:
0x177: {  	p2 =	sne.s32 s31, $0x1E00;
	v2 =	vadd.f32 v17, v2;
	v3 =	vadd.f32 v18, v3;
	v17 =	vld [tilespmem:s22+$0x8000];
	s22 =	sor.u32 $0x450, s1  }
0x178: {  	s23 =	sor.u32 $0x440, s16;
	v18 =	vadd.f32 v36, v30;
	v27 =	vadd.f32 v37, v27;
	v29 =	vld [tilespmem:s22+$0x8000]  }
0x179: {  	s22 =	sor.u32 $0x450, s16;
	v2 =	vadd.f32 v38, v2;
	v3 =	vadd.f32 v40, v3;
	v30 =	vld [tilespmem:s23+$0x8000]  }
0x17a: {  	v31 =	vld [tilespmem:s22+$0x8000];
	s22 =	sor.u32 $0x460, s16;
	v18 =	vadd.f32 v28, v18;
	v27 =	vadd.f32 v33, v27  }
0x17b: {  	s16 =	sor.u32 $0x470, s16;
	v28 =	vld [tilespmem:s22+$0x8000];
	v2 =	vadd.f32 v39, v2;
	v3 =	vadd.f32 v26, v3  }
0x17c: {  	v32 =	vld [tilespmem:s16+$0x8000];
	s16 =	sor.u32 $0x460, s1;
	v26 =	vadd.f32 v22, v18;
	v27 =	vadd.f32 v23, v27  }
0x17d: {  	s1 =	sor.u32 $0x470, s1;
	v18 =	vld [tilespmem:s16+$0x8000];
	v2 =	vadd.f32 v24, v2;
	v3 =	vadd.f32 v25, v3  }
0x17e: {  	v4 =	vadd.f32 v19, v4;
	v5 =	vadd.f32 v20, v5;
	s30 =	sadd.s32 $0x400, s30;
	v19 =	vld [tilespmem:s1+$0x8000];
	s1 =	sor.u32 $0x460, s0  }
0x17f: {  	v0 =	vadd.f32 v11, v0;
	v1 =	vadd.f32 v12, v1;
	s22 =	sand.u32 $0x200, s31;
	s16 =	sand.u32 $0x3800, s30;
	v11 =	vld [tilespmem:s1+$0x8000];
	s1 =	sor.u32 $0x470, s0  }
0x180: {  	v4 =	vadd.f32 v30, v4;
	s0 =	sor.u32 s22, s16;
	v5 =	vadd.f32 v31, v5;
	v12 =	vld [tilespmem:s1+$0x8000]  }
0x181: {  	v0 =	vadd.f32 v28, v0;
	v25 =	vld [tilespmem:s0+$0x8180];
	v1 =	vadd.f32 v32, v1  }
0x182: {  	v4 =	vadd.f32 v17, v4;
	v5 =	vadd.f32 v29, v5;
	v28 =	vld [tilespmem:s0+$0x8190]  }
0x183: {  	v0 =	vadd.f32 v18, v0;
	v33 =	vld [tilespmem:s0+$0x81A0];
	v1 =	vadd.f32 v19, v1  }
0x184: {  	v4 =	vadd.f32 v21, v4;
	v5 =	vadd.f32 v13, v5;
	v34 =	vld [tilespmem:s0+$0x81B0]  }
0x185: {  	v0 =	vadd.f32 v11, v0;
	v29 =	vld [tilespmem:s0+$0x81C0];
	v1 =	vadd.f32 v12, v1  }
0x186: {  	v32 =	vld [tilespmem:s0+$0x81D0]  }
0x187: {  	v30 =	vld [tilespmem:s0+$0x81E0]  }
0x188: {  	v31 =	vld [tilespmem:s0+$0x81F0]  }
0x189: {  	v13 =	vld [tilespmem:s0+$0x8100]  }
0x18a: {  	v21 =	vld [tilespmem:s0+$0x8110]  }
0x18b: {  	v24 =	vld [tilespmem:s0+$0x8120]  }
0x18c: {  	v35 =	vld [tilespmem:s0+$0x8130]  }
0x18d: {  	v38 =	vld [tilespmem:s0+$0x8140]  }
0x18e: {  	v39 =	vld [tilespmem:s0+$0x8150]  }
0x18f: {  	v40 =	vld [tilespmem:s0+$0x8160]  }
0x190: {  	v41 =	vld [tilespmem:s0+$0x8170]  }
0x191: {  	v22 =	vld [tilespmem:s0+$0x8080]  }
0x192: {  	v23 =	vld [tilespmem:s0+$0x8090]  }
0x193: {  	v36 =	vld [tilespmem:s0+$0x80A0]  }
0x194: {  	v37 =	vld [tilespmem:s0+$0x80B0]  }
0x195: {  	v42 =	vld [tilespmem:s0+$0x80C0]  }
0x196: {  	v43 =	vld [tilespmem:s0+$0x80D0]  }
0x197: {  	v44 =	vld [tilespmem:s0+$0x80E0]  }
0x198: {  	v45 =	vld [tilespmem:s0+$0x80F0]  }
0x199: {  	v11 =	vld [tilespmem:s0+$0x8000]  }
0x19a: {  	v12 =	vld [tilespmem:s0+$0x8010]  }
0x19b: {  	v46 =	vld [tilespmem:s0+$0x8020]  }
0x19c: {  	p1 =	por !p1, !p1;
	s1 =	simm.s32 $0x1;
	v47 =	vld [tilespmem:s0+$0x8030]  }
0x19d: {  	s1 =	simm.s32 @!p1 $0x0;
	v48 =	vld [tilespmem:s0+$0x8040]  }
0x19e: {  	s1 =	sshll.u32 s1, $0x9;
	v49 =	vld [tilespmem:s0+$0x8050]  }
0x19f: {  	s16 =	sadd.s32 s1, s30;
	v50 =	vld [tilespmem:s0+$0x8060]  }
0x1a0: {  	v51 =	vld [tilespmem:s0+$0x8070];
	s0 =	sor.u32 $0x400, s16  }
0x1a1: {  	v52 =	vld [tilespmem:s0+$0x8000];
	s0 =	sor.u32 $0x410, s16  }
0x1a2: {  	v53 =	vld [tilespmem:s0+$0x8000];
	s0 =	sor.u32 $0x420, s16  }
0x1a3: {  	v17 =	vld [tilespmem:s0+$0x8000];
	s0 =	sor.u32 $0x430, s16  }
0x1a4: {  	v18 =	vld [tilespmem:s0+$0x8000];
	s0 =	sor.u32 $0x440, s16  }
0x1a5: {  	v19 =	vld [tilespmem:s0+$0x8000];
	s0 =	sor.u32 $0x450, s16  }
0x1a6: {  	v6 =	vadd.f32 v11, v6;
	v7 =	vadd.f32 v12, v7;
	v20 =	vld [tilespmem:s0+$0x8000];
	s0 =	sor.u32 $0x460, s16  }
0x1a7: {  	s1 =	sor.u32 $0x470, s16;
	v8 =	vadd.f32 v46, v8;
	v9 =	vadd.f32 v47, v9;
	v11 =	vld [tilespmem:s0+$0x8000];
	s0 =	sadd.s32 $0x180, s16  }
0x1a8: {  	v6 =	vadd.f32 v22, v6;
	v7 =	vadd.f32 v23, v7;
	v12 =	vld [tilespmem:s1+$0x8000];
	s1 =	sor.u32 $0x400, s0  }
0x1a9: {  	v8 =	vadd.f32 v36, v8;
	v9 =	vadd.f32 v37, v9;
	v22 =	vld [tilespmem:s1+$0x8000];
	s1 =	sor.u32 $0x410, s0  }
0x1aa: {  	v6 =	vadd.f32 v13, v6;
	v7 =	vadd.f32 v21, v7;
	v23 =	vld [tilespmem:s1+$0x8000];
	s1 =	sor.u32 $0x420, s0  }
0x1ab: {  	v8 =	vadd.f32 v24, v8;
	v9 =	vadd.f32 v35, v9;
	v24 =	vld [tilespmem:s1+$0x8000];
	s1 =	sor.u32 $0x430, s0  }
0x1ac: {  	v6 =	vadd.f32 v25, v6;
	v7 =	vadd.f32 v28, v7;
	s22 =	sor.u32 $0x440, s0;
	v25 =	vld [tilespmem:s1+$0x8000]  }
0x1ad: {  	v8 =	vadd.f32 v33, v8;
	v9 =	vadd.f32 v34, v9;
	s1 =	sadd.s32 $0x100, s16;
	v21 =	vld [tilespmem:s22+$0x8000];
	s22 =	sor.u32 $0x450, s0  }
0x1ae: {  	v10 =	vadd.f32 v48, v10;
	v14 =	vadd.f32 v49, v14;
	s23 =	sor.u32 $0x400, s1;
	v13 =	vld [tilespmem:s22+$0x8000]  }
0x1af: {  	v15 =	vadd.f32 v50, v15;
	v16 =	vadd.f32 v51, v16;
	s16 =	sadd.s32 $0x80, s16;
	s22 =	sor.u32 $0x410, s1;
	v28 =	vld [tilespmem:s23+$0x8000]  }
0x1b0: {  	v10 =	vadd.f32 v42, v10;
	v14 =	vadd.f32 v43, v14;
	s23 =	sor.u32 $0x400, s16;
	v33 =	vld [tilespmem:s22+$0x8000]  }
0x1b1: {  	v15 =	vadd.f32 v44, v15;
	v16 =	vadd.f32 v45, v16;
	s22 =	sor.u32 $0x410, s16;
	v36 =	vld [tilespmem:s23+$0x8000]  }
.Ltmp4:
0x1b2: {  	v10 =	vadd.f32 v38, v10;
	v14 =	vadd.f32 v39, v14;
	v37 =	vld [tilespmem:s22+$0x8000];
	s22 =	sor.u32 $0x420, s16;
	(pc) =	sbr.rel @p2 .LBB2_7-.Ltmp4, $4  }
0x1b3: {  	v15 =	vadd.f32 v40, v15;
	v16 =	vadd.f32 v41, v16;
	v38 =	vld [tilespmem:s22+$0x8000];
	s22 =	sor.u32 $0x430, s16  }
0x1b4: {  	v10 =	vadd.f32 v29, v10;
	v14 =	vadd.f32 v32, v14;
	v40 =	vld [tilespmem:s22+$0x8000];
	s22 =	sor.u32 $0x420, s1  }
0x1b5: {  	v15 =	vadd.f32 v30, v15;
	v16 =	vadd.f32 v31, v16;
	v39 =	vld [tilespmem:s22+$0x8000];
	s22 =	sor.u32 $0x430, s1  }
0x1b6: {  	s31 =	sadd.s32 $0x200, s31;
	v27 =	vadd.f32 v53, v27;
	v30 =	vadd.f32 v52, v26;
	v26 =	vld [tilespmem:s22+$0x8000];
	s22 =	sor.u32 $0x440, s1  }
0x1b7: {  	v32 =	vld [tilespmem:s22+$0x8000];
	s22 =	sor.u32 $0x450, s1  }
0x1b8: {  	s23 =	sor.u32 $0x440, s16;
	v41 =	vld [tilespmem:s22+$0x8000]  }
0x1b9: {  	v42 =	vld [tilespmem:s23+$0x8000];
	s23 =	sor.u32 $0x450, s16  }
0x1ba: {  	s22 =	sor.u32 $0x460, s1;
	v43 =	vld [tilespmem:s23+$0x8000]  }
0x1bb: {  	s23 =	sor.u32 $0x460, s16;
	v46 =	vld [tilespmem:s22+$0x8000]  }
0x1bc: {  	s22 =	sor.u32 $0x460, s0;
	v44 =	vld [tilespmem:s23+$0x8000]  }
0x1bd: {  	s23 =	sor.u32 $0x470, s16;
	v48 =	vld [tilespmem:s22+$0x8000]  }
0x1be: {  	s16 =	sadd.s32 @!p0 s29, s10;
	v45 =	vld [tilespmem:s23+$0x8000];
	s23 =	sor.u32 $0x470, s1  }
0x1bf: {  	s22 =	simm.s32 @!p0 $0x8000;
	s16 =	sshrl.u32 @!p0 s16, $0x3;
	v47 =	vld [tilespmem:s23+$0x8000];
	s23 =	sor.u32 $0x470, s0  }
0x1c0: {  	s1 =	sadd.s32 @!p0 s2, s16;
	s0 =	simm.s32 @!p0 $0x800;
	s16 =	simm.s32 @!p0 $0x4000  }
0x1c1: {  	v49 =	vld [tilespmem:s23+$0x8000];
	[tilespmem:s22], [sflag:$0x3] =	stream.strided.gather @!p0 [hbm4b:s1+s0], $0x4000, s16, s0, $0x38  }
0x1c2: {  	s30 =	simm.s32 $0x0;
	_ =	swait.ge [sflag:s21], $0x4000  }
0x1c3: {  	s1 =	sand.u32 $0x3800, s30;
	s16 =	sand.u32 $0x200, s30;
	[sflag:s21] =	ssyncset.done $0x0  }
0x1c4: {  	s0 =	sor.u32 s16, s1;
	[sflag:s21] =	ssyncadd.s32 $0xFFFFC000  }
0x1c5: {  	v29 =	vld [tilespmem:s0+$0xC1C0];
	_ =	sdelay $0x4  }
0x1c6: {  	[tilespmem:$0x1FF10] =	vst v29;
	v29 =	vld [tilespmem:s0+$0xC1D0];
	_ =	sdelay $0x4  }
0x1c7: {  	[tilespmem:$0x1FF20] =	vst v29;
	v29 =	vld [tilespmem:s0+$0xC1E0];
	_ =	sdelay $0x4  }
0x1c8: {  	[tilespmem:$0x1FF30] =	vst v29;
	v29 =	vld [tilespmem:s0+$0xC1F0];
	_ =	sdelay $0x4  }
0x1c9: {  	[tilespmem:$0x1FF40] =	vst v29;
	v29 =	vld [tilespmem:s0+$0xC140];
	_ =	sdelay $0x3  }
0x1ca: {  	v52 =	vld [tilespmem:s0+$0xC180]  }
0x1cb: {  	[tilespmem:$0x1FEE0] =	vst v29;
	v29 =	vld [tilespmem:s0+$0xC160]  }
0x1cc: {  	v51 =	vld [tilespmem:s0+$0xC190]  }
0x1cd: {  	v58 =	vld [tilespmem:s0+$0xC1A0]  }
0x1ce: {  	v53 =	vld [tilespmem:s0+$0xC1B0]  }
0x1cf: {  	v54 =	vld [tilespmem:s0+$0xC100]  }
0x1d0: {  	[tilespmem:$0x1FEF0] =	vst v29;
	v29 =	vld [tilespmem:s0+$0xC170]  }
0x1d1: {  	v3 =	vadd.f32 v18, v3;
	v55 =	vld [tilespmem:s0+$0xC110]  }
0x1d2: {  	v2 =	vadd.f32 v17, v2;
	v17 =	vadd.f32 v36, v30;
	v56 =	vld [tilespmem:s0+$0xC120]  }
0x1d3: {  	v18 =	vadd.f32 v37, v27;
	v3 =	vadd.f32 v40, v3;
	v30 =	vld [tilespmem:s0+$0xC020]  }
0x1d4: {  	v27 =	vld [tilespmem:s0+$0xC000]  }
0x1d5: {  	v18 =	vadd.f32 v33, v18;
	v3 =	vadd.f32 v26, v3;
	[tilespmem:$0x1FF00] =	vst v29;
	v29 =	vld [tilespmem:s0+$0xC0A0]  }
0x1d6: {  	v62 =	vld [tilespmem:s0+$0xC080]  }
0x1d7: {  	v60 =	vadd.f32 v23, v18;
	v18 =	vadd.f32 v25, v3;
	v57 =	vld [tilespmem:s0+$0xC130]  }
0x1d8: {  	v3 =	vadd.f32 v20, v5;
	v61 =	vld [tilespmem:s0+$0xC150];
	v8 =	vadd.f32 v30, v8  }
0x1d9: {  	v63 =	vld [tilespmem:s0+$0xC090];
	v6 =	vadd.f32 v27, v6  }
0x1da: {  	v3 =	vadd.f32 v43, v3;
	v33 =	vld [tilespmem:s0+$0xC040];
	v8 =	vadd.f32 v29, v8  }
0x1db: {  	v1 =	vadd.f32 v12, v1;
	v31 =	vld [tilespmem:s0+$0xC0B0];
	v6 =	vadd.f32 v62, v6  }
0x1dc: {  	v34 =	vld [tilespmem:s0+$0xC0C0];
	v3 =	vadd.f32 v41, v3;
	v8 =	vadd.f32 v56, v8  }
0x1dd: {  	v17 =	vadd.f32 v28, v17;
	v28 =	vld [tilespmem:s0+$0xC010];
	v6 =	vadd.f32 v54, v6  }
0x1de: {  	v3 =	vadd.f32 v13, v3;
	v12 =	vadd.f32 v58, v8;
	v8 =	vld [tilespmem:$0x1FEE0]  }
0x1df: {  	v5 =	vld [tilespmem:s0+$0xC060];
	v13 =	vadd.f32 v52, v6;
	v6 =	vadd.f32 v33, v10  }
0x1e0: {  	v2 =	vadd.f32 v38, v2;
	v35 =	vld [tilespmem:s0+$0xC0D0]  }
0x1e1: {  	v50 =	vld [tilespmem:s0+$0xC0E0];
	v6 =	vadd.f32 v34, v6  }
0x1e2: {  	p1 =	por $0x0, $0x0;
	v2 =	vadd.f32 v39, v2;
	v59 =	vadd.f32 v22, v17;
	s1 =	simm.s32 $0x1;
	v37 =	vld [tilespmem:s0+$0xC0F0]  }
0x1e3: {  	s1 =	simm.s32 @!p1 $0x0;
	v7 =	vadd.f32 v28, v7;
	v6 =	vadd.f32 v8, v6;
	v8 =	vld [tilespmem:$0x1FEF0]  }
0x1e4: {  	v17 =	vadd.f32 v24, v2;
	s1 =	sshll.u32 s1, $0x9;
	v36 =	vld [tilespmem:s0+$0xC070];
	v5 =	vadd.f32 v5, v15  }
0x1e5: {  	v2 =	vadd.f32 v19, v4;
	v22 =	vld [tilespmem:s0+$0xC030];
	s16 =	sadd.s32 $0x0, s1;
	v7 =	vadd.f32 v63, v7  }
0x1e6: {  	v0 =	vadd.f32 v11, v0;
	v4 =	vld [tilespmem:s0+$0xC050];
	s22 =	sor.u32 $0x400, s16;
	v5 =	vadd.f32 v50, v5  }
0x1e7: {  	v2 =	vadd.f32 v42, v2;
	v42 =	vld [tilespmem:s22+$0xC000];
	v7 =	vadd.f32 v55, v7  }
0x1e8: {  	v1 =	vadd.f32 v45, v1;
	s23 =	sor.u32 $0x410, s16;
	v5 =	vadd.f32 v8, v5;
	v8 =	vld [tilespmem:$0x1FF00]  }
0x1e9: {  	s1 =	sor.u32 $0x420, s16;
	v45 =	vld [tilespmem:s23+$0xC000];
	v11 =	vadd.f32 v51, v7;
	v7 =	vadd.f32 v36, v16  }
0x1ea: {  	v24 =	vld [tilespmem:s1+$0xC000];
	s22 =	sor.u32 $0x430, s16  }
0x1eb: {  	s23 =	sor.u32 $0x440, s16;
	v26 =	vld [tilespmem:s22+$0xC000];
	v7 =	vadd.f32 v37, v7  }
0x1ec: {  	v2 =	vadd.f32 v32, v2;
	v19 =	vld [tilespmem:s23+$0xC000]  }
0x1ed: {  	s1 =	sor.u32 $0x450, s16;
	v16 =	vadd.f32 v8, v7;
	v7 =	vld [tilespmem:$0x1FF10]  }
0x1ee: {  	v2 =	vadd.f32 v21, v2;
	v21 =	vld [tilespmem:s1+$0xC000];
	s22 =	sor.u32 $0x460, s16  }
0x1ef: {  	s1 =	sor.u32 $0x470, s16;
	v20 =	vld [tilespmem:s22+$0xC000];
	s0 =	sadd.s32 $0x180, s16  }
0x1f0: {  	v9 =	vadd.f32 v22, v9;
	v22 =	vld [tilespmem:s1+$0xC000];
	s23 =	sor.u32 $0x400, s0  }
0x1f1: {  	v4 =	vadd.f32 v4, v14;
	v25 =	vld [tilespmem:s23+$0xC000]  }
0x1f2: {  	s22 =	sor.u32 $0x410, s0;
	v10 =	vadd.f32 v7, v6;
	v6 =	vld [tilespmem:$0x1FF20]  }
0x1f3: {  	v4 =	vadd.f32 v35, v4;
	v27 =	vld [tilespmem:s22+$0xC000];
	s23 =	sor.u32 $0x420, s0  }
0x1f4: {  	s22 =	sor.u32 $0x430, s0;
	v30 =	vld [tilespmem:s23+$0xC000]  }
0x1f5: {  	v9 =	vadd.f32 v31, v9;
	v4 =	vadd.f32 v61, v4;
	v31 =	vld [tilespmem:s22+$0xC000];
	s23 =	sor.u32 $0x440, s0  }
0x1f6: {  	v23 =	vld [tilespmem:s23+$0xC000]  }
0x1f7: {  	s1 =	sadd.s32 $0x100, s16;
	s22 =	sor.u32 $0x450, s0;
	v8 =	vadd.f32 v6, v4;
	v4 =	vld [tilespmem:$0x1FF30]  }
0x1f8: {  	s23 =	sor.u32 $0x400, s1;
	v14 =	vld [tilespmem:s22+$0xC000]  }
0x1f9: {  	s16 =	sadd.s32 $0x80, s16;
	s22 =	sor.u32 $0x410, s1;
	v33 =	vld [tilespmem:s23+$0xC000]  }
0x1fa: {  	s23 =	sor.u32 $0x400, s16;
	v36 =	vld [tilespmem:s22+$0xC000]  }
0x1fb: {  	v0 =	vadd.f32 v44, v0;
	v37 =	vld [tilespmem:s23+$0xC000]  }
0x1fc: {  	s23 =	sor.u32 $0x410, s16;
	v7 =	vadd.f32 v4, v5;
	v4 =	vld [tilespmem:$0x1FF40]  }
0x1fd: {  	v0 =	vadd.f32 v46, v0;
	v1 =	vadd.f32 v47, v1;
	v38 =	vld [tilespmem:s23+$0xC000];
	s23 =	sor.u32 $0x420, s16  }
0x1fe: {  	v9 =	vadd.f32 v57, v9;
	v39 =	vld [tilespmem:s23+$0xC000];
	s23 =	sor.u32 $0x430, s16  }
0x1ff: {  	v0 =	vadd.f32 v48, v0;
	v1 =	vadd.f32 v49, v1;
	v40 =	vld [tilespmem:s23+$0xC000];
	s23 =	sor.u32 $0x420, s1  }
0x200: {  	v9 =	vadd.f32 v53, v9;
	v15 =	vld [tilespmem:s23+$0xC000];
	s23 =	sor.u32 $0x430, s1;
	v5 =	vadd.f32 v45, v60  }
0x201: {  	s31 =	simm.s32 $0x200;
	s22 =	sor.u32 $0x440, s1;
	v6 =	vadd.f32 v4, v16;
	v16 =	vadd.f32 v42, v59;
	v4 =	vld [tilespmem:s23+$0xC000]  }
.LBB2_9:
0x202: {  	p2 =	sne.s32 s31, $0x1E00;
	v17 =	vadd.f32 v24, v17;
	v18 =	vadd.f32 v26, v18;
	v24 =	vld [tilespmem:s22+$0xC000];
	s22 =	sor.u32 $0x450, s1  }
0x203: {  	s23 =	sor.u32 $0x440, s16;
	v16 =	vadd.f32 v37, v16;
	v5 =	vadd.f32 v38, v5;
	v26 =	vld [tilespmem:s22+$0xC000]  }
0x204: {  	s22 =	sor.u32 $0x450, s16;
	v17 =	vadd.f32 v39, v17;
	v18 =	vadd.f32 v40, v18;
	v28 =	vld [tilespmem:s23+$0xC000]  }
0x205: {  	v29 =	vld [tilespmem:s22+$0xC000];
	s22 =	sor.u32 $0x460, s16;
	v16 =	vadd.f32 v33, v16;
	v5 =	vadd.f32 v36, v5  }
0x206: {  	s16 =	sor.u32 $0x470, s16;
	v32 =	vld [tilespmem:s22+$0xC000];
	v15 =	vadd.f32 v15, v17;
	v18 =	vadd.f32 v4, v18  }
0x207: {  	v33 =	vld [tilespmem:s16+$0xC000];
	s16 =	sor.u32 $0x460, s1;
	v4 =	vadd.f32 v25, v16;
	v5 =	vadd.f32 v27, v5  }
0x208: {  	s1 =	sor.u32 $0x470, s1;
	v16 =	vld [tilespmem:s16+$0xC000];
	v17 =	vadd.f32 v30, v15;
	v18 =	vadd.f32 v31, v18  }
0x209: {  	v2 =	vadd.f32 v19, v2;
	v3 =	vadd.f32 v21, v3;
	s30 =	sadd.s32 $0x400, s30;
	v15 =	vld [tilespmem:s1+$0xC000];
	s1 =	sor.u32 $0x460, s0  }
0x20a: {  	v0 =	vadd.f32 v20, v0;
	v1 =	vadd.f32 v22, v1;
	s22 =	sand.u32 $0x200, s31;
	s16 =	sand.u32 $0x3800, s30;
	v19 =	vld [tilespmem:s1+$0xC000];
	s1 =	sor.u32 $0x470, s0  }
0x20b: {  	v2 =	vadd.f32 v28, v2;
	s0 =	sor.u32 s22, s16;
	v3 =	vadd.f32 v29, v3;
	v20 =	vld [tilespmem:s1+$0xC000]  }
0x20c: {  	v0 =	vadd.f32 v32, v0;
	v31 =	vld [tilespmem:s0+$0xC180];
	v1 =	vadd.f32 v33, v1  }
0x20d: {  	v2 =	vadd.f32 v24, v2;
	v3 =	vadd.f32 v26, v3;
	v32 =	vld [tilespmem:s0+$0xC190]  }
0x20e: {  	v0 =	vadd.f32 v16, v0;
	v33 =	vld [tilespmem:s0+$0xC1A0];
	v1 =	vadd.f32 v15, v1  }
0x20f: {  	v2 =	vadd.f32 v23, v2;
	v3 =	vadd.f32 v14, v3;
	v34 =	vld [tilespmem:s0+$0xC1B0]  }
0x210: {  	v0 =	vadd.f32 v19, v0;
	v15 =	vld [tilespmem:s0+$0xC1C0];
	v1 =	vadd.f32 v20, v1  }
0x211: {  	v29 =	vld [tilespmem:s0+$0xC1D0]  }
0x212: {  	v16 =	vld [tilespmem:s0+$0xC1E0]  }
0x213: {  	v28 =	vld [tilespmem:s0+$0xC1F0]  }
0x214: {  	v14 =	vld [tilespmem:s0+$0xC100]  }
0x215: {  	v23 =	vld [tilespmem:s0+$0xC110]  }
0x216: {  	v30 =	vld [tilespmem:s0+$0xC120]  }
0x217: {  	v35 =	vld [tilespmem:s0+$0xC130]  }
0x218: {  	v39 =	vld [tilespmem:s0+$0xC140]  }
0x219: {  	v40 =	vld [tilespmem:s0+$0xC150]  }
0x21a: {  	v41 =	vld [tilespmem:s0+$0xC160]  }
0x21b: {  	v42 =	vld [tilespmem:s0+$0xC170]  }
0x21c: {  	v25 =	vld [tilespmem:s0+$0xC080]  }
0x21d: {  	v27 =	vld [tilespmem:s0+$0xC090]  }
0x21e: {  	v36 =	vld [tilespmem:s0+$0xC0A0]  }
0x21f: {  	v37 =	vld [tilespmem:s0+$0xC0B0]  }
0x220: {  	v38 =	vld [tilespmem:s0+$0xC0C0]  }
0x221: {  	v43 =	vld [tilespmem:s0+$0xC0D0]  }
0x222: {  	v44 =	vld [tilespmem:s0+$0xC0E0]  }
0x223: {  	v45 =	vld [tilespmem:s0+$0xC0F0]  }
0x224: {  	v20 =	vld [tilespmem:s0+$0xC000]  }
0x225: {  	v21 =	vld [tilespmem:s0+$0xC010]  }
0x226: {  	v22 =	vld [tilespmem:s0+$0xC020]  }
0x227: {  	p1 =	por !p1, !p1;
	s1 =	simm.s32 $0x1;
	v46 =	vld [tilespmem:s0+$0xC030]  }
0x228: {  	s1 =	simm.s32 @!p1 $0x0;
	v47 =	vld [tilespmem:s0+$0xC040]  }
0x229: {  	s1 =	sshll.u32 s1, $0x9;
	v48 =	vld [tilespmem:s0+$0xC050]  }
0x22a: {  	s16 =	sadd.s32 s1, s30;
	v49 =	vld [tilespmem:s0+$0xC060]  }
0x22b: {  	v50 =	vld [tilespmem:s0+$0xC070];
	s0 =	sor.u32 $0x400, s16  }
0x22c: {  	v51 =	vld [tilespmem:s0+$0xC000];
	s0 =	sor.u32 $0x410, s16  }
0x22d: {  	v52 =	vld [tilespmem:s0+$0xC000];
	s0 =	sor.u32 $0x420, s16  }
0x22e: {  	v24 =	vld [tilespmem:s0+$0xC000];
	s0 =	sor.u32 $0x430, s16  }
0x22f: {  	v26 =	vld [tilespmem:s0+$0xC000];
	s0 =	sor.u32 $0x440, s16  }
0x230: {  	v19 =	vld [tilespmem:s0+$0xC000];
	s0 =	sor.u32 $0x450, s16  }
0x231: {  	v13 =	vadd.f32 v20, v13;
	v11 =	vadd.f32 v21, v11;
	v21 =	vld [tilespmem:s0+$0xC000];
	s0 =	sor.u32 $0x460, s16  }
0x232: {  	s1 =	sor.u32 $0x470, s16;
	v12 =	vadd.f32 v22, v12;
	v9 =	vadd.f32 v46, v9;
	v20 =	vld [tilespmem:s0+$0xC000];
	s0 =	sadd.s32 $0x180, s16  }
0x233: {  	v13 =	vadd.f32 v25, v13;
	v11 =	vadd.f32 v27, v11;
	v22 =	vld [tilespmem:s1+$0xC000];
	s1 =	sor.u32 $0x400, s0  }
0x234: {  	v12 =	vadd.f32 v36, v12;
	v9 =	vadd.f32 v37, v9;
	v25 =	vld [tilespmem:s1+$0xC000];
	s1 =	sor.u32 $0x410, s0  }
0x235: {  	v13 =	vadd.f32 v14, v13;
	v11 =	vadd.f32 v23, v11;
	v27 =	vld [tilespmem:s1+$0xC000];
	s1 =	sor.u32 $0x420, s0  }
0x236: {  	v12 =	vadd.f32 v30, v12;
	v9 =	vadd.f32 v35, v9;
	v30 =	vld [tilespmem:s1+$0xC000];
	s1 =	sor.u32 $0x430, s0  }
0x237: {  	v13 =	vadd.f32 v31, v13;
	v11 =	vadd.f32 v32, v11;
	s22 =	sor.u32 $0x440, s0;
	v31 =	vld [tilespmem:s1+$0xC000]  }
0x238: {  	v12 =	vadd.f32 v33, v12;
	v9 =	vadd.f32 v34, v9;
	s1 =	sadd.s32 $0x100, s16;
	v23 =	vld [tilespmem:s22+$0xC000];
	s22 =	sor.u32 $0x450, s0  }
0x239: {  	v10 =	vadd.f32 v47, v10;
	v8 =	vadd.f32 v48, v8;
	s23 =	sor.u32 $0x400, s1;
	v14 =	vld [tilespmem:s22+$0xC000]  }
0x23a: {  	v7 =	vadd.f32 v49, v7;
	v6 =	vadd.f32 v50, v6;
	s16 =	sadd.s32 $0x80, s16;
	s22 =	sor.u32 $0x410, s1;
	v33 =	vld [tilespmem:s23+$0xC000]  }
0x23b: {  	v10 =	vadd.f32 v38, v10;
	v8 =	vadd.f32 v43, v8;
	s23 =	sor.u32 $0x400, s16;
	v36 =	vld [tilespmem:s22+$0xC000]  }
0x23c: {  	v7 =	vadd.f32 v44, v7;
	v6 =	vadd.f32 v45, v6;
	s22 =	sor.u32 $0x410, s16;
	v37 =	vld [tilespmem:s23+$0xC000]  }
.Ltmp5:
0x23d: {  	v10 =	vadd.f32 v39, v10;
	v8 =	vadd.f32 v40, v8;
	v38 =	vld [tilespmem:s22+$0xC000];
	s22 =	sor.u32 $0x420, s16;
	(pc) =	sbr.rel @p2 .LBB2_9-.Ltmp5, $4  }
0x23e: {  	v7 =	vadd.f32 v41, v7;
	v6 =	vadd.f32 v42, v6;
	v39 =	vld [tilespmem:s22+$0xC000];
	s22 =	sor.u32 $0x430, s16  }
0x23f: {  	v10 =	vadd.f32 v15, v10;
	v8 =	vadd.f32 v29, v8;
	v40 =	vld [tilespmem:s22+$0xC000];
	s22 =	sor.u32 $0x420, s1  }
0x240: {  	v7 =	vadd.f32 v16, v7;
	v6 =	vadd.f32 v28, v6;
	v15 =	vld [tilespmem:s22+$0xC000];
	s22 =	sor.u32 $0x430, s1  }
0x241: {  	s31 =	sadd.s32 $0x200, s31;
	v5 =	vadd.f32 v52, v5;
	v16 =	vadd.f32 v51, v4;
	v4 =	vld [tilespmem:s22+$0xC000];
	s22 =	sor.u32 $0x440, s1  }
0x242: {  	v17 =	vadd.f32 v24, v17;
	v18 =	vadd.f32 v26, v18;
	v56 =	vld [tilespmem:s22+$0xC000];
	s31 =	sor.u32 $0x450, s1  }
0x243: {  	s23 =	sor.u32 $0x440, s16;
	v2 =	vadd.f32 v19, v2;
	v3 =	vadd.f32 v21, v3;
	v57 =	vld [tilespmem:s31+$0xC000]  }
0x244: {  	s30 =	sor.u32 $0x460, s16;
	v0 =	vadd.f32 v20, v0;
	v1 =	vadd.f32 v22, v1;
	v32 =	vld [tilespmem:s23+$0xC000]  }
0x245: {  	v5 =	vadd.f32 v38, v5;
	s23 =	sor.u32 $0x450, s16;
	v58 =	vld [tilespmem:s30+$0xC000];
	v17 =	vadd.f32 v39, v17  }
0x246: {  	v16 =	vadd.f32 v37, v16;
	s31 =	sor.u32 $0x470, s16;
	v18 =	vadd.f32 v40, v18;
	v34 =	vld [tilespmem:s23+$0xC000]  }
0x247: {  	s22 =	sor.u32 $0x460, s1;
	v59 =	vld [tilespmem:s31+$0xC000];
	v5 =	vadd.f32 v36, v5;
	v15 =	vadd.f32 v15, v17  }
0x248: {  	v60 =	vld [tilespmem:s22+$0xC000];
	s23 =	sor.u32 $0x470, s1;
	v16 =	vadd.f32 v33, v16;
	v4 =	vadd.f32 v4, v18  }
0x249: {  	s30 =	sor.u32 $0x460, s0;
	v28 =	vadd.f32 v27, v5;
	v5 =	vadd.f32 v30, v15;
	v15 =	vld [tilespmem:s23+$0xC000]  }
0x24a: {  	v61 =	vld [tilespmem:s30+$0xC000];
	s31 =	sor.u32 $0x470, s0;
	v29 =	vadd.f32 v25, v16;
	v4 =	vadd.f32 v31, v4  }
0x24b: {  	v62 =	vld [tilespmem:s31+$0xC000];
	v2 =	vadd.f32 v32, v2;
	v3 =	vadd.f32 v34, v3  }
.Ltmp6:
0x24c: {  	v0 =	vadd.f32 v58, v0;
	v1 =	vadd.f32 v59, v1;
	(pc) =	sbr.rel @p0 .LBB2_12-.Ltmp6, $4  }
0x24d: {  	v2 =	vadd.f32 v56, v2;
	v63 =	vadd.f32 v57, v3  }
0x24e: {  	v0 =	vadd.f32 v60, v0;
	v15 =	vadd.f32 v15, v1  }
0x24f: {  	v3 =	vadd.f32 v23, v2;
	v2 =	vadd.f32 v14, v63  }
0x250: {  	v1 =	vadd.f32 v61, v0;
	v0 =	vadd.f32 v62, v15  }
.Ltmp7:
0x251: {  	(pc) =	sbr.rel .LBB2_2-.Ltmp7, $4  }
0x252: {  	s0 =	sadd.s32 s29, s11  }
0x253: {  	s0 =	sshrl.u32 s0, $0x3  }
0x254: {  	s28 =	sadd.s32 $0x1, s28;
	s0 =	sadd.s32 s2, s0  }
0x255: {  	[tilespmem:s17], [sflag:$0x4] =	stream.strided.gather [hbm4b:s0+s14], $0x4000, s15, s14, $0x38;
	[tilespmem:$0x10100] =	vst v63  }
.LBB2_13:
0x256: {  	_ =	sfence.sel $0x180000  }
0x257: {  	[bflag:$0x0] =	sbarrier.arrive $0xFFFF  }
0x258: {  	_ =	strace $0x90000047  }
0x259: {  	s0 =	stileid.u32;
	[bflag:$0x2] =	sbarrier.arrive $0xFFFF  }
0x25a: {  	p0 =	sne.s32 s0, $0x0;
	s0 =	rddreg [dreg:$0x2]  }
0x25b: {  	s0 =	sadd.s32 @!p0 $0x100000, s0  }
0x25c: {  	[sflag:s0] =	ssyncadd.tile.s32 @!p0 $0x1;
	_ =	shalt  }
.Lfunc_end2:
_tile_overlayer_lowered:
.L_overlay_start_2:
0x25d: {  	(tag) =	ssettag $0x2  }
0x25e: {  	s0 =	rddreg [dreg:$0x0];
	s2 =	stileid.u32  }
0x25f: {  	s1 =	rddreg [dreg:$0x1];
	p0 =	sne.s32 s2, $0x0  }
0x260: {  	s3 =	rddreg [dreg:$0x2];
	[bflag:$0x3] =	sbarrier.arrive $0xFFFF;
	s2 =	simm.s32 @!p0 $0x1C05  }
0x261: {  	[timem:s3], [sflag:s2] =	dma.local @!p0 [hbm:s0], s1  }
0x262: {  	s0 =	simm.s32 @!p0 $0x5  }
0x263: {  	_ =	swait.ge @!p0 [sflag:s0], s1  }
0x264: {  	s1 =	ssub.s32 @!p0 $0x0, s1;
	[sflag:s0] =	ssyncset.done @!p0 $0x0  }
0x265: {  	[sflag:s0] =	ssyncadd.s32 @!p0 s1  }
0x266: {  	[bflag:$0x3] =	sbarrier.arrive $0xFFFF  }
0x267: {  	_ =	shalt  }

</sc_bundles>
